<compile_context>
chip_gen: v7x
topology: tpu7x:2x2x1
jax: 0.10.2.dev20260603
libtpu: 0.0.44.dev20260713+nightly
codegen_flags: <defaults>
</compile_context>

<pallas_src>
import functools

import jax
import jax.numpy as jnp
from jax import lax
from jax.experimental import pallas as pl
from jax.experimental.pallas import tpu as pltpu
from jax.experimental.pallas import tpu_sc as plsc

N_IN = 4096
N_OUT = 4096
NNZ = 16777
BATCH = 1024

LANES = 16
NUM_CORES = 2
NUM_SUBCORES = 16
NUM_WORKERS = NUM_CORES * NUM_SUBCORES

SPACING = 7
BLOCK = LANES * SPACING
E_PAD = ((NNZ + BLOCK - 1) // BLOCK) * BLOCK

ROWS_PER_WORKER = BATCH // NUM_WORKERS
R = 4
PASSES = ROWS_PER_WORKER // R

SRC_MASK = 4095


def _sc_body(x_hbm, ew_hbm, bias_hbm, out_hbm,
             xbuf0, xbuf1, outbuf0, outbuf1, ewv, biasv,
             semx0, semx1, semo0, semo1, seme, semb):
    wid = lax.axis_index("s") * NUM_CORES + lax.axis_index("c")

    xb = [xbuf0, xbuf1]
    ob = [outbuf0, outbuf1]
    sx = [semx0, semx1]
    so = [semo0, semo1]

    ew_cp = pltpu.async_copy(ew_hbm, ewv, seme)
    bias_cp = pltpu.async_copy(bias_hbm, biasv, semb)

    def xbase(p):
        return (wid * ROWS_PER_WORKER + p * R) * N_IN

    x_cp = {0: pltpu.async_copy(
        x_hbm.at[pl.ds(xbase(0), R * N_IN)], xb[0], sx[0])}
    o_cp = {}

    ew_cp.wait()
    bias_cp.wait()

    for p in range(PASSES):
        b = p % 2
        x_cp[p].wait()
        if p + 1 < PASSES:
            x_cp[p + 1] = pltpu.async_copy(
                x_hbm.at[pl.ds(xbase(p + 1), R * N_IN)], xb[1 - b], sx[1 - b])
        if p >= 2:
            o_cp[p - 2].wait()

        outbuf = ob[b]
        xbuf = xb[b]

        @plsc.parallel_loop(0, N_OUT, step=LANES, unroll=4)
        def _init(off):
            off = pl.multiple_of(off, LANES)
            b16 = biasv[pl.ds(off, LANES)]
            for r in range(R):
                outbuf[pl.ds(off + r * N_OUT, LANES)] = b16

        @plsc.parallel_loop(0, E_PAD, step=LANES, unroll=2)
        def _edges(off):
            off = pl.multiple_of(off, LANES)
            e16 = ewv[pl.ds(off, LANES)]
            w16 = plsc.bitcast(ewv[pl.ds(off + E_PAD, LANES)], jnp.float32)
            s16 = e16 & SRC_MASK
            d16 = lax.shift_right_logical(e16, 12)
            for r in range(R):
                vals = plsc.load_gather(xbuf, [s16 + (r * N_IN)]) * w16
                plsc.addupdate_scatter(outbuf, [d16 + (r * N_OUT)], vals)

        o_cp[p] = pltpu.async_copy(
            outbuf, out_hbm.at[pl.ds(xbase(p), R * N_OUT)], so[b])

    o_cp[PASSES - 2].wait()
    o_cp[PASSES - 1].wait()


_sc_kernel = functools.partial(
    pl.kernel,
    out_type=jax.ShapeDtypeStruct((BATCH * N_OUT,), jnp.float32),
    mesh=plsc.VectorSubcoreMesh(
        core_axis_name="c", subcore_axis_name="s",
        num_cores=NUM_CORES, num_subcores=NUM_SUBCORES),
    compiler_params=pltpu.CompilerParams(needs_layout_passes=False),
    scratch_types=[
        pltpu.VMEM((R * N_IN,), jnp.float32),
        pltpu.VMEM((R * N_IN,), jnp.float32),
        pltpu.VMEM((R * N_OUT,), jnp.float32),
        pltpu.VMEM((R * N_OUT,), jnp.float32),
        pltpu.VMEM((2 * E_PAD,), jnp.int32),
        pltpu.VMEM((N_OUT,), jnp.float32),
        pltpu.SemaphoreType.DMA,
        pltpu.SemaphoreType.DMA,
        pltpu.SemaphoreType.DMA,
        pltpu.SemaphoreType.DMA,
        pltpu.SemaphoreType.DMA,
        pltpu.SemaphoreType.DMA,
    ],
)(_sc_body)


def _interleave(a):
    return a.reshape(-1, LANES, SPACING).transpose(0, 2, 1).reshape(-1)


@jax.jit
def kernel(x, w_flat, bias, src_idx, dst_idx):
    pad = E_PAD - NNZ
    src = src_idx.astype(jnp.int32)
    dst = dst_idx.astype(jnp.int32)
    packed = jnp.concatenate(
        [(dst << 12) | src, jnp.zeros((pad,), jnp.int32)])
    wbits = jnp.concatenate(
        [lax.bitcast_convert_type(w_flat, jnp.int32),
         jnp.zeros((pad,), jnp.int32)])
    ew = jnp.concatenate([_interleave(packed), _interleave(wbits)])
    out = _sc_kernel(x.reshape(-1), ew, bias)
    return out.reshape(BATCH, N_OUT)

# --- scband reference (transcript-rebuilt; emitter-appended) ---
"""Pipeline reference for scband-sprase-layer-with-connection-86509231276657 (READ-ONLY COPY).

The authoritative reference and input builder live on the scoring server;
editing this copy changes nothing except your own understanding.
"""

import jax, jax.numpy as jnp
import numpy as np

N_IN = 4096
N_OUT = 4096
NNZ = 16777
BATCH = 1024


def setup_inputs(seed: int = 0) -> dict:
    key = jax.random.key(seed)
    kx, kw = jax.random.split(key, 2)
    # Deterministically construct the sparse connectivity map `mapp` (n_inputs x n_outputs)
    rng = np.random.default_rng(0)
    flat = rng.choice(N_IN * N_OUT, size=NNZ, replace=False)
    src = (flat // N_OUT).astype(np.int64)  # input index of each connection
    dst = (flat % N_OUT).astype(np.int64)   # output index of each connection
    # The keras layer iterates columns of mapp.T (i.e. per-output), so order edges by dst
    order = np.argsort(dst, kind="stable")
    src = src[order]
    dst = dst[order]
    x = jax.random.normal(kx, (BATCH, N_IN), dtype=jnp.float32)
    # glorot_uniform per-edge kernel weights (flattened concatenation of per-output kernels)
    limit = float(np.sqrt(6.0 / (N_IN + N_OUT)))
    w_flat = jax.random.uniform(kw, (NNZ,), minval=-limit, maxval=limit, dtype=jnp.float32)
    bias = jnp.zeros((N_OUT,), dtype=jnp.float32)
    return {
        "x": x,
        "w_flat": w_flat,
        "bias": bias,
        "src_idx": jnp.asarray(src, dtype=jnp.int64),
        "dst_idx": jnp.asarray(dst, dtype=jnp.int64),
    }


def reference(x, w_flat, bias, src_idx, dst_idx):
    # Faithful to SpraseLayerWithConnection.call:
    # for each output j: y[:, j] = x[:, edges[j]] @ kernel[j] + bias[j]
    # Vectorized as gather over edge source indices, per-edge weight multiply,
    # then scatter-add (segment_sum) into output units.
    contrib = jnp.take(x, src_idx, axis=1) * w_flat[None, :]  # [B, NNZ]
    out = jax.ops.segment_sum(contrib.T, dst_idx, num_segments=N_OUT).T  # [B, N_OUT]
    out = out + bias[None, :]  # K.bias_add per output unit
    # activation is None in this configuration
    return out

if __name__ == "__main__":
    import jax
    _d = setup_inputs()
    print(jax.jit(kernel)(*tuple(_d.values())))

</pallas_src>

<mosaic_0001>
#map = affine_map<(d0, d1) -> (0)>
module attributes {stable_mosaic.version = 14 : i64} {
  func.func @_sc_body(%arg0: i32, %arg1: i32, %arg2: memref<4194304xf32, #tpu.memory_space<hbm>>, %arg3: memref<33600xi32, #tpu.memory_space<hbm>>, %arg4: memref<4096xf32, #tpu.memory_space<hbm>>, %arg5: memref<4194304xf32, #tpu.memory_space<hbm>>, %arg6: memref<16384xf32, #tpu.memory_space<vmem>>, %arg7: memref<16384xf32, #tpu.memory_space<vmem>>, %arg8: memref<16384xf32, #tpu.memory_space<vmem>>, %arg9: memref<16384xf32, #tpu.memory_space<vmem>>, %arg10: memref<33600xi32, #tpu.memory_space<vmem>>, %arg11: memref<4096xf32, #tpu.memory_space<vmem>>, %arg12: memref<!tpu.dma_semaphore, #tpu.memory_space<semaphore_mem>>, %arg13: memref<!tpu.dma_semaphore, #tpu.memory_space<semaphore_mem>>, %arg14: memref<!tpu.dma_semaphore, #tpu.memory_space<semaphore_mem>>, %arg15: memref<!tpu.dma_semaphore, #tpu.memory_space<semaphore_mem>>, %arg16: memref<!tpu.dma_semaphore, #tpu.memory_space<semaphore_mem>>, %arg17: memref<!tpu.dma_semaphore, #tpu.memory_space<semaphore_mem>>) attributes {dimension_semantics = [#tpu.dimension_semantics<core_parallel>, #tpu.dimension_semantics<subcore_parallel>], iteration_bounds = array<i64: 2, 16>, scalar_prefetch = 0 : i64, scratch_operands = 12 : i64, tpu.core_type = #tpu.core_type<sc_vector_subcore>, window_params = [{transform_indices = #map}, {transform_indices = #map}, {transform_indices = #map}, {transform_indices = #map}]} {
    %mul3A = arith.constant 2 : i32
    %mul3A_0 = arith.muli %arg1, %mul3A : i32
    %add3A = arith.addi %mul3A_0, %arg0 : i32
    tpu.enqueue_dma source(%arg3 : memref<33600xi32, #tpu.memory_space<hbm>>) target(%arg10 : memref<33600xi32, #tpu.memory_space<vmem>>) target_semaphore(%arg16 : memref<!tpu.dma_semaphore, #tpu.memory_space<semaphore_mem>>)
    tpu.enqueue_dma source(%arg4 : memref<4096xf32, #tpu.memory_space<hbm>>) target(%arg11 : memref<4096xf32, #tpu.memory_space<vmem>>) target_semaphore(%arg17 : memref<!tpu.dma_semaphore, #tpu.memory_space<semaphore_mem>>)
    %mul3A_1 = arith.constant 32 : i32
    %mul3A_2 = arith.muli %add3A, %mul3A_1 : i32
    %add3A_3 = arith.constant 0 : i32
    %add3A_4 = arith.addi %mul3A_2, %add3A_3 : i32
    %mul3A_5 = arith.constant 4096 : i32
    %mul3A_6 = arith.muli %add3A_4, %mul3A_5 : i32
    %dma_start3A = tpu.memref_slice %arg2[%mul3A_6] : memref<4194304xf32, #tpu.memory_space<hbm>> -> memref<16384xf32, #tpu.memory_space<hbm>>
    %dma_start3A_7 = tpu.memref_slice %arg2[%mul3A_6] : memref<4194304xf32, #tpu.memory_space<hbm>> -> memref<16384xf32, #tpu.memory_space<hbm>>
    tpu.enqueue_dma source(%dma_start3A_7 : memref<16384xf32, #tpu.memory_space<hbm>>) target(%arg6 : memref<16384xf32, #tpu.memory_space<vmem>>) target_semaphore(%arg12 : memref<!tpu.dma_semaphore, #tpu.memory_space<semaphore_mem>>)
    tpu.wait_dma2 semaphore(%arg16 : memref<!tpu.dma_semaphore, #tpu.memory_space<semaphore_mem>>) src(%arg3 : memref<33600xi32, #tpu.memory_space<hbm>>) dst(%arg10 : memref<33600xi32, #tpu.memory_space<vmem>>)
    tpu.wait_dma2 semaphore(%arg17 : memref<!tpu.dma_semaphore, #tpu.memory_space<semaphore_mem>>) src(%arg4 : memref<4096xf32, #tpu.memory_space<hbm>>) dst(%arg11 : memref<4096xf32, #tpu.memory_space<vmem>>)
    %dma_wait3A = tpu.memref_slice %arg2[%mul3A_6] : memref<4194304xf32, #tpu.memory_space<hbm>> -> memref<16384xf32, #tpu.memory_space<hbm>>
    %dma_wait3A_8 = tpu.memref_slice %arg2[%mul3A_6] : memref<4194304xf32, #tpu.memory_space<hbm>> -> memref<16384xf32, #tpu.memory_space<hbm>>
    tpu.wait_dma2 semaphore(%arg12 : memref<!tpu.dma_semaphore, #tpu.memory_space<semaphore_mem>>) src(%dma_wait3A_8 : memref<16384xf32, #tpu.memory_space<hbm>>) dst(%arg6 : memref<16384xf32, #tpu.memory_space<vmem>>)
    %mul3A_9 = arith.constant 32 : i32
    %mul3A_10 = arith.muli %add3A, %mul3A_9 : i32
    %add3A_11 = arith.constant 4 : i32
    %add3A_12 = arith.addi %mul3A_10, %add3A_11 : i32
    %mul3A_13 = arith.constant 4096 : i32
    %mul3A_14 = arith.muli %add3A_12, %mul3A_13 : i32
    %dma_start3A_15 = tpu.memref_slice %arg2[%mul3A_14] : memref<4194304xf32, #tpu.memory_space<hbm>> -> memref<16384xf32, #tpu.memory_space<hbm>>
    %dma_start3A_16 = tpu.memref_slice %arg2[%mul3A_14] : memref<4194304xf32, #tpu.memory_space<hbm>> -> memref<16384xf32, #tpu.memory_space<hbm>>
    tpu.enqueue_dma source(%dma_start3A_16 : memref<16384xf32, #tpu.memory_space<hbm>>) target(%arg7 : memref<16384xf32, #tpu.memory_space<vmem>>) target_semaphore(%arg13 : memref<!tpu.dma_semaphore, #tpu.memory_space<semaphore_mem>>)
    %parallel_loop3A = arith.constant 0 : i32
    %parallel_loop3A_17 = arith.constant 4096 : i32
    %parallel_loop3A_18 = arith.constant 16 : i32
    scf.for %parallel_loop3A_206 = %parallel_loop3A to %parallel_loop3A_17 step %parallel_loop3A_18  : i32 {
      %parallel_loop3A_207 = tpu.assume_multiple %parallel_loop3A_206, 16 : i32
      %parallel_loop3A_208 = arith.index_cast %parallel_loop3A_207 : i32 to index
      %parallel_loop3A_209 = tpu.vector_load %arg11[%parallel_loop3A_208] {strides = array<i32>} : memref<4096xf32, #tpu.memory_space<vmem>>, vector<16xf32>,
      %parallel_loop3A_210 = arith.constant 0 : i32
      %parallel_loop3A_211 = arith.addi %parallel_loop3A_207, %parallel_loop3A_210 : i32
      %parallel_loop3A_212 = arith.index_cast %parallel_loop3A_211 : i32 to index
      %parallel_loop3A_213 = tpu.vector_load %arg8[%parallel_loop3A_212] {strides = array<i32>} : memref<16384xf32, #tpu.memory_space<vmem>>, vector<16xf32>,
      tpu.vector_store %arg8[%parallel_loop3A_212], %parallel_loop3A_209 {strides = array<i32>} : memref<16384xf32, #tpu.memory_space<vmem>>, vector<16xf32>,
      %parallel_loop3A_214 = arith.constant 4096 : i32
      %parallel_loop3A_215 = arith.addi %parallel_loop3A_207, %parallel_loop3A_214 : i32
      %parallel_loop3A_216 = arith.index_cast %parallel_loop3A_215 : i32 to index
      %parallel_loop3A_217 = tpu.vector_load %arg8[%parallel_loop3A_216] {strides = array<i32>} : memref<16384xf32, #tpu.memory_space<vmem>>, vector<16xf32>,
      tpu.vector_store %arg8[%parallel_loop3A_216], %parallel_loop3A_209 {strides = array<i32>} : memref<16384xf32, #tpu.memory_space<vmem>>, vector<16xf32>,
      %parallel_loop3A_218 = arith.constant 8192 : i32
      %parallel_loop3A_219 = arith.addi %parallel_loop3A_207, %parallel_loop3A_218 : i32
      %parallel_loop3A_220 = arith.index_cast %parallel_loop3A_219 : i32 to index
      %parallel_loop3A_221 = tpu.vector_load %arg8[%parallel_loop3A_220] {strides = array<i32>} : memref<16384xf32, #tpu.memory_space<vmem>>, vector<16xf32>,
      tpu.vector_store %arg8[%parallel_loop3A_220], %parallel_loop3A_209 {strides = array<i32>} : memref<16384xf32, #tpu.memory_space<vmem>>, vector<16xf32>,
      %parallel_loop3A_222 = arith.constant 12288 : i32
      %parallel_loop3A_223 = arith.addi %parallel_loop3A_207, %parallel_loop3A_222 : i32
      %parallel_loop3A_224 = arith.index_cast %parallel_loop3A_223 : i32 to index
      %parallel_loop3A_225 = tpu.vector_load %arg8[%parallel_loop3A_224] {strides = array<i32>} : memref<16384xf32, #tpu.memory_space<vmem>>, vector<16xf32>,
      tpu.vector_store %arg8[%parallel_loop3A_224], %parallel_loop3A_209 {strides = array<i32>} : memref<16384xf32, #tpu.memory_space<vmem>>, vector<16xf32>,
    } {sc.loop_unroll_factor = 4 : i64, sc.parallel_access}
    %parallel_loop3A_19 = arith.constant 0 : i32
    %parallel_loop3A_20 = arith.constant 16800 : i32
    %parallel_loop3A_21 = arith.constant 16 : i32
    scf.for %parallel_loop3A_206 = %parallel_loop3A_19 to %parallel_loop3A_20 step %parallel_loop3A_21  : i32 {
      %parallel_loop3A_207 = tpu.assume_multiple %parallel_loop3A_206, 16 : i32
      %parallel_loop3A_208 = arith.index_cast %parallel_loop3A_207 : i32 to index
      %parallel_loop3A_209 = tpu.vector_load %arg10[%parallel_loop3A_208] {strides = array<i32>} : memref<33600xi32, #tpu.memory_space<vmem>>, vector<16xi32>,
      %parallel_loop3A_210 = arith.constant 16800 : i32
      %parallel_loop3A_211 = arith.addi %parallel_loop3A_207, %parallel_loop3A_210 : i32
      %parallel_loop3A_212 = arith.index_cast %parallel_loop3A_211 : i32 to index
      %parallel_loop3A_213 = tpu.vector_load %arg10[%parallel_loop3A_212] {strides = array<i32>} : memref<33600xi32, #tpu.memory_space<vmem>>, vector<16xi32>,
      %parallel_loop3A_214 = vector.bitcast %parallel_loop3A_213 : vector<16xi32> to vector<16xf32>
      %parallel_loop3A_215 = arith.constant 4095 : i32
      %parallel_loop3A_216 = vector.broadcast %parallel_loop3A_215 : i32 to vector<16xi32>
      %parallel_loop3A_217 = arith.andi %parallel_loop3A_209, %parallel_loop3A_216 : vector<16xi32>
      %parallel_loop3A_218 = arith.constant 12 : i32
      %parallel_loop3A_219 = vector.broadcast %parallel_loop3A_218 : i32 to vector<16xi32>
      %parallel_loop3A_220 = arith.shrui %parallel_loop3A_209, %parallel_loop3A_219 : vector<16xi32>
      %parallel_loop3A_221 = arith.constant 0 : i32
      %parallel_loop3A_222 = vector.broadcast %parallel_loop3A_221 : i32 to vector<16xi32>
      %parallel_loop3A_223 = arith.addi %parallel_loop3A_217, %parallel_loop3A_222 : vector<16xi32>
      %parallel_loop3A_224 = tpu.vector_load_idx %arg6[%parallel_loop3A_223] : memref<16384xf32, #tpu.memory_space<vmem>>[vector<16xi32>], vector<16xf32>,
      %parallel_loop3A_225 = arith.mulf %parallel_loop3A_224, %parallel_loop3A_214 : vector<16xf32>
      %parallel_loop3A_226 = arith.constant 0 : i32
      %parallel_loop3A_227 = vector.broadcast %parallel_loop3A_226 : i32 to vector<16xi32>
      %parallel_loop3A_228 = arith.addi %parallel_loop3A_220, %parallel_loop3A_227 : vector<16xi32>
      tpu.vector_store_idx %arg8[%parallel_loop3A_228], %parallel_loop3A_225 {add = true} : memref<16384xf32, #tpu.memory_space<vmem>>[vector<16xi32>], vector<16xf32>,
      %parallel_loop3A_229 = arith.constant 4096 : i32
      %parallel_loop3A_230 = vector.broadcast %parallel_loop3A_229 : i32 to vector<16xi32>
      %parallel_loop3A_231 = arith.addi %parallel_loop3A_217, %parallel_loop3A_230 : vector<16xi32>
      %parallel_loop3A_232 = tpu.vector_load_idx %arg6[%parallel_loop3A_231] : memref<16384xf32, #tpu.memory_space<vmem>>[vector<16xi32>], vector<16xf32>,
      %parallel_loop3A_233 = arith.mulf %parallel_loop3A_232, %parallel_loop3A_214 : vector<16xf32>
      %parallel_loop3A_234 = arith.constant 4096 : i32
      %parallel_loop3A_235 = vector.broadcast %parallel_loop3A_234 : i32 to vector<16xi32>
      %parallel_loop3A_236 = arith.addi %parallel_loop3A_220, %parallel_loop3A_235 : vector<16xi32>
      tpu.vector_store_idx %arg8[%parallel_loop3A_236], %parallel_loop3A_233 {add = true} : memref<16384xf32, #tpu.memory_space<vmem>>[vector<16xi32>], vector<16xf32>,
      %parallel_loop3A_237 = arith.constant 8192 : i32
      %parallel_loop3A_238 = vector.broadcast %parallel_loop3A_237 : i32 to vector<16xi32>
      %parallel_loop3A_239 = arith.addi %parallel_loop3A_217, %parallel_loop3A_238 : vector<16xi32>
      %parallel_loop3A_240 = tpu.vector_load_idx %arg6[%parallel_loop3A_239] : memref<16384xf32, #tpu.memory_space<vmem>>[vector<16xi32>], vector<16xf32>,
      %parallel_loop3A_241 = arith.mulf %parallel_loop3A_240, %parallel_loop3A_214 : vector<16xf32>
      %parallel_loop3A_242 = arith.constant 8192 : i32
      %parallel_loop3A_243 = vector.broadcast %parallel_loop3A_242 : i32 to vector<16xi32>
      %parallel_loop3A_244 = arith.addi %parallel_loop3A_220, %parallel_loop3A_243 : vector<16xi32>
      tpu.vector_store_idx %arg8[%parallel_loop3A_244], %parallel_loop3A_241 {add = true} : memref<16384xf32, #tpu.memory_space<vmem>>[vector<16xi32>], vector<16xf32>,
      %parallel_loop3A_245 = arith.constant 12288 : i32
      %parallel_loop3A_246 = vector.broadcast %parallel_loop3A_245 : i32 to vector<16xi32>
      %parallel_loop3A_247 = arith.addi %parallel_loop3A_217, %parallel_loop3A_246 : vector<16xi32>
      %parallel_loop3A_248 = tpu.vector_load_idx %arg6[%parallel_loop3A_247] : memref<16384xf32, #tpu.memory_space<vmem>>[vector<16xi32>], vector<16xf32>,
      %parallel_loop3A_249 = arith.mulf %parallel_loop3A_248, %parallel_loop3A_214 : vector<16xf32>
      %parallel_loop3A_250 = arith.constant 12288 : i32
      %parallel_loop3A_251 = vector.broadcast %parallel_loop3A_250 : i32 to vector<16xi32>
      %parallel_loop3A_252 = arith.addi %parallel_loop3A_220, %parallel_loop3A_251 : vector<16xi32>
      tpu.vector_store_idx %arg8[%parallel_loop3A_252], %parallel_loop3A_249 {add = true} : memref<16384xf32, #tpu.memory_space<vmem>>[vector<16xi32>], vector<16xf32>,
    } {sc.loop_unroll_factor = 2 : i64, sc.parallel_access}
    %mul3A_22 = arith.constant 32 : i32
    %mul3A_23 = arith.muli %add3A, %mul3A_22 : i32
    %add3A_24 = arith.constant 0 : i32
    %add3A_25 = arith.addi %mul3A_23, %add3A_24 : i32
    %mul3A_26 = arith.constant 4096 : i32
    %mul3A_27 = arith.muli %add3A_25, %mul3A_26 : i32
    %dma_start3A_28 = tpu.memref_slice %arg5[%mul3A_27] : memref<4194304xf32, #tpu.memory_space<hbm>> -> memref<16384xf32, #tpu.memory_space<hbm>>
    %dma_start3A_29 = tpu.memref_slice %arg5[%mul3A_27] : memref<4194304xf32, #tpu.memory_space<hbm>> -> memref<16384xf32, #tpu.memory_space<hbm>>
    tpu.enqueue_dma source(%arg8 : memref<16384xf32, #tpu.memory_space<vmem>>) target(%dma_start3A_29 : memref<16384xf32, #tpu.memory_space<hbm>>) target_semaphore(%arg14 : memref<!tpu.dma_semaphore, #tpu.memory_space<semaphore_mem>>)
    %dma_wait3A_30 = tpu.memref_slice %arg2[%mul3A_14] : memref<4194304xf32, #tpu.memory_space<hbm>> -> memref<16384xf32, #tpu.memory_space<hbm>>
    %dma_wait3A_31 = tpu.memref_slice %arg2[%mul3A_14] : memref<4194304xf32, #tpu.memory_space<hbm>> -> memref<16384xf32, #tpu.memory_space<hbm>>
    tpu.wait_dma2 semaphore(%arg13 : memref<!tpu.dma_semaphore, #tpu.memory_space<semaphore_mem>>) src(%dma_wait3A_31 : memref<16384xf32, #tpu.memory_space<hbm>>) dst(%arg7 : memref<16384xf32, #tpu.memory_space<vmem>>)
    %mul3A_32 = arith.constant 32 : i32
    %mul3A_33 = arith.muli %add3A, %mul3A_32 : i32
    %add3A_34 = arith.constant 8 : i32
    %add3A_35 = arith.addi %mul3A_33, %add3A_34 : i32
    %mul3A_36 = arith.constant 4096 : i32
    %mul3A_37 = arith.muli %add3A_35, %mul3A_36 : i32
    %dma_start3A_38 = tpu.memref_slice %arg2[%mul3A_37] : memref<4194304xf32, #tpu.memory_space<hbm>> -> memref<16384xf32, #tpu.memory_space<hbm>>
    %dma_start3A_39 = tpu.memref_slice %arg2[%mul3A_37] : memref<4194304xf32, #tpu.memory_space<hbm>> -> memref<16384xf32, #tpu.memory_space<hbm>>
    tpu.enqueue_dma source(%dma_start3A_39 : memref<16384xf32, #tpu.memory_space<hbm>>) target(%arg6 : memref<16384xf32, #tpu.memory_space<vmem>>) target_semaphore(%arg12 : memref<!tpu.dma_semaphore, #tpu.memory_space<semaphore_mem>>)
    %parallel_loop3A_40 = arith.constant 0 : i32
    %parallel_loop3A_41 = arith.constant 4096 : i32
    %parallel_loop3A_42 = arith.constant 16 : i32
    scf.for %parallel_loop3A_206 = %parallel_loop3A_40 to %parallel_loop3A_41 step %parallel_loop3A_42  : i32 {
      %parallel_loop3A_207 = tpu.assume_multiple %parallel_loop3A_206, 16 : i32
      %parallel_loop3A_208 = arith.index_cast %parallel_loop3A_207 : i32 to index
      %parallel_loop3A_209 = tpu.vector_load %arg11[%parallel_loop3A_208] {strides = array<i32>} : memref<4096xf32, #tpu.memory_space<vmem>>, vector<16xf32>,
      %parallel_loop3A_210 = arith.constant 0 : i32
      %parallel_loop3A_211 = arith.addi %parallel_loop3A_207, %parallel_loop3A_210 : i32
      %parallel_loop3A_212 = arith.index_cast %parallel_loop3A_211 : i32 to index
      %parallel_loop3A_213 = tpu.vector_load %arg9[%parallel_loop3A_212] {strides = array<i32>} : memref<16384xf32, #tpu.memory_space<vmem>>, vector<16xf32>,
      tpu.vector_store %arg9[%parallel_loop3A_212], %parallel_loop3A_209 {strides = array<i32>} : memref<16384xf32, #tpu.memory_space<vmem>>, vector<16xf32>,
      %parallel_loop3A_214 = arith.constant 4096 : i32
      %parallel_loop3A_215 = arith.addi %parallel_loop3A_207, %parallel_loop3A_214 : i32
      %parallel_loop3A_216 = arith.index_cast %parallel_loop3A_215 : i32 to index
      %parallel_loop3A_217 = tpu.vector_load %arg9[%parallel_loop3A_216] {strides = array<i32>} : memref<16384xf32, #tpu.memory_space<vmem>>, vector<16xf32>,
      tpu.vector_store %arg9[%parallel_loop3A_216], %parallel_loop3A_209 {strides = array<i32>} : memref<16384xf32, #tpu.memory_space<vmem>>, vector<16xf32>,
      %parallel_loop3A_218 = arith.constant 8192 : i32
      %parallel_loop3A_219 = arith.addi %parallel_loop3A_207, %parallel_loop3A_218 : i32
      %parallel_loop3A_220 = arith.index_cast %parallel_loop3A_219 : i32 to index
      %parallel_loop3A_221 = tpu.vector_load %arg9[%parallel_loop3A_220] {strides = array<i32>} : memref<16384xf32, #tpu.memory_space<vmem>>, vector<16xf32>,
      tpu.vector_store %arg9[%parallel_loop3A_220], %parallel_loop3A_209 {strides = array<i32>} : memref<16384xf32, #tpu.memory_space<vmem>>, vector<16xf32>,
      %parallel_loop3A_222 = arith.constant 12288 : i32
      %parallel_loop3A_223 = arith.addi %parallel_loop3A_207, %parallel_loop3A_222 : i32
      %parallel_loop3A_224 = arith.index_cast %parallel_loop3A_223 : i32 to index
      %parallel_loop3A_225 = tpu.vector_load %arg9[%parallel_loop3A_224] {strides = array<i32>} : memref<16384xf32, #tpu.memory_space<vmem>>, vector<16xf32>,
      tpu.vector_store %arg9[%parallel_loop3A_224], %parallel_loop3A_209 {strides = array<i32>} : memref<16384xf32, #tpu.memory_space<vmem>>, vector<16xf32>,
    } {sc.loop_unroll_factor = 4 : i64, sc.parallel_access}
    %parallel_loop3A_43 = arith.constant 0 : i32
    %parallel_loop3A_44 = arith.constant 16800 : i32
    %parallel_loop3A_45 = arith.constant 16 : i32
    scf.for %parallel_loop3A_206 = %parallel_loop3A_43 to %parallel_loop3A_44 step %parallel_loop3A_45  : i32 {
      %parallel_loop3A_207 = tpu.assume_multiple %parallel_loop3A_206, 16 : i32
      %parallel_loop3A_208 = arith.index_cast %parallel_loop3A_207 : i32 to index
      %parallel_loop3A_209 = tpu.vector_load %arg10[%parallel_loop3A_208] {strides = array<i32>} : memref<33600xi32, #tpu.memory_space<vmem>>, vector<16xi32>,
      %parallel_loop3A_210 = arith.constant 16800 : i32
      %parallel_loop3A_211 = arith.addi %parallel_loop3A_207, %parallel_loop3A_210 : i32
      %parallel_loop3A_212 = arith.index_cast %parallel_loop3A_211 : i32 to index
      %parallel_loop3A_213 = tpu.vector_load %arg10[%parallel_loop3A_212] {strides = array<i32>} : memref<33600xi32, #tpu.memory_space<vmem>>, vector<16xi32>,
      %parallel_loop3A_214 = vector.bitcast %parallel_loop3A_213 : vector<16xi32> to vector<16xf32>
      %parallel_loop3A_215 = arith.constant 4095 : i32
      %parallel_loop3A_216 = vector.broadcast %parallel_loop3A_215 : i32 to vector<16xi32>
      %parallel_loop3A_217 = arith.andi %parallel_loop3A_209, %parallel_loop3A_216 : vector<16xi32>
      %parallel_loop3A_218 = arith.constant 12 : i32
      %parallel_loop3A_219 = vector.broadcast %parallel_loop3A_218 : i32 to vector<16xi32>
      %parallel_loop3A_220 = arith.shrui %parallel_loop3A_209, %parallel_loop3A_219 : vector<16xi32>
      %parallel_loop3A_221 = arith.constant 0 : i32
      %parallel_loop3A_222 = vector.broadcast %parallel_loop3A_221 : i32 to vector<16xi32>
      %parallel_loop3A_223 = arith.addi %parallel_loop3A_217, %parallel_loop3A_222 : vector<16xi32>
      %parallel_loop3A_224 = tpu.vector_load_idx %arg7[%parallel_loop3A_223] : memref<16384xf32, #tpu.memory_space<vmem>>[vector<16xi32>], vector<16xf32>,
      %parallel_loop3A_225 = arith.mulf %parallel_loop3A_224, %parallel_loop3A_214 : vector<16xf32>
      %parallel_loop3A_226 = arith.constant 0 : i32
      %parallel_loop3A_227 = vector.broadcast %parallel_loop3A_226 : i32 to vector<16xi32>
      %parallel_loop3A_228 = arith.addi %parallel_loop3A_220, %parallel_loop3A_227 : vector<16xi32>
      tpu.vector_store_idx %arg9[%parallel_loop3A_228], %parallel_loop3A_225 {add = true} : memref<16384xf32, #tpu.memory_space<vmem>>[vector<16xi32>], vector<16xf32>,
      %parallel_loop3A_229 = arith.constant 4096 : i32
      %parallel_loop3A_230 = vector.broadcast %parallel_loop3A_229 : i32 to vector<16xi32>
      %parallel_loop3A_231 = arith.addi %parallel_loop3A_217, %parallel_loop3A_230 : vector<16xi32>
      %parallel_loop3A_232 = tpu.vector_load_idx %arg7[%parallel_loop3A_231] : memref<16384xf32, #tpu.memory_space<vmem>>[vector<16xi32>], vector<16xf32>,
      %parallel_loop3A_233 = arith.mulf %parallel_loop3A_232, %parallel_loop3A_214 : vector<16xf32>
      %parallel_loop3A_234 = arith.constant 4096 : i32
      %parallel_loop3A_235 = vector.broadcast %parallel_loop3A_234 : i32 to vector<16xi32>
      %parallel_loop3A_236 = arith.addi %parallel_loop3A_220, %parallel_loop3A_235 : vector<16xi32>
      tpu.vector_store_idx %arg9[%parallel_loop3A_236], %parallel_loop3A_233 {add = true} : memref<16384xf32, #tpu.memory_space<vmem>>[vector<16xi32>], vector<16xf32>,
      %parallel_loop3A_237 = arith.constant 8192 : i32
      %parallel_loop3A_238 = vector.broadcast %parallel_loop3A_237 : i32 to vector<16xi32>
      %parallel_loop3A_239 = arith.addi %parallel_loop3A_217, %parallel_loop3A_238 : vector<16xi32>
      %parallel_loop3A_240 = tpu.vector_load_idx %arg7[%parallel_loop3A_239] : memref<16384xf32, #tpu.memory_space<vmem>>[vector<16xi32>], vector<16xf32>,
      %parallel_loop3A_241 = arith.mulf %parallel_loop3A_240, %parallel_loop3A_214 : vector<16xf32>
      %parallel_loop3A_242 = arith.constant 8192 : i32
      %parallel_loop3A_243 = vector.broadcast %parallel_loop3A_242 : i32 to vector<16xi32>
      %parallel_loop3A_244 = arith.addi %parallel_loop3A_220, %parallel_loop3A_243 : vector<16xi32>
      tpu.vector_store_idx %arg9[%parallel_loop3A_244], %parallel_loop3A_241 {add = true} : memref<16384xf32, #tpu.memory_space<vmem>>[vector<16xi32>], vector<16xf32>,
      %parallel_loop3A_245 = arith.constant 12288 : i32
      %parallel_loop3A_246 = vector.broadcast %parallel_loop3A_245 : i32 to vector<16xi32>
      %parallel_loop3A_247 = arith.addi %parallel_loop3A_217, %parallel_loop3A_246 : vector<16xi32>
      %parallel_loop3A_248 = tpu.vector_load_idx %arg7[%parallel_loop3A_247] : memref<16384xf32, #tpu.memory_space<vmem>>[vector<16xi32>], vector<16xf32>,
      %parallel_loop3A_249 = arith.mulf %parallel_loop3A_248, %parallel_loop3A_214 : vector<16xf32>
      %parallel_loop3A_250 = arith.constant 12288 : i32
      %parallel_loop3A_251 = vector.broadcast %parallel_loop3A_250 : i32 to vector<16xi32>
      %parallel_loop3A_252 = arith.addi %parallel_loop3A_220, %parallel_loop3A_251 : vector<16xi32>
      tpu.vector_store_idx %arg9[%parallel_loop3A_252], %parallel_loop3A_249 {add = true} : memref<16384xf32, #tpu.memory_space<vmem>>[vector<16xi32>], vector<16xf32>,
    } {sc.loop_unroll_factor = 2 : i64, sc.parallel_access}
    %mul3A_46 = arith.constant 32 : i32
    %mul3A_47 = arith.muli %add3A, %mul3A_46 : i32
    %add3A_48 = arith.constant 4 : i32
    %add3A_49 = arith.addi %mul3A_47, %add3A_48 : i32
    %mul3A_50 = arith.constant 4096 : i32
    %mul3A_51 = arith.muli %add3A_49, %mul3A_50 : i32
    %dma_start3A_52 = tpu.memref_slice %arg5[%mul3A_51] : memref<4194304xf32, #tpu.memory_space<hbm>> -> memref<16384xf32, #tpu.memory_space<hbm>>
    %dma_start3A_53 = tpu.memref_slice %arg5[%mul3A_51] : memref<4194304xf32, #tpu.memory_space<hbm>> -> memref<16384xf32, #tpu.memory_space<hbm>>
    tpu.enqueue_dma source(%arg9 : memref<16384xf32, #tpu.memory_space<vmem>>) target(%dma_start3A_53 : memref<16384xf32, #tpu.memory_space<hbm>>) target_semaphore(%arg15 : memref<!tpu.dma_semaphore, #tpu.memory_space<semaphore_mem>>)
    %dma_wait3A_54 = tpu.memref_slice %arg2[%mul3A_37] : memref<4194304xf32, #tpu.memory_space<hbm>> -> memref<16384xf32, #tpu.memory_space<hbm>>
    %dma_wait3A_55 = tpu.memref_slice %arg2[%mul3A_37] : memref<4194304xf32, #tpu.memory_space<hbm>> -> memref<16384xf32, #tpu.memory_space<hbm>>
    tpu.wait_dma2 semaphore(%arg12 : memref<!tpu.dma_semaphore, #tpu.memory_space<semaphore_mem>>) src(%dma_wait3A_55 : memref<16384xf32, #tpu.memory_space<hbm>>) dst(%arg6 : memref<16384xf32, #tpu.memory_space<vmem>>)
    %mul3A_56 = arith.constant 32 : i32
    %mul3A_57 = arith.muli %add3A, %mul3A_56 : i32
    %add3A_58 = arith.constant 12 : i32
    %add3A_59 = arith.addi %mul3A_57, %add3A_58 : i32
    %mul3A_60 = arith.constant 4096 : i32
    %mul3A_61 = arith.muli %add3A_59, %mul3A_60 : i32
    %dma_start3A_62 = tpu.memref_slice %arg2[%mul3A_61] : memref<4194304xf32, #tpu.memory_space<hbm>> -> memref<16384xf32, #tpu.memory_space<hbm>>
    %dma_start3A_63 = tpu.memref_slice %arg2[%mul3A_61] : memref<4194304xf32, #tpu.memory_space<hbm>> -> memref<16384xf32, #tpu.memory_space<hbm>>
    tpu.enqueue_dma source(%dma_start3A_63 : memref<16384xf32, #tpu.memory_space<hbm>>) target(%arg7 : memref<16384xf32, #tpu.memory_space<vmem>>) target_semaphore(%arg13 : memref<!tpu.dma_semaphore, #tpu.memory_space<semaphore_mem>>)
    %dma_wait3A_64 = tpu.memref_slice %arg5[%mul3A_27] : memref<4194304xf32, #tpu.memory_space<hbm>> -> memref<16384xf32, #tpu.memory_space<hbm>>
    %dma_wait3A_65 = tpu.memref_slice %arg5[%mul3A_27] : memref<4194304xf32, #tpu.memory_space<hbm>> -> memref<16384xf32, #tpu.memory_space<hbm>>
    tpu.wait_dma2 semaphore(%arg14 : memref<!tpu.dma_semaphore, #tpu.memory_space<semaphore_mem>>) src(%arg8 : memref<16384xf32, #tpu.memory_space<vmem>>) dst(%dma_wait3A_65 : memref<16384xf32, #tpu.memory_space<hbm>>)
    %parallel_loop3A_66 = arith.constant 0 : i32
    %parallel_loop3A_67 = arith.constant 4096 : i32
    %parallel_loop3A_68 = arith.constant 16 : i32
    scf.for %parallel_loop3A_206 = %parallel_loop3A_66 to %parallel_loop3A_67 step %parallel_loop3A_68  : i32 {
      %parallel_loop3A_207 = tpu.assume_multiple %parallel_loop3A_206, 16 : i32
      %parallel_loop3A_208 = arith.index_cast %parallel_loop3A_207 : i32 to index
      %parallel_loop3A_209 = tpu.vector_load %arg11[%parallel_loop3A_208] {strides = array<i32>} : memref<4096xf32, #tpu.memory_space<vmem>>, vector<16xf32>,
      %parallel_loop3A_210 = arith.constant 0 : i32
      %parallel_loop3A_211 = arith.addi %parallel_loop3A_207, %parallel_loop3A_210 : i32
      %parallel_loop3A_212 = arith.index_cast %parallel_loop3A_211 : i32 to index
      %parallel_loop3A_213 = tpu.vector_load %arg8[%parallel_loop3A_212] {strides = array<i32>} : memref<16384xf32, #tpu.memory_space<vmem>>, vector<16xf32>,
      tpu.vector_store %arg8[%parallel_loop3A_212], %parallel_loop3A_209 {strides = array<i32>} : memref<16384xf32, #tpu.memory_space<vmem>>, vector<16xf32>,
      %parallel_loop3A_214 = arith.constant 4096 : i32
      %parallel_loop3A_215 = arith.addi %parallel_loop3A_207, %parallel_loop3A_214 : i32
      %parallel_loop3A_216 = arith.index_cast %parallel_loop3A_215 : i32 to index
      %parallel_loop3A_217 = tpu.vector_load %arg8[%parallel_loop3A_216] {strides = array<i32>} : memref<16384xf32, #tpu.memory_space<vmem>>, vector<16xf32>,
      tpu.vector_store %arg8[%parallel_loop3A_216], %parallel_loop3A_209 {strides = array<i32>} : memref<16384xf32, #tpu.memory_space<vmem>>, vector<16xf32>,
      %parallel_loop3A_218 = arith.constant 8192 : i32
      %parallel_loop3A_219 = arith.addi %parallel_loop3A_207, %parallel_loop3A_218 : i32
      %parallel_loop3A_220 = arith.index_cast %parallel_loop3A_219 : i32 to index
      %parallel_loop3A_221 = tpu.vector_load %arg8[%parallel_loop3A_220] {strides = array<i32>} : memref<16384xf32, #tpu.memory_space<vmem>>, vector<16xf32>,
      tpu.vector_store %arg8[%parallel_loop3A_220], %parallel_loop3A_209 {strides = array<i32>} : memref<16384xf32, #tpu.memory_space<vmem>>, vector<16xf32>,
      %parallel_loop3A_222 = arith.constant 12288 : i32
      %parallel_loop3A_223 = arith.addi %parallel_loop3A_207, %parallel_loop3A_222 : i32
      %parallel_loop3A_224 = arith.index_cast %parallel_loop3A_223 : i32 to index
      %parallel_loop3A_225 = tpu.vector_load %arg8[%parallel_loop3A_224] {strides = array<i32>} : memref<16384xf32, #tpu.memory_space<vmem>>, vector<16xf32>,
      tpu.vector_store %arg8[%parallel_loop3A_224], %parallel_loop3A_209 {strides = array<i32>} : memref<16384xf32, #tpu.memory_space<vmem>>, vector<16xf32>,
    } {sc.loop_unroll_factor = 4 : i64, sc.parallel_access}
    %parallel_loop3A_69 = arith.constant 0 : i32
    %parallel_loop3A_70 = arith.constant 16800 : i32
    %parallel_loop3A_71 = arith.constant 16 : i32
    scf.for %parallel_loop3A_206 = %parallel_loop3A_69 to %parallel_loop3A_70 step %parallel_loop3A_71  : i32 {
      %parallel_loop3A_207 = tpu.assume_multiple %parallel_loop3A_206, 16 : i32
      %parallel_loop3A_208 = arith.index_cast %parallel_loop3A_207 : i32 to index
      %parallel_loop3A_209 = tpu.vector_load %arg10[%parallel_loop3A_208] {strides = array<i32>} : memref<33600xi32, #tpu.memory_space<vmem>>, vector<16xi32>,
      %parallel_loop3A_210 = arith.constant 16800 : i32
      %parallel_loop3A_211 = arith.addi %parallel_loop3A_207, %parallel_loop3A_210 : i32
      %parallel_loop3A_212 = arith.index_cast %parallel_loop3A_211 : i32 to index
      %parallel_loop3A_213 = tpu.vector_load %arg10[%parallel_loop3A_212] {strides = array<i32>} : memref<33600xi32, #tpu.memory_space<vmem>>, vector<16xi32>,
      %parallel_loop3A_214 = vector.bitcast %parallel_loop3A_213 : vector<16xi32> to vector<16xf32>
      %parallel_loop3A_215 = arith.constant 4095 : i32
      %parallel_loop3A_216 = vector.broadcast %parallel_loop3A_215 : i32 to vector<16xi32>
      %parallel_loop3A_217 = arith.andi %parallel_loop3A_209, %parallel_loop3A_216 : vector<16xi32>
      %parallel_loop3A_218 = arith.constant 12 : i32
      %parallel_loop3A_219 = vector.broadcast %parallel_loop3A_218 : i32 to vector<16xi32>
      %parallel_loop3A_220 = arith.shrui %parallel_loop3A_209, %parallel_loop3A_219 : vector<16xi32>
      %parallel_loop3A_221 = arith.constant 0 : i32
      %parallel_loop3A_222 = vector.broadcast %parallel_loop3A_221 : i32 to vector<16xi32>
      %parallel_loop3A_223 = arith.addi %parallel_loop3A_217, %parallel_loop3A_222 : vector<16xi32>
      %parallel_loop3A_224 = tpu.vector_load_idx %arg6[%parallel_loop3A_223] : memref<16384xf32, #tpu.memory_space<vmem>>[vector<16xi32>], vector<16xf32>,
      %parallel_loop3A_225 = arith.mulf %parallel_loop3A_224, %parallel_loop3A_214 : vector<16xf32>
      %parallel_loop3A_226 = arith.constant 0 : i32
      %parallel_loop3A_227 = vector.broadcast %parallel_loop3A_226 : i32 to vector<16xi32>
      %parallel_loop3A_228 = arith.addi %parallel_loop3A_220, %parallel_loop3A_227 : vector<16xi32>
      tpu.vector_store_idx %arg8[%parallel_loop3A_228], %parallel_loop3A_225 {add = true} : memref<16384xf32, #tpu.memory_space<vmem>>[vector<16xi32>], vector<16xf32>,
      %parallel_loop3A_229 = arith.constant 4096 : i32
      %parallel_loop3A_230 = vector.broadcast %parallel_loop3A_229 : i32 to vector<16xi32>
      %parallel_loop3A_231 = arith.addi %parallel_loop3A_217, %parallel_loop3A_230 : vector<16xi32>
      %parallel_loop3A_232 = tpu.vector_load_idx %arg6[%parallel_loop3A_231] : memref<16384xf32, #tpu.memory_space<vmem>>[vector<16xi32>], vector<16xf32>,
      %parallel_loop3A_233 = arith.mulf %parallel_loop3A_232, %parallel_loop3A_214 : vector<16xf32>
      %parallel_loop3A_234 = arith.constant 4096 : i32
      %parallel_loop3A_235 = vector.broadcast %parallel_loop3A_234 : i32 to vector<16xi32>
      %parallel_loop3A_236 = arith.addi %parallel_loop3A_220, %parallel_loop3A_235 : vector<16xi32>
      tpu.vector_store_idx %arg8[%parallel_loop3A_236], %parallel_loop3A_233 {add = true} : memref<16384xf32, #tpu.memory_space<vmem>>[vector<16xi32>], vector<16xf32>,
      %parallel_loop3A_237 = arith.constant 8192 : i32
      %parallel_loop3A_238 = vector.broadcast %parallel_loop3A_237 : i32 to vector<16xi32>
      %parallel_loop3A_239 = arith.addi %parallel_loop3A_217, %parallel_loop3A_238 : vector<16xi32>
      %parallel_loop3A_240 = tpu.vector_load_idx %arg6[%parallel_loop3A_239] : memref<16384xf32, #tpu.memory_space<vmem>>[vector<16xi32>], vector<16xf32>,
      %parallel_loop3A_241 = arith.mulf %parallel_loop3A_240, %parallel_loop3A_214 : vector<16xf32>
      %parallel_loop3A_242 = arith.constant 8192 : i32
      %parallel_loop3A_243 = vector.broadcast %parallel_loop3A_242 : i32 to vector<16xi32>
      %parallel_loop3A_244 = arith.addi %parallel_loop3A_220, %parallel_loop3A_243 : vector<16xi32>
      tpu.vector_store_idx %arg8[%parallel_loop3A_244], %parallel_loop3A_241 {add = true} : memref<16384xf32, #tpu.memory_space<vmem>>[vector<16xi32>], vector<16xf32>,
      %parallel_loop3A_245 = arith.constant 12288 : i32
      %parallel_loop3A_246 = vector.broadcast %parallel_loop3A_245 : i32 to vector<16xi32>
      %parallel_loop3A_247 = arith.addi %parallel_loop3A_217, %parallel_loop3A_246 : vector<16xi32>
      %parallel_loop3A_248 = tpu.vector_load_idx %arg6[%parallel_loop3A_247] : memref<16384xf32, #tpu.memory_space<vmem>>[vector<16xi32>], vector<16xf32>,
      %parallel_loop3A_249 = arith.mulf %parallel_loop3A_248, %parallel_loop3A_214 : vector<16xf32>
      %parallel_loop3A_250 = arith.constant 12288 : i32
      %parallel_loop3A_251 = vector.broadcast %parallel_loop3A_250 : i32 to vector<16xi32>
      %parallel_loop3A_252 = arith.addi %parallel_loop3A_220, %parallel_loop3A_251 : vector<16xi32>
      tpu.vector_store_idx %arg8[%parallel_loop3A_252], %parallel_loop3A_249 {add = true} : memref<16384xf32, #tpu.memory_space<vmem>>[vector<16xi32>], vector<16xf32>,
    } {sc.loop_unroll_factor = 2 : i64, sc.parallel_access}
    %mul3A_72 = arith.constant 32 : i32
    %mul3A_73 = arith.muli %add3A, %mul3A_72 : i32
    %add3A_74 = arith.constant 8 : i32
    %add3A_75 = arith.addi %mul3A_73, %add3A_74 : i32
    %mul3A_76 = arith.constant 4096 : i32
    %mul3A_77 = arith.muli %add3A_75, %mul3A_76 : i32
    %dma_start3A_78 = tpu.memref_slice %arg5[%mul3A_77] : memref<4194304xf32, #tpu.memory_space<hbm>> -> memref<16384xf32, #tpu.memory_space<hbm>>
    %dma_start3A_79 = tpu.memref_slice %arg5[%mul3A_77] : memref<4194304xf32, #tpu.memory_space<hbm>> -> memref<16384xf32, #tpu.memory_space<hbm>>
    tpu.enqueue_dma source(%arg8 : memref<16384xf32, #tpu.memory_space<vmem>>) target(%dma_start3A_79 : memref<16384xf32, #tpu.memory_space<hbm>>) target_semaphore(%arg14 : memref<!tpu.dma_semaphore, #tpu.memory_space<semaphore_mem>>)
    %dma_wait3A_80 = tpu.memref_slice %arg2[%mul3A_61] : memref<4194304xf32, #tpu.memory_space<hbm>> -> memref<16384xf32, #tpu.memory_space<hbm>>
    %dma_wait3A_81 = tpu.memref_slice %arg2[%mul3A_61] : memref<4194304xf32, #tpu.memory_space<hbm>> -> memref<16384xf32, #tpu.memory_space<hbm>>
    tpu.wait_dma2 semaphore(%arg13 : memref<!tpu.dma_semaphore, #tpu.memory_space<semaphore_mem>>) src(%dma_wait3A_81 : memref<16384xf32, #tpu.memory_space<hbm>>) dst(%arg7 : memref<16384xf32, #tpu.memory_space<vmem>>)
    %mul3A_82 = arith.constant 32 : i32
    %mul3A_83 = arith.muli %add3A, %mul3A_82 : i32
    %add3A_84 = arith.constant 16 : i32
    %add3A_85 = arith.addi %mul3A_83, %add3A_84 : i32
    %mul3A_86 = arith.constant 4096 : i32
    %mul3A_87 = arith.muli %add3A_85, %mul3A_86 : i32
    %dma_start3A_88 = tpu.memref_slice %arg2[%mul3A_87] : memref<4194304xf32, #tpu.memory_space<hbm>> -> memref<16384xf32, #tpu.memory_space<hbm>>
    %dma_start3A_89 = tpu.memref_slice %arg2[%mul3A_87] : memref<4194304xf32, #tpu.memory_space<hbm>> -> memref<16384xf32, #tpu.memory_space<hbm>>
    tpu.enqueue_dma source(%dma_start3A_89 : memref<16384xf32, #tpu.memory_space<hbm>>) target(%arg6 : memref<16384xf32, #tpu.memory_space<vmem>>) target_semaphore(%arg12 : memref<!tpu.dma_semaphore, #tpu.memory_space<semaphore_mem>>)
    %dma_wait3A_90 = tpu.memref_slice %arg5[%mul3A_51] : memref<4194304xf32, #tpu.memory_space<hbm>> -> memref<16384xf32, #tpu.memory_space<hbm>>
    %dma_wait3A_91 = tpu.memref_slice %arg5[%mul3A_51] : memref<4194304xf32, #tpu.memory_space<hbm>> -> memref<16384xf32, #tpu.memory_space<hbm>>
    tpu.wait_dma2 semaphore(%arg15 : memref<!tpu.dma_semaphore, #tpu.memory_space<semaphore_mem>>) src(%arg9 : memref<16384xf32, #tpu.memory_space<vmem>>) dst(%dma_wait3A_91 : memref<16384xf32, #tpu.memory_space<hbm>>)
    %parallel_loop3A_92 = arith.constant 0 : i32
    %parallel_loop3A_93 = arith.constant 4096 : i32
    %parallel_loop3A_94 = arith.constant 16 : i32
    scf.for %parallel_loop3A_206 = %parallel_loop3A_92 to %parallel_loop3A_93 step %parallel_loop3A_94  : i32 {
      %parallel_loop3A_207 = tpu.assume_multiple %parallel_loop3A_206, 16 : i32
      %parallel_loop3A_208 = arith.index_cast %parallel_loop3A_207 : i32 to index
      %parallel_loop3A_209 = tpu.vector_load %arg11[%parallel_loop3A_208] {strides = array<i32>} : memref<4096xf32, #tpu.memory_space<vmem>>, vector<16xf32>,
      %parallel_loop3A_210 = arith.constant 0 : i32
      %parallel_loop3A_211 = arith.addi %parallel_loop3A_207, %parallel_loop3A_210 : i32
      %parallel_loop3A_212 = arith.index_cast %parallel_loop3A_211 : i32 to index
      %parallel_loop3A_213 = tpu.vector_load %arg9[%parallel_loop3A_212] {strides = array<i32>} : memref<16384xf32, #tpu.memory_space<vmem>>, vector<16xf32>,
      tpu.vector_store %arg9[%parallel_loop3A_212], %parallel_loop3A_209 {strides = array<i32>} : memref<16384xf32, #tpu.memory_space<vmem>>, vector<16xf32>,
      %parallel_loop3A_214 = arith.constant 4096 : i32
      %parallel_loop3A_215 = arith.addi %parallel_loop3A_207, %parallel_loop3A_214 : i32
      %parallel_loop3A_216 = arith.index_cast %parallel_loop3A_215 : i32 to index
      %parallel_loop3A_217 = tpu.vector_load %arg9[%parallel_loop3A_216] {strides = array<i32>} : memref<16384xf32, #tpu.memory_space<vmem>>, vector<16xf32>,
      tpu.vector_store %arg9[%parallel_loop3A_216], %parallel_loop3A_209 {strides = array<i32>} : memref<16384xf32, #tpu.memory_space<vmem>>, vector<16xf32>,
      %parallel_loop3A_218 = arith.constant 8192 : i32
      %parallel_loop3A_219 = arith.addi %parallel_loop3A_207, %parallel_loop3A_218 : i32
      %parallel_loop3A_220 = arith.index_cast %parallel_loop3A_219 : i32 to index
      %parallel_loop3A_221 = tpu.vector_load %arg9[%parallel_loop3A_220] {strides = array<i32>} : memref<16384xf32, #tpu.memory_space<vmem>>, vector<16xf32>,
      tpu.vector_store %arg9[%parallel_loop3A_220], %parallel_loop3A_209 {strides = array<i32>} : memref<16384xf32, #tpu.memory_space<vmem>>, vector<16xf32>,
      %parallel_loop3A_222 = arith.constant 12288 : i32
      %parallel_loop3A_223 = arith.addi %parallel_loop3A_207, %parallel_loop3A_222 : i32
      %parallel_loop3A_224 = arith.index_cast %parallel_loop3A_223 : i32 to index
      %parallel_loop3A_225 = tpu.vector_load %arg9[%parallel_loop3A_224] {strides = array<i32>} : memref<16384xf32, #tpu.memory_space<vmem>>, vector<16xf32>,
      tpu.vector_store %arg9[%parallel_loop3A_224], %parallel_loop3A_209 {strides = array<i32>} : memref<16384xf32, #tpu.memory_space<vmem>>, vector<16xf32>,
    } {sc.loop_unroll_factor = 4 : i64, sc.parallel_access}
    %parallel_loop3A_95 = arith.constant 0 : i32
    %parallel_loop3A_96 = arith.constant 16800 : i32
    %parallel_loop3A_97 = arith.constant 16 : i32
    scf.for %parallel_loop3A_206 = %parallel_loop3A_95 to %parallel_loop3A_96 step %parallel_loop3A_97  : i32 {
      %parallel_loop3A_207 = tpu.assume_multiple %parallel_loop3A_206, 16 : i32
      %parallel_loop3A_208 = arith.index_cast %parallel_loop3A_207 : i32 to index
      %parallel_loop3A_209 = tpu.vector_load %arg10[%parallel_loop3A_208] {strides = array<i32>} : memref<33600xi32, #tpu.memory_space<vmem>>, vector<16xi32>,
      %parallel_loop3A_210 = arith.constant 16800 : i32
      %parallel_loop3A_211 = arith.addi %parallel_loop3A_207, %parallel_loop3A_210 : i32
      %parallel_loop3A_212 = arith.index_cast %parallel_loop3A_211 : i32 to index
      %parallel_loop3A_213 = tpu.vector_load %arg10[%parallel_loop3A_212] {strides = array<i32>} : memref<33600xi32, #tpu.memory_space<vmem>>, vector<16xi32>,
      %parallel_loop3A_214 = vector.bitcast %parallel_loop3A_213 : vector<16xi32> to vector<16xf32>
      %parallel_loop3A_215 = arith.constant 4095 : i32
      %parallel_loop3A_216 = vector.broadcast %parallel_loop3A_215 : i32 to vector<16xi32>
      %parallel_loop3A_217 = arith.andi %parallel_loop3A_209, %parallel_loop3A_216 : vector<16xi32>
      %parallel_loop3A_218 = arith.constant 12 : i32
      %parallel_loop3A_219 = vector.broadcast %parallel_loop3A_218 : i32 to vector<16xi32>
      %parallel_loop3A_220 = arith.shrui %parallel_loop3A_209, %parallel_loop3A_219 : vector<16xi32>
      %parallel_loop3A_221 = arith.constant 0 : i32
      %parallel_loop3A_222 = vector.broadcast %parallel_loop3A_221 : i32 to vector<16xi32>
      %parallel_loop3A_223 = arith.addi %parallel_loop3A_217, %parallel_loop3A_222 : vector<16xi32>
      %parallel_loop3A_224 = tpu.vector_load_idx %arg7[%parallel_loop3A_223] : memref<16384xf32, #tpu.memory_space<vmem>>[vector<16xi32>], vector<16xf32>,
      %parallel_loop3A_225 = arith.mulf %parallel_loop3A_224, %parallel_loop3A_214 : vector<16xf32>
      %parallel_loop3A_226 = arith.constant 0 : i32
      %parallel_loop3A_227 = vector.broadcast %parallel_loop3A_226 : i32 to vector<16xi32>
      %parallel_loop3A_228 = arith.addi %parallel_loop3A_220, %parallel_loop3A_227 : vector<16xi32>
      tpu.vector_store_idx %arg9[%parallel_loop3A_228], %parallel_loop3A_225 {add = true} : memref<16384xf32, #tpu.memory_space<vmem>>[vector<16xi32>], vector<16xf32>,
      %parallel_loop3A_229 = arith.constant 4096 : i32
      %parallel_loop3A_230 = vector.broadcast %parallel_loop3A_229 : i32 to vector<16xi32>
      %parallel_loop3A_231 = arith.addi %parallel_loop3A_217, %parallel_loop3A_230 : vector<16xi32>
      %parallel_loop3A_232 = tpu.vector_load_idx %arg7[%parallel_loop3A_231] : memref<16384xf32, #tpu.memory_space<vmem>>[vector<16xi32>], vector<16xf32>,
      %parallel_loop3A_233 = arith.mulf %parallel_loop3A_232, %parallel_loop3A_214 : vector<16xf32>
      %parallel_loop3A_234 = arith.constant 4096 : i32
      %parallel_loop3A_235 = vector.broadcast %parallel_loop3A_234 : i32 to vector<16xi32>
      %parallel_loop3A_236 = arith.addi %parallel_loop3A_220, %parallel_loop3A_235 : vector<16xi32>
      tpu.vector_store_idx %arg9[%parallel_loop3A_236], %parallel_loop3A_233 {add = true} : memref<16384xf32, #tpu.memory_space<vmem>>[vector<16xi32>], vector<16xf32>,
      %parallel_loop3A_237 = arith.constant 8192 : i32
      %parallel_loop3A_238 = vector.broadcast %parallel_loop3A_237 : i32 to vector<16xi32>
      %parallel_loop3A_239 = arith.addi %parallel_loop3A_217, %parallel_loop3A_238 : vector<16xi32>
      %parallel_loop3A_240 = tpu.vector_load_idx %arg7[%parallel_loop3A_239] : memref<16384xf32, #tpu.memory_space<vmem>>[vector<16xi32>], vector<16xf32>,
      %parallel_loop3A_241 = arith.mulf %parallel_loop3A_240, %parallel_loop3A_214 : vector<16xf32>
      %parallel_loop3A_242 = arith.constant 8192 : i32
      %parallel_loop3A_243 = vector.broadcast %parallel_loop3A_242 : i32 to vector<16xi32>
      %parallel_loop3A_244 = arith.addi %parallel_loop3A_220, %parallel_loop3A_243 : vector<16xi32>
      tpu.vector_store_idx %arg9[%parallel_loop3A_244], %parallel_loop3A_241 {add = true} : memref<16384xf32, #tpu.memory_space<vmem>>[vector<16xi32>], vector<16xf32>,
      %parallel_loop3A_245 = arith.constant 12288 : i32
      %parallel_loop3A_246 = vector.broadcast %parallel_loop3A_245 : i32 to vector<16xi32>
      %parallel_loop3A_247 = arith.addi %parallel_loop3A_217, %parallel_loop3A_246 : vector<16xi32>
      %parallel_loop3A_248 = tpu.vector_load_idx %arg7[%parallel_loop3A_247] : memref<16384xf32, #tpu.memory_space<vmem>>[vector<16xi32>], vector<16xf32>,
      %parallel_loop3A_249 = arith.mulf %parallel_loop3A_248, %parallel_loop3A_214 : vector<16xf32>
      %parallel_loop3A_250 = arith.constant 12288 : i32
      %parallel_loop3A_251 = vector.broadcast %parallel_loop3A_250 : i32 to vector<16xi32>
      %parallel_loop3A_252 = arith.addi %parallel_loop3A_220, %parallel_loop3A_251 : vector<16xi32>
      tpu.vector_store_idx %arg9[%parallel_loop3A_252], %parallel_loop3A_249 {add = true} : memref<16384xf32, #tpu.memory_space<vmem>>[vector<16xi32>], vector<16xf32>,
    } {sc.loop_unroll_factor = 2 : i64, sc.parallel_access}
    %mul3A_98 = arith.constant 32 : i32
    %mul3A_99 = arith.muli %add3A, %mul3A_98 : i32
    %add3A_100 = arith.constant 12 : i32
    %add3A_101 = arith.addi %mul3A_99, %add3A_100 : i32
    %mul3A_102 = arith.constant 4096 : i32
    %mul3A_103 = arith.muli %add3A_101, %mul3A_102 : i32
    %dma_start3A_104 = tpu.memref_slice %arg5[%mul3A_103] : memref<4194304xf32, #tpu.memory_space<hbm>> -> memref<16384xf32, #tpu.memory_space<hbm>>
    %dma_start3A_105 = tpu.memref_slice %arg5[%mul3A_103] : memref<4194304xf32, #tpu.memory_space<hbm>> -> memref<16384xf32, #tpu.memory_space<hbm>>
    tpu.enqueue_dma source(%arg9 : memref<16384xf32, #tpu.memory_space<vmem>>) target(%dma_start3A_105 : memref<16384xf32, #tpu.memory_space<hbm>>) target_semaphore(%arg15 : memref<!tpu.dma_semaphore, #tpu.memory_space<semaphore_mem>>)
    %dma_wait3A_106 = tpu.memref_slice %arg2[%mul3A_87] : memref<4194304xf32, #tpu.memory_space<hbm>> -> memref<16384xf32, #tpu.memory_space<hbm>>
    %dma_wait3A_107 = tpu.memref_slice %arg2[%mul3A_87] : memref<4194304xf32, #tpu.memory_space<hbm>> -> memref<16384xf32, #tpu.memory_space<hbm>>
    tpu.wait_dma2 semaphore(%arg12 : memref<!tpu.dma_semaphore, #tpu.memory_space<semaphore_mem>>) src(%dma_wait3A_107 : memref<16384xf32, #tpu.memory_space<hbm>>) dst(%arg6 : memref<16384xf32, #tpu.memory_space<vmem>>)
    %mul3A_108 = arith.constant 32 : i32
    %mul3A_109 = arith.muli %add3A, %mul3A_108 : i32
    %add3A_110 = arith.constant 20 : i32
    %add3A_111 = arith.addi %mul3A_109, %add3A_110 : i32
    %mul3A_112 = arith.constant 4096 : i32
    %mul3A_113 = arith.muli %add3A_111, %mul3A_112 : i32
    %dma_start3A_114 = tpu.memref_slice %arg2[%mul3A_113] : memref<4194304xf32, #tpu.memory_space<hbm>> -> memref<16384xf32, #tpu.memory_space<hbm>>
    %dma_start3A_115 = tpu.memref_slice %arg2[%mul3A_113] : memref<4194304xf32, #tpu.memory_space<hbm>> -> memref<16384xf32, #tpu.memory_space<hbm>>
    tpu.enqueue_dma source(%dma_start3A_115 : memref<16384xf32, #tpu.memory_space<hbm>>) target(%arg7 : memref<16384xf32, #tpu.memory_space<vmem>>) target_semaphore(%arg13 : memref<!tpu.dma_semaphore, #tpu.memory_space<semaphore_mem>>)
    %dma_wait3A_116 = tpu.memref_slice %arg5[%mul3A_77] : memref<4194304xf32, #tpu.memory_space<hbm>> -> memref<16384xf32, #tpu.memory_space<hbm>>
    %dma_wait3A_117 = tpu.memref_slice %arg5[%mul3A_77] : memref<4194304xf32, #tpu.memory_space<hbm>> -> memref<16384xf32, #tpu.memory_space<hbm>>
    tpu.wait_dma2 semaphore(%arg14 : memref<!tpu.dma_semaphore, #tpu.memory_space<semaphore_mem>>) src(%arg8 : memref<16384xf32, #tpu.memory_space<vmem>>) dst(%dma_wait3A_117 : memref<16384xf32, #tpu.memory_space<hbm>>)
    %parallel_loop3A_118 = arith.constant 0 : i32
    %parallel_loop3A_119 = arith.constant 4096 : i32
    %parallel_loop3A_120 = arith.constant 16 : i32
    scf.for %parallel_loop3A_206 = %parallel_loop3A_118 to %parallel_loop3A_119 step %parallel_loop3A_120  : i32 {
      %parallel_loop3A_207 = tpu.assume_multiple %parallel_loop3A_206, 16 : i32
      %parallel_loop3A_208 = arith.index_cast %parallel_loop3A_207 : i32 to index
      %parallel_loop3A_209 = tpu.vector_load %arg11[%parallel_loop3A_208] {strides = array<i32>} : memref<4096xf32, #tpu.memory_space<vmem>>, vector<16xf32>,
      %parallel_loop3A_210 = arith.constant 0 : i32
      %parallel_loop3A_211 = arith.addi %parallel_loop3A_207, %parallel_loop3A_210 : i32
      %parallel_loop3A_212 = arith.index_cast %parallel_loop3A_211 : i32 to index
      %parallel_loop3A_213 = tpu.vector_load %arg8[%parallel_loop3A_212] {strides = array<i32>} : memref<16384xf32, #tpu.memory_space<vmem>>, vector<16xf32>,
      tpu.vector_store %arg8[%parallel_loop3A_212], %parallel_loop3A_209 {strides = array<i32>} : memref<16384xf32, #tpu.memory_space<vmem>>, vector<16xf32>,
      %parallel_loop3A_214 = arith.constant 4096 : i32
      %parallel_loop3A_215 = arith.addi %parallel_loop3A_207, %parallel_loop3A_214 : i32
      %parallel_loop3A_216 = arith.index_cast %parallel_loop3A_215 : i32 to index
      %parallel_loop3A_217 = tpu.vector_load %arg8[%parallel_loop3A_216] {strides = array<i32>} : memref<16384xf32, #tpu.memory_space<vmem>>, vector<16xf32>,
      tpu.vector_store %arg8[%parallel_loop3A_216], %parallel_loop3A_209 {strides = array<i32>} : memref<16384xf32, #tpu.memory_space<vmem>>, vector<16xf32>,
      %parallel_loop3A_218 = arith.constant 8192 : i32
      %parallel_loop3A_219 = arith.addi %parallel_loop3A_207, %parallel_loop3A_218 : i32
      %parallel_loop3A_220 = arith.index_cast %parallel_loop3A_219 : i32 to index
      %parallel_loop3A_221 = tpu.vector_load %arg8[%parallel_loop3A_220] {strides = array<i32>} : memref<16384xf32, #tpu.memory_space<vmem>>, vector<16xf32>,
      tpu.vector_store %arg8[%parallel_loop3A_220], %parallel_loop3A_209 {strides = array<i32>} : memref<16384xf32, #tpu.memory_space<vmem>>, vector<16xf32>,
      %parallel_loop3A_222 = arith.constant 12288 : i32
      %parallel_loop3A_223 = arith.addi %parallel_loop3A_207, %parallel_loop3A_222 : i32
      %parallel_loop3A_224 = arith.index_cast %parallel_loop3A_223 : i32 to index
      %parallel_loop3A_225 = tpu.vector_load %arg8[%parallel_loop3A_224] {strides = array<i32>} : memref<16384xf32, #tpu.memory_space<vmem>>, vector<16xf32>,
      tpu.vector_store %arg8[%parallel_loop3A_224], %parallel_loop3A_209 {strides = array<i32>} : memref<16384xf32, #tpu.memory_space<vmem>>, vector<16xf32>,
    } {sc.loop_unroll_factor = 4 : i64, sc.parallel_access}
    %parallel_loop3A_121 = arith.constant 0 : i32
    %parallel_loop3A_122 = arith.constant 16800 : i32
    %parallel_loop3A_123 = arith.constant 16 : i32
    scf.for %parallel_loop3A_206 = %parallel_loop3A_121 to %parallel_loop3A_122 step %parallel_loop3A_123  : i32 {
      %parallel_loop3A_207 = tpu.assume_multiple %parallel_loop3A_206, 16 : i32
      %parallel_loop3A_208 = arith.index_cast %parallel_loop3A_207 : i32 to index
      %parallel_loop3A_209 = tpu.vector_load %arg10[%parallel_loop3A_208] {strides = array<i32>} : memref<33600xi32, #tpu.memory_space<vmem>>, vector<16xi32>,
      %parallel_loop3A_210 = arith.constant 16800 : i32
      %parallel_loop3A_211 = arith.addi %parallel_loop3A_207, %parallel_loop3A_210 : i32
      %parallel_loop3A_212 = arith.index_cast %parallel_loop3A_211 : i32 to index
      %parallel_loop3A_213 = tpu.vector_load %arg10[%parallel_loop3A_212] {strides = array<i32>} : memref<33600xi32, #tpu.memory_space<vmem>>, vector<16xi32>,
      %parallel_loop3A_214 = vector.bitcast %parallel_loop3A_213 : vector<16xi32> to vector<16xf32>
      %parallel_loop3A_215 = arith.constant 4095 : i32
      %parallel_loop3A_216 = vector.broadcast %parallel_loop3A_215 : i32 to vector<16xi32>
      %parallel_loop3A_217 = arith.andi %parallel_loop3A_209, %parallel_loop3A_216 : vector<16xi32>
      %parallel_loop3A_218 = arith.constant 12 : i32
      %parallel_loop3A_219 = vector.broadcast %parallel_loop3A_218 : i32 to vector<16xi32>
      %parallel_loop3A_220 = arith.shrui %parallel_loop3A_209, %parallel_loop3A_219 : vector<16xi32>
      %parallel_loop3A_221 = arith.constant 0 : i32
      %parallel_loop3A_222 = vector.broadcast %parallel_loop3A_221 : i32 to vector<16xi32>
      %parallel_loop3A_223 = arith.addi %parallel_loop3A_217, %parallel_loop3A_222 : vector<16xi32>
      %parallel_loop3A_224 = tpu.vector_load_idx %arg6[%parallel_loop3A_223] : memref<16384xf32, #tpu.memory_space<vmem>>[vector<16xi32>], vector<16xf32>,
      %parallel_loop3A_225 = arith.mulf %parallel_loop3A_224, %parallel_loop3A_214 : vector<16xf32>
      %parallel_loop3A_226 = arith.constant 0 : i32
      %parallel_loop3A_227 = vector.broadcast %parallel_loop3A_226 : i32 to vector<16xi32>
      %parallel_loop3A_228 = arith.addi %parallel_loop3A_220, %parallel_loop3A_227 : vector<16xi32>
      tpu.vector_store_idx %arg8[%parallel_loop3A_228], %parallel_loop3A_225 {add = true} : memref<16384xf32, #tpu.memory_space<vmem>>[vector<16xi32>], vector<16xf32>,
      %parallel_loop3A_229 = arith.constant 4096 : i32
      %parallel_loop3A_230 = vector.broadcast %parallel_loop3A_229 : i32 to vector<16xi32>
      %parallel_loop3A_231 = arith.addi %parallel_loop3A_217, %parallel_loop3A_230 : vector<16xi32>
      %parallel_loop3A_232 = tpu.vector_load_idx %arg6[%parallel_loop3A_231] : memref<16384xf32, #tpu.memory_space<vmem>>[vector<16xi32>], vector<16xf32>,
      %parallel_loop3A_233 = arith.mulf %parallel_loop3A_232, %parallel_loop3A_214 : vector<16xf32>
      %parallel_loop3A_234 = arith.constant 4096 : i32
      %parallel_loop3A_235 = vector.broadcast %parallel_loop3A_234 : i32 to vector<16xi32>
      %parallel_loop3A_236 = arith.addi %parallel_loop3A_220, %parallel_loop3A_235 : vector<16xi32>
      tpu.vector_store_idx %arg8[%parallel_loop3A_236], %parallel_loop3A_233 {add = true} : memref<16384xf32, #tpu.memory_space<vmem>>[vector<16xi32>], vector<16xf32>,
      %parallel_loop3A_237 = arith.constant 8192 : i32
      %parallel_loop3A_238 = vector.broadcast %parallel_loop3A_237 : i32 to vector<16xi32>
      %parallel_loop3A_239 = arith.addi %parallel_loop3A_217, %parallel_loop3A_238 : vector<16xi32>
      %parallel_loop3A_240 = tpu.vector_load_idx %arg6[%parallel_loop3A_239] : memref<16384xf32, #tpu.memory_space<vmem>>[vector<16xi32>], vector<16xf32>,
      %parallel_loop3A_241 = arith.mulf %parallel_loop3A_240, %parallel_loop3A_214 : vector<16xf32>
      %parallel_loop3A_242 = arith.constant 8192 : i32
      %parallel_loop3A_243 = vector.broadcast %parallel_loop3A_242 : i32 to vector<16xi32>
      %parallel_loop3A_244 = arith.addi %parallel_loop3A_220, %parallel_loop3A_243 : vector<16xi32>
      tpu.vector_store_idx %arg8[%parallel_loop3A_244], %parallel_loop3A_241 {add = true} : memref<16384xf32, #tpu.memory_space<vmem>>[vector<16xi32>], vector<16xf32>,
      %parallel_loop3A_245 = arith.constant 12288 : i32
      %parallel_loop3A_246 = vector.broadcast %parallel_loop3A_245 : i32 to vector<16xi32>
      %parallel_loop3A_247 = arith.addi %parallel_loop3A_217, %parallel_loop3A_246 : vector<16xi32>
      %parallel_loop3A_248 = tpu.vector_load_idx %arg6[%parallel_loop3A_247] : memref<16384xf32, #tpu.memory_space<vmem>>[vector<16xi32>], vector<16xf32>,
      %parallel_loop3A_249 = arith.mulf %parallel_loop3A_248, %parallel_loop3A_214 : vector<16xf32>
      %parallel_loop3A_250 = arith.constant 12288 : i32
      %parallel_loop3A_251 = vector.broadcast %parallel_loop3A_250 : i32 to vector<16xi32>
      %parallel_loop3A_252 = arith.addi %parallel_loop3A_220, %parallel_loop3A_251 : vector<16xi32>
      tpu.vector_store_idx %arg8[%parallel_loop3A_252], %parallel_loop3A_249 {add = true} : memref<16384xf32, #tpu.memory_space<vmem>>[vector<16xi32>], vector<16xf32>,
    } {sc.loop_unroll_factor = 2 : i64, sc.parallel_access}
    %mul3A_124 = arith.constant 32 : i32
    %mul3A_125 = arith.muli %add3A, %mul3A_124 : i32
    %add3A_126 = arith.constant 16 : i32
    %add3A_127 = arith.addi %mul3A_125, %add3A_126 : i32
    %mul3A_128 = arith.constant 4096 : i32
    %mul3A_129 = arith.muli %add3A_127, %mul3A_128 : i32
    %dma_start3A_130 = tpu.memref_slice %arg5[%mul3A_129] : memref<4194304xf32, #tpu.memory_space<hbm>> -> memref<16384xf32, #tpu.memory_space<hbm>>
    %dma_start3A_131 = tpu.memref_slice %arg5[%mul3A_129] : memref<4194304xf32, #tpu.memory_space<hbm>> -> memref<16384xf32, #tpu.memory_space<hbm>>
    tpu.enqueue_dma source(%arg8 : memref<16384xf32, #tpu.memory_space<vmem>>) target(%dma_start3A_131 : memref<16384xf32, #tpu.memory_space<hbm>>) target_semaphore(%arg14 : memref<!tpu.dma_semaphore, #tpu.memory_space<semaphore_mem>>)
    %dma_wait3A_132 = tpu.memref_slice %arg2[%mul3A_113] : memref<4194304xf32, #tpu.memory_space<hbm>> -> memref<16384xf32, #tpu.memory_space<hbm>>
    %dma_wait3A_133 = tpu.memref_slice %arg2[%mul3A_113] : memref<4194304xf32, #tpu.memory_space<hbm>> -> memref<16384xf32, #tpu.memory_space<hbm>>
    tpu.wait_dma2 semaphore(%arg13 : memref<!tpu.dma_semaphore, #tpu.memory_space<semaphore_mem>>) src(%dma_wait3A_133 : memref<16384xf32, #tpu.memory_space<hbm>>) dst(%arg7 : memref<16384xf32, #tpu.memory_space<vmem>>)
    %mul3A_134 = arith.constant 32 : i32
    %mul3A_135 = arith.muli %add3A, %mul3A_134 : i32
    %add3A_136 = arith.constant 24 : i32
    %add3A_137 = arith.addi %mul3A_135, %add3A_136 : i32
    %mul3A_138 = arith.constant 4096 : i32
    %mul3A_139 = arith.muli %add3A_137, %mul3A_138 : i32
    %dma_start3A_140 = tpu.memref_slice %arg2[%mul3A_139] : memref<4194304xf32, #tpu.memory_space<hbm>> -> memref<16384xf32, #tpu.memory_space<hbm>>
    %dma_start3A_141 = tpu.memref_slice %arg2[%mul3A_139] : memref<4194304xf32, #tpu.memory_space<hbm>> -> memref<16384xf32, #tpu.memory_space<hbm>>
    tpu.enqueue_dma source(%dma_start3A_141 : memref<16384xf32, #tpu.memory_space<hbm>>) target(%arg6 : memref<16384xf32, #tpu.memory_space<vmem>>) target_semaphore(%arg12 : memref<!tpu.dma_semaphore, #tpu.memory_space<semaphore_mem>>)
    %dma_wait3A_142 = tpu.memref_slice %arg5[%mul3A_103] : memref<4194304xf32, #tpu.memory_space<hbm>> -> memref<16384xf32, #tpu.memory_space<hbm>>
    %dma_wait3A_143 = tpu.memref_slice %arg5[%mul3A_103] : memref<4194304xf32, #tpu.memory_space<hbm>> -> memref<16384xf32, #tpu.memory_space<hbm>>
    tpu.wait_dma2 semaphore(%arg15 : memref<!tpu.dma_semaphore, #tpu.memory_space<semaphore_mem>>) src(%arg9 : memref<16384xf32, #tpu.memory_space<vmem>>) dst(%dma_wait3A_143 : memref<16384xf32, #tpu.memory_space<hbm>>)
    %parallel_loop3A_144 = arith.constant 0 : i32
    %parallel_loop3A_145 = arith.constant 4096 : i32
    %parallel_loop3A_146 = arith.constant 16 : i32
    scf.for %parallel_loop3A_206 = %parallel_loop3A_144 to %parallel_loop3A_145 step %parallel_loop3A_146  : i32 {
      %parallel_loop3A_207 = tpu.assume_multiple %parallel_loop3A_206, 16 : i32
      %parallel_loop3A_208 = arith.index_cast %parallel_loop3A_207 : i32 to index
      %parallel_loop3A_209 = tpu.vector_load %arg11[%parallel_loop3A_208] {strides = array<i32>} : memref<4096xf32, #tpu.memory_space<vmem>>, vector<16xf32>,
      %parallel_loop3A_210 = arith.constant 0 : i32
      %parallel_loop3A_211 = arith.addi %parallel_loop3A_207, %parallel_loop3A_210 : i32
      %parallel_loop3A_212 = arith.index_cast %parallel_loop3A_211 : i32 to index
      %parallel_loop3A_213 = tpu.vector_load %arg9[%parallel_loop3A_212] {strides = array<i32>} : memref<16384xf32, #tpu.memory_space<vmem>>, vector<16xf32>,
      tpu.vector_store %arg9[%parallel_loop3A_212], %parallel_loop3A_209 {strides = array<i32>} : memref<16384xf32, #tpu.memory_space<vmem>>, vector<16xf32>,
      %parallel_loop3A_214 = arith.constant 4096 : i32
      %parallel_loop3A_215 = arith.addi %parallel_loop3A_207, %parallel_loop3A_214 : i32
      %parallel_loop3A_216 = arith.index_cast %parallel_loop3A_215 : i32 to index
      %parallel_loop3A_217 = tpu.vector_load %arg9[%parallel_loop3A_216] {strides = array<i32>} : memref<16384xf32, #tpu.memory_space<vmem>>, vector<16xf32>,
      tpu.vector_store %arg9[%parallel_loop3A_216], %parallel_loop3A_209 {strides = array<i32>} : memref<16384xf32, #tpu.memory_space<vmem>>, vector<16xf32>,
      %parallel_loop3A_218 = arith.constant 8192 : i32
      %parallel_loop3A_219 = arith.addi %parallel_loop3A_207, %parallel_loop3A_218 : i32
      %parallel_loop3A_220 = arith.index_cast %parallel_loop3A_219 : i32 to index
      %parallel_loop3A_221 = tpu.vector_load %arg9[%parallel_loop3A_220] {strides = array<i32>} : memref<16384xf32, #tpu.memory_space<vmem>>, vector<16xf32>,
      tpu.vector_store %arg9[%parallel_loop3A_220], %parallel_loop3A_209 {strides = array<i32>} : memref<16384xf32, #tpu.memory_space<vmem>>, vector<16xf32>,
      %parallel_loop3A_222 = arith.constant 12288 : i32
      %parallel_loop3A_223 = arith.addi %parallel_loop3A_207, %parallel_loop3A_222 : i32
      %parallel_loop3A_224 = arith.index_cast %parallel_loop3A_223 : i32 to index
      %parallel_loop3A_225 = tpu.vector_load %arg9[%parallel_loop3A_224] {strides = array<i32>} : memref<16384xf32, #tpu.memory_space<vmem>>, vector<16xf32>,
      tpu.vector_store %arg9[%parallel_loop3A_224], %parallel_loop3A_209 {strides = array<i32>} : memref<16384xf32, #tpu.memory_space<vmem>>, vector<16xf32>,
    } {sc.loop_unroll_factor = 4 : i64, sc.parallel_access}
    %parallel_loop3A_147 = arith.constant 0 : i32
    %parallel_loop3A_148 = arith.constant 16800 : i32
    %parallel_loop3A_149 = arith.constant 16 : i32
    scf.for %parallel_loop3A_206 = %parallel_loop3A_147 to %parallel_loop3A_148 step %parallel_loop3A_149  : i32 {
      %parallel_loop3A_207 = tpu.assume_multiple %parallel_loop3A_206, 16 : i32
      %parallel_loop3A_208 = arith.index_cast %parallel_loop3A_207 : i32 to index
      %parallel_loop3A_209 = tpu.vector_load %arg10[%parallel_loop3A_208] {strides = array<i32>} : memref<33600xi32, #tpu.memory_space<vmem>>, vector<16xi32>,
      %parallel_loop3A_210 = arith.constant 16800 : i32
      %parallel_loop3A_211 = arith.addi %parallel_loop3A_207, %parallel_loop3A_210 : i32
      %parallel_loop3A_212 = arith.index_cast %parallel_loop3A_211 : i32 to index
      %parallel_loop3A_213 = tpu.vector_load %arg10[%parallel_loop3A_212] {strides = array<i32>} : memref<33600xi32, #tpu.memory_space<vmem>>, vector<16xi32>,
      %parallel_loop3A_214 = vector.bitcast %parallel_loop3A_213 : vector<16xi32> to vector<16xf32>
      %parallel_loop3A_215 = arith.constant 4095 : i32
      %parallel_loop3A_216 = vector.broadcast %parallel_loop3A_215 : i32 to vector<16xi32>
      %parallel_loop3A_217 = arith.andi %parallel_loop3A_209, %parallel_loop3A_216 : vector<16xi32>
      %parallel_loop3A_218 = arith.constant 12 : i32
      %parallel_loop3A_219 = vector.broadcast %parallel_loop3A_218 : i32 to vector<16xi32>
      %parallel_loop3A_220 = arith.shrui %parallel_loop3A_209, %parallel_loop3A_219 : vector<16xi32>
      %parallel_loop3A_221 = arith.constant 0 : i32
      %parallel_loop3A_222 = vector.broadcast %parallel_loop3A_221 : i32 to vector<16xi32>
      %parallel_loop3A_223 = arith.addi %parallel_loop3A_217, %parallel_loop3A_222 : vector<16xi32>
      %parallel_loop3A_224 = tpu.vector_load_idx %arg7[%parallel_loop3A_223] : memref<16384xf32, #tpu.memory_space<vmem>>[vector<16xi32>], vector<16xf32>,
      %parallel_loop3A_225 = arith.mulf %parallel_loop3A_224, %parallel_loop3A_214 : vector<16xf32>
      %parallel_loop3A_226 = arith.constant 0 : i32
      %parallel_loop3A_227 = vector.broadcast %parallel_loop3A_226 : i32 to vector<16xi32>
      %parallel_loop3A_228 = arith.addi %parallel_loop3A_220, %parallel_loop3A_227 : vector<16xi32>
      tpu.vector_store_idx %arg9[%parallel_loop3A_228], %parallel_loop3A_225 {add = true} : memref<16384xf32, #tpu.memory_space<vmem>>[vector<16xi32>], vector<16xf32>,
      %parallel_loop3A_229 = arith.constant 4096 : i32
      %parallel_loop3A_230 = vector.broadcast %parallel_loop3A_229 : i32 to vector<16xi32>
      %parallel_loop3A_231 = arith.addi %parallel_loop3A_217, %parallel_loop3A_230 : vector<16xi32>
      %parallel_loop3A_232 = tpu.vector_load_idx %arg7[%parallel_loop3A_231] : memref<16384xf32, #tpu.memory_space<vmem>>[vector<16xi32>], vector<16xf32>,
      %parallel_loop3A_233 = arith.mulf %parallel_loop3A_232, %parallel_loop3A_214 : vector<16xf32>
      %parallel_loop3A_234 = arith.constant 4096 : i32
      %parallel_loop3A_235 = vector.broadcast %parallel_loop3A_234 : i32 to vector<16xi32>
      %parallel_loop3A_236 = arith.addi %parallel_loop3A_220, %parallel_loop3A_235 : vector<16xi32>
      tpu.vector_store_idx %arg9[%parallel_loop3A_236], %parallel_loop3A_233 {add = true} : memref<16384xf32, #tpu.memory_space<vmem>>[vector<16xi32>], vector<16xf32>,
      %parallel_loop3A_237 = arith.constant 8192 : i32
      %parallel_loop3A_238 = vector.broadcast %parallel_loop3A_237 : i32 to vector<16xi32>
      %parallel_loop3A_239 = arith.addi %parallel_loop3A_217, %parallel_loop3A_238 : vector<16xi32>
      %parallel_loop3A_240 = tpu.vector_load_idx %arg7[%parallel_loop3A_239] : memref<16384xf32, #tpu.memory_space<vmem>>[vector<16xi32>], vector<16xf32>,
      %parallel_loop3A_241 = arith.mulf %parallel_loop3A_240, %parallel_loop3A_214 : vector<16xf32>
      %parallel_loop3A_242 = arith.constant 8192 : i32
      %parallel_loop3A_243 = vector.broadcast %parallel_loop3A_242 : i32 to vector<16xi32>
      %parallel_loop3A_244 = arith.addi %parallel_loop3A_220, %parallel_loop3A_243 : vector<16xi32>
      tpu.vector_store_idx %arg9[%parallel_loop3A_244], %parallel_loop3A_241 {add = true} : memref<16384xf32, #tpu.memory_space<vmem>>[vector<16xi32>], vector<16xf32>,
      %parallel_loop3A_245 = arith.constant 12288 : i32
      %parallel_loop3A_246 = vector.broadcast %parallel_loop3A_245 : i32 to vector<16xi32>
      %parallel_loop3A_247 = arith.addi %parallel_loop3A_217, %parallel_loop3A_246 : vector<16xi32>
      %parallel_loop3A_248 = tpu.vector_load_idx %arg7[%parallel_loop3A_247] : memref<16384xf32, #tpu.memory_space<vmem>>[vector<16xi32>], vector<16xf32>,
      %parallel_loop3A_249 = arith.mulf %parallel_loop3A_248, %parallel_loop3A_214 : vector<16xf32>
      %parallel_loop3A_250 = arith.constant 12288 : i32
      %parallel_loop3A_251 = vector.broadcast %parallel_loop3A_250 : i32 to vector<16xi32>
      %parallel_loop3A_252 = arith.addi %parallel_loop3A_220, %parallel_loop3A_251 : vector<16xi32>
      tpu.vector_store_idx %arg9[%parallel_loop3A_252], %parallel_loop3A_249 {add = true} : memref<16384xf32, #tpu.memory_space<vmem>>[vector<16xi32>], vector<16xf32>,
    } {sc.loop_unroll_factor = 2 : i64, sc.parallel_access}
    %mul3A_150 = arith.constant 32 : i32
    %mul3A_151 = arith.muli %add3A, %mul3A_150 : i32
    %add3A_152 = arith.constant 20 : i32
    %add3A_153 = arith.addi %mul3A_151, %add3A_152 : i32
    %mul3A_154 = arith.constant 4096 : i32
    %mul3A_155 = arith.muli %add3A_153, %mul3A_154 : i32
    %dma_start3A_156 = tpu.memref_slice %arg5[%mul3A_155] : memref<4194304xf32, #tpu.memory_space<hbm>> -> memref<16384xf32, #tpu.memory_space<hbm>>
    %dma_start3A_157 = tpu.memref_slice %arg5[%mul3A_155] : memref<4194304xf32, #tpu.memory_space<hbm>> -> memref<16384xf32, #tpu.memory_space<hbm>>
    tpu.enqueue_dma source(%arg9 : memref<16384xf32, #tpu.memory_space<vmem>>) target(%dma_start3A_157 : memref<16384xf32, #tpu.memory_space<hbm>>) target_semaphore(%arg15 : memref<!tpu.dma_semaphore, #tpu.memory_space<semaphore_mem>>)
    %dma_wait3A_158 = tpu.memref_slice %arg2[%mul3A_139] : memref<4194304xf32, #tpu.memory_space<hbm>> -> memref<16384xf32, #tpu.memory_space<hbm>>
    %dma_wait3A_159 = tpu.memref_slice %arg2[%mul3A_139] : memref<4194304xf32, #tpu.memory_space<hbm>> -> memref<16384xf32, #tpu.memory_space<hbm>>
    tpu.wait_dma2 semaphore(%arg12 : memref<!tpu.dma_semaphore, #tpu.memory_space<semaphore_mem>>) src(%dma_wait3A_159 : memref<16384xf32, #tpu.memory_space<hbm>>) dst(%arg6 : memref<16384xf32, #tpu.memory_space<vmem>>)
    %mul3A_160 = arith.constant 32 : i32
    %mul3A_161 = arith.muli %add3A, %mul3A_160 : i32
    %add3A_162 = arith.constant 28 : i32
    %add3A_163 = arith.addi %mul3A_161, %add3A_162 : i32
    %mul3A_164 = arith.constant 4096 : i32
    %mul3A_165 = arith.muli %add3A_163, %mul3A_164 : i32
    %dma_start3A_166 = tpu.memref_slice %arg2[%mul3A_165] : memref<4194304xf32, #tpu.memory_space<hbm>> -> memref<16384xf32, #tpu.memory_space<hbm>>
    %dma_start3A_167 = tpu.memref_slice %arg2[%mul3A_165] : memref<4194304xf32, #tpu.memory_space<hbm>> -> memref<16384xf32, #tpu.memory_space<hbm>>
    tpu.enqueue_dma source(%dma_start3A_167 : memref<16384xf32, #tpu.memory_space<hbm>>) target(%arg7 : memref<16384xf32, #tpu.memory_space<vmem>>) target_semaphore(%arg13 : memref<!tpu.dma_semaphore, #tpu.memory_space<semaphore_mem>>)
    %dma_wait3A_168 = tpu.memref_slice %arg5[%mul3A_129] : memref<4194304xf32, #tpu.memory_space<hbm>> -> memref<16384xf32, #tpu.memory_space<hbm>>
    %dma_wait3A_169 = tpu.memref_slice %arg5[%mul3A_129] : memref<4194304xf32, #tpu.memory_space<hbm>> -> memref<16384xf32, #tpu.memory_space<hbm>>
    tpu.wait_dma2 semaphore(%arg14 : memref<!tpu.dma_semaphore, #tpu.memory_space<semaphore_mem>>) src(%arg8 : memref<16384xf32, #tpu.memory_space<vmem>>) dst(%dma_wait3A_169 : memref<16384xf32, #tpu.memory_space<hbm>>)
    %parallel_loop3A_170 = arith.constant 0 : i32
    %parallel_loop3A_171 = arith.constant 4096 : i32
    %parallel_loop3A_172 = arith.constant 16 : i32
    scf.for %parallel_loop3A_206 = %parallel_loop3A_170 to %parallel_loop3A_171 step %parallel_loop3A_172  : i32 {
      %parallel_loop3A_207 = tpu.assume_multiple %parallel_loop3A_206, 16 : i32
      %parallel_loop3A_208 = arith.index_cast %parallel_loop3A_207 : i32 to index
      %parallel_loop3A_209 = tpu.vector_load %arg11[%parallel_loop3A_208] {strides = array<i32>} : memref<4096xf32, #tpu.memory_space<vmem>>, vector<16xf32>,
      %parallel_loop3A_210 = arith.constant 0 : i32
      %parallel_loop3A_211 = arith.addi %parallel_loop3A_207, %parallel_loop3A_210 : i32
      %parallel_loop3A_212 = arith.index_cast %parallel_loop3A_211 : i32 to index
      %parallel_loop3A_213 = tpu.vector_load %arg8[%parallel_loop3A_212] {strides = array<i32>} : memref<16384xf32, #tpu.memory_space<vmem>>, vector<16xf32>,
      tpu.vector_store %arg8[%parallel_loop3A_212], %parallel_loop3A_209 {strides = array<i32>} : memref<16384xf32, #tpu.memory_space<vmem>>, vector<16xf32>,
      %parallel_loop3A_214 = arith.constant 4096 : i32
      %parallel_loop3A_215 = arith.addi %parallel_loop3A_207, %parallel_loop3A_214 : i32
      %parallel_loop3A_216 = arith.index_cast %parallel_loop3A_215 : i32 to index
      %parallel_loop3A_217 = tpu.vector_load %arg8[%parallel_loop3A_216] {strides = array<i32>} : memref<16384xf32, #tpu.memory_space<vmem>>, vector<16xf32>,
      tpu.vector_store %arg8[%parallel_loop3A_216], %parallel_loop3A_209 {strides = array<i32>} : memref<16384xf32, #tpu.memory_space<vmem>>, vector<16xf32>,
      %parallel_loop3A_218 = arith.constant 8192 : i32
      %parallel_loop3A_219 = arith.addi %parallel_loop3A_207, %parallel_loop3A_218 : i32
      %parallel_loop3A_220 = arith.index_cast %parallel_loop3A_219 : i32 to index
      %parallel_loop3A_221 = tpu.vector_load %arg8[%parallel_loop3A_220] {strides = array<i32>} : memref<16384xf32, #tpu.memory_space<vmem>>, vector<16xf32>,
      tpu.vector_store %arg8[%parallel_loop3A_220], %parallel_loop3A_209 {strides = array<i32>} : memref<16384xf32, #tpu.memory_space<vmem>>, vector<16xf32>,
      %parallel_loop3A_222 = arith.constant 12288 : i32
      %parallel_loop3A_223 = arith.addi %parallel_loop3A_207, %parallel_loop3A_222 : i32
      %parallel_loop3A_224 = arith.index_cast %parallel_loop3A_223 : i32 to index
      %parallel_loop3A_225 = tpu.vector_load %arg8[%parallel_loop3A_224] {strides = array<i32>} : memref<16384xf32, #tpu.memory_space<vmem>>, vector<16xf32>,
      tpu.vector_store %arg8[%parallel_loop3A_224], %parallel_loop3A_209 {strides = array<i32>} : memref<16384xf32, #tpu.memory_space<vmem>>, vector<16xf32>,
    } {sc.loop_unroll_factor = 4 : i64, sc.parallel_access}
    %parallel_loop3A_173 = arith.constant 0 : i32
    %parallel_loop3A_174 = arith.constant 16800 : i32
    %parallel_loop3A_175 = arith.constant 16 : i32
    scf.for %parallel_loop3A_206 = %parallel_loop3A_173 to %parallel_loop3A_174 step %parallel_loop3A_175  : i32 {
      %parallel_loop3A_207 = tpu.assume_multiple %parallel_loop3A_206, 16 : i32
      %parallel_loop3A_208 = arith.index_cast %parallel_loop3A_207 : i32 to index
      %parallel_loop3A_209 = tpu.vector_load %arg10[%parallel_loop3A_208] {strides = array<i32>} : memref<33600xi32, #tpu.memory_space<vmem>>, vector<16xi32>,
      %parallel_loop3A_210 = arith.constant 16800 : i32
      %parallel_loop3A_211 = arith.addi %parallel_loop3A_207, %parallel_loop3A_210 : i32
      %parallel_loop3A_212 = arith.index_cast %parallel_loop3A_211 : i32 to index
      %parallel_loop3A_213 = tpu.vector_load %arg10[%parallel_loop3A_212] {strides = array<i32>} : memref<33600xi32, #tpu.memory_space<vmem>>, vector<16xi32>,
      %parallel_loop3A_214 = vector.bitcast %parallel_loop3A_213 : vector<16xi32> to vector<16xf32>
      %parallel_loop3A_215 = arith.constant 4095 : i32
      %parallel_loop3A_216 = vector.broadcast %parallel_loop3A_215 : i32 to vector<16xi32>
      %parallel_loop3A_217 = arith.andi %parallel_loop3A_209, %parallel_loop3A_216 : vector<16xi32>
      %parallel_loop3A_218 = arith.constant 12 : i32
      %parallel_loop3A_219 = vector.broadcast %parallel_loop3A_218 : i32 to vector<16xi32>
      %parallel_loop3A_220 = arith.shrui %parallel_loop3A_209, %parallel_loop3A_219 : vector<16xi32>
      %parallel_loop3A_221 = arith.constant 0 : i32
      %parallel_loop3A_222 = vector.broadcast %parallel_loop3A_221 : i32 to vector<16xi32>
      %parallel_loop3A_223 = arith.addi %parallel_loop3A_217, %parallel_loop3A_222 : vector<16xi32>
      %parallel_loop3A_224 = tpu.vector_load_idx %arg6[%parallel_loop3A_223] : memref<16384xf32, #tpu.memory_space<vmem>>[vector<16xi32>], vector<16xf32>,
      %parallel_loop3A_225 = arith.mulf %parallel_loop3A_224, %parallel_loop3A_214 : vector<16xf32>
      %parallel_loop3A_226 = arith.constant 0 : i32
      %parallel_loop3A_227 = vector.broadcast %parallel_loop3A_226 : i32 to vector<16xi32>
      %parallel_loop3A_228 = arith.addi %parallel_loop3A_220, %parallel_loop3A_227 : vector<16xi32>
      tpu.vector_store_idx %arg8[%parallel_loop3A_228], %parallel_loop3A_225 {add = true} : memref<16384xf32, #tpu.memory_space<vmem>>[vector<16xi32>], vector<16xf32>,
      %parallel_loop3A_229 = arith.constant 4096 : i32
      %parallel_loop3A_230 = vector.broadcast %parallel_loop3A_229 : i32 to vector<16xi32>
      %parallel_loop3A_231 = arith.addi %parallel_loop3A_217, %parallel_loop3A_230 : vector<16xi32>
      %parallel_loop3A_232 = tpu.vector_load_idx %arg6[%parallel_loop3A_231] : memref<16384xf32, #tpu.memory_space<vmem>>[vector<16xi32>], vector<16xf32>,
      %parallel_loop3A_233 = arith.mulf %parallel_loop3A_232, %parallel_loop3A_214 : vector<16xf32>
      %parallel_loop3A_234 = arith.constant 4096 : i32
      %parallel_loop3A_235 = vector.broadcast %parallel_loop3A_234 : i32 to vector<16xi32>
      %parallel_loop3A_236 = arith.addi %parallel_loop3A_220, %parallel_loop3A_235 : vector<16xi32>
      tpu.vector_store_idx %arg8[%parallel_loop3A_236], %parallel_loop3A_233 {add = true} : memref<16384xf32, #tpu.memory_space<vmem>>[vector<16xi32>], vector<16xf32>,
      %parallel_loop3A_237 = arith.constant 8192 : i32
      %parallel_loop3A_238 = vector.broadcast %parallel_loop3A_237 : i32 to vector<16xi32>
      %parallel_loop3A_239 = arith.addi %parallel_loop3A_217, %parallel_loop3A_238 : vector<16xi32>
      %parallel_loop3A_240 = tpu.vector_load_idx %arg6[%parallel_loop3A_239] : memref<16384xf32, #tpu.memory_space<vmem>>[vector<16xi32>], vector<16xf32>,
      %parallel_loop3A_241 = arith.mulf %parallel_loop3A_240, %parallel_loop3A_214 : vector<16xf32>
      %parallel_loop3A_242 = arith.constant 8192 : i32
      %parallel_loop3A_243 = vector.broadcast %parallel_loop3A_242 : i32 to vector<16xi32>
      %parallel_loop3A_244 = arith.addi %parallel_loop3A_220, %parallel_loop3A_243 : vector<16xi32>
      tpu.vector_store_idx %arg8[%parallel_loop3A_244], %parallel_loop3A_241 {add = true} : memref<16384xf32, #tpu.memory_space<vmem>>[vector<16xi32>], vector<16xf32>,
      %parallel_loop3A_245 = arith.constant 12288 : i32
      %parallel_loop3A_246 = vector.broadcast %parallel_loop3A_245 : i32 to vector<16xi32>
      %parallel_loop3A_247 = arith.addi %parallel_loop3A_217, %parallel_loop3A_246 : vector<16xi32>
      %parallel_loop3A_248 = tpu.vector_load_idx %arg6[%parallel_loop3A_247] : memref<16384xf32, #tpu.memory_space<vmem>>[vector<16xi32>], vector<16xf32>,
      %parallel_loop3A_249 = arith.mulf %parallel_loop3A_248, %parallel_loop3A_214 : vector<16xf32>
      %parallel_loop3A_250 = arith.constant 12288 : i32
      %parallel_loop3A_251 = vector.broadcast %parallel_loop3A_250 : i32 to vector<16xi32>
      %parallel_loop3A_252 = arith.addi %parallel_loop3A_220, %parallel_loop3A_251 : vector<16xi32>
      tpu.vector_store_idx %arg8[%parallel_loop3A_252], %parallel_loop3A_249 {add = true} : memref<16384xf32, #tpu.memory_space<vmem>>[vector<16xi32>], vector<16xf32>,
    } {sc.loop_unroll_factor = 2 : i64, sc.parallel_access}
    %mul3A_176 = arith.constant 32 : i32
    %mul3A_177 = arith.muli %add3A, %mul3A_176 : i32
    %add3A_178 = arith.constant 24 : i32
    %add3A_179 = arith.addi %mul3A_177, %add3A_178 : i32
    %mul3A_180 = arith.constant 4096 : i32
    %mul3A_181 = arith.muli %add3A_179, %mul3A_180 : i32
    %dma_start3A_182 = tpu.memref_slice %arg5[%mul3A_181] : memref<4194304xf32, #tpu.memory_space<hbm>> -> memref<16384xf32, #tpu.memory_space<hbm>>
    %dma_start3A_183 = tpu.memref_slice %arg5[%mul3A_181] : memref<4194304xf32, #tpu.memory_space<hbm>> -> memref<16384xf32, #tpu.memory_space<hbm>>
    tpu.enqueue_dma source(%arg8 : memref<16384xf32, #tpu.memory_space<vmem>>) target(%dma_start3A_183 : memref<16384xf32, #tpu.memory_space<hbm>>) target_semaphore(%arg14 : memref<!tpu.dma_semaphore, #tpu.memory_space<semaphore_mem>>)
    %dma_wait3A_184 = tpu.memref_slice %arg2[%mul3A_165] : memref<4194304xf32, #tpu.memory_space<hbm>> -> memref<16384xf32, #tpu.memory_space<hbm>>
    %dma_wait3A_185 = tpu.memref_slice %arg2[%mul3A_165] : memref<4194304xf32, #tpu.memory_space<hbm>> -> memref<16384xf32, #tpu.memory_space<hbm>>
    tpu.wait_dma2 semaphore(%arg13 : memref<!tpu.dma_semaphore, #tpu.memory_space<semaphore_mem>>) src(%dma_wait3A_185 : memref<16384xf32, #tpu.memory_space<hbm>>) dst(%arg7 : memref<16384xf32, #tpu.memory_space<vmem>>)
    %dma_wait3A_186 = tpu.memref_slice %arg5[%mul3A_155] : memref<4194304xf32, #tpu.memory_space<hbm>> -> memref<16384xf32, #tpu.memory_space<hbm>>
    %dma_wait3A_187 = tpu.memref_slice %arg5[%mul3A_155] : memref<4194304xf32, #tpu.memory_space<hbm>> -> memref<16384xf32, #tpu.memory_space<hbm>>
    tpu.wait_dma2 semaphore(%arg15 : memref<!tpu.dma_semaphore, #tpu.memory_space<semaphore_mem>>) src(%arg9 : memref<16384xf32, #tpu.memory_space<vmem>>) dst(%dma_wait3A_187 : memref<16384xf32, #tpu.memory_space<hbm>>)
    %parallel_loop3A_188 = arith.constant 0 : i32
    %parallel_loop3A_189 = arith.constant 4096 : i32
    %parallel_loop3A_190 = arith.constant 16 : i32
    scf.for %parallel_loop3A_206 = %parallel_loop3A_188 to %parallel_loop3A_189 step %parallel_loop3A_190  : i32 {
      %parallel_loop3A_207 = tpu.assume_multiple %parallel_loop3A_206, 16 : i32
      %parallel_loop3A_208 = arith.index_cast %parallel_loop3A_207 : i32 to index
      %parallel_loop3A_209 = tpu.vector_load %arg11[%parallel_loop3A_208] {strides = array<i32>} : memref<4096xf32, #tpu.memory_space<vmem>>, vector<16xf32>,
      %parallel_loop3A_210 = arith.constant 0 : i32
      %parallel_loop3A_211 = arith.addi %parallel_loop3A_207, %parallel_loop3A_210 : i32
      %parallel_loop3A_212 = arith.index_cast %parallel_loop3A_211 : i32 to index
      %parallel_loop3A_213 = tpu.vector_load %arg9[%parallel_loop3A_212] {strides = array<i32>} : memref<16384xf32, #tpu.memory_space<vmem>>, vector<16xf32>,
      tpu.vector_store %arg9[%parallel_loop3A_212], %parallel_loop3A_209 {strides = array<i32>} : memref<16384xf32, #tpu.memory_space<vmem>>, vector<16xf32>,
      %parallel_loop3A_214 = arith.constant 4096 : i32
      %parallel_loop3A_215 = arith.addi %parallel_loop3A_207, %parallel_loop3A_214 : i32
      %parallel_loop3A_216 = arith.index_cast %parallel_loop3A_215 : i32 to index
      %parallel_loop3A_217 = tpu.vector_load %arg9[%parallel_loop3A_216] {strides = array<i32>} : memref<16384xf32, #tpu.memory_space<vmem>>, vector<16xf32>,
      tpu.vector_store %arg9[%parallel_loop3A_216], %parallel_loop3A_209 {strides = array<i32>} : memref<16384xf32, #tpu.memory_space<vmem>>, vector<16xf32>,
      %parallel_loop3A_218 = arith.constant 8192 : i32
      %parallel_loop3A_219 = arith.addi %parallel_loop3A_207, %parallel_loop3A_218 : i32
      %parallel_loop3A_220 = arith.index_cast %parallel_loop3A_219 : i32 to index
      %parallel_loop3A_221 = tpu.vector_load %arg9[%parallel_loop3A_220] {strides = array<i32>} : memref<16384xf32, #tpu.memory_space<vmem>>, vector<16xf32>,
      tpu.vector_store %arg9[%parallel_loop3A_220], %parallel_loop3A_209 {strides = array<i32>} : memref<16384xf32, #tpu.memory_space<vmem>>, vector<16xf32>,
      %parallel_loop3A_222 = arith.constant 12288 : i32
      %parallel_loop3A_223 = arith.addi %parallel_loop3A_207, %parallel_loop3A_222 : i32
      %parallel_loop3A_224 = arith.index_cast %parallel_loop3A_223 : i32 to index
      %parallel_loop3A_225 = tpu.vector_load %arg9[%parallel_loop3A_224] {strides = array<i32>} : memref<16384xf32, #tpu.memory_space<vmem>>, vector<16xf32>,
      tpu.vector_store %arg9[%parallel_loop3A_224], %parallel_loop3A_209 {strides = array<i32>} : memref<16384xf32, #tpu.memory_space<vmem>>, vector<16xf32>,
    } {sc.loop_unroll_factor = 4 : i64, sc.parallel_access}
    %parallel_loop3A_191 = arith.constant 0 : i32
    %parallel_loop3A_192 = arith.constant 16800 : i32
    %parallel_loop3A_193 = arith.constant 16 : i32
    scf.for %parallel_loop3A_206 = %parallel_loop3A_191 to %parallel_loop3A_192 step %parallel_loop3A_193  : i32 {
      %parallel_loop3A_207 = tpu.assume_multiple %parallel_loop3A_206, 16 : i32
      %parallel_loop3A_208 = arith.index_cast %parallel_loop3A_207 : i32 to index
      %parallel_loop3A_209 = tpu.vector_load %arg10[%parallel_loop3A_208] {strides = array<i32>} : memref<33600xi32, #tpu.memory_space<vmem>>, vector<16xi32>,
      %parallel_loop3A_210 = arith.constant 16800 : i32
      %parallel_loop3A_211 = arith.addi %parallel_loop3A_207, %parallel_loop3A_210 : i32
      %parallel_loop3A_212 = arith.index_cast %parallel_loop3A_211 : i32 to index
      %parallel_loop3A_213 = tpu.vector_load %arg10[%parallel_loop3A_212] {strides = array<i32>} : memref<33600xi32, #tpu.memory_space<vmem>>, vector<16xi32>,
      %parallel_loop3A_214 = vector.bitcast %parallel_loop3A_213 : vector<16xi32> to vector<16xf32>
      %parallel_loop3A_215 = arith.constant 4095 : i32
      %parallel_loop3A_216 = vector.broadcast %parallel_loop3A_215 : i32 to vector<16xi32>
      %parallel_loop3A_217 = arith.andi %parallel_loop3A_209, %parallel_loop3A_216 : vector<16xi32>
      %parallel_loop3A_218 = arith.constant 12 : i32
      %parallel_loop3A_219 = vector.broadcast %parallel_loop3A_218 : i32 to vector<16xi32>
      %parallel_loop3A_220 = arith.shrui %parallel_loop3A_209, %parallel_loop3A_219 : vector<16xi32>
      %parallel_loop3A_221 = arith.constant 0 : i32
      %parallel_loop3A_222 = vector.broadcast %parallel_loop3A_221 : i32 to vector<16xi32>
      %parallel_loop3A_223 = arith.addi %parallel_loop3A_217, %parallel_loop3A_222 : vector<16xi32>
      %parallel_loop3A_224 = tpu.vector_load_idx %arg7[%parallel_loop3A_223] : memref<16384xf32, #tpu.memory_space<vmem>>[vector<16xi32>], vector<16xf32>,
      %parallel_loop3A_225 = arith.mulf %parallel_loop3A_224, %parallel_loop3A_214 : vector<16xf32>
      %parallel_loop3A_226 = arith.constant 0 : i32
      %parallel_loop3A_227 = vector.broadcast %parallel_loop3A_226 : i32 to vector<16xi32>
      %parallel_loop3A_228 = arith.addi %parallel_loop3A_220, %parallel_loop3A_227 : vector<16xi32>
      tpu.vector_store_idx %arg9[%parallel_loop3A_228], %parallel_loop3A_225 {add = true} : memref<16384xf32, #tpu.memory_space<vmem>>[vector<16xi32>], vector<16xf32>,
      %parallel_loop3A_229 = arith.constant 4096 : i32
      %parallel_loop3A_230 = vector.broadcast %parallel_loop3A_229 : i32 to vector<16xi32>
      %parallel_loop3A_231 = arith.addi %parallel_loop3A_217, %parallel_loop3A_230 : vector<16xi32>
      %parallel_loop3A_232 = tpu.vector_load_idx %arg7[%parallel_loop3A_231] : memref<16384xf32, #tpu.memory_space<vmem>>[vector<16xi32>], vector<16xf32>,
      %parallel_loop3A_233 = arith.mulf %parallel_loop3A_232, %parallel_loop3A_214 : vector<16xf32>
      %parallel_loop3A_234 = arith.constant 4096 : i32
      %parallel_loop3A_235 = vector.broadcast %parallel_loop3A_234 : i32 to vector<16xi32>
      %parallel_loop3A_236 = arith.addi %parallel_loop3A_220, %parallel_loop3A_235 : vector<16xi32>
      tpu.vector_store_idx %arg9[%parallel_loop3A_236], %parallel_loop3A_233 {add = true} : memref<16384xf32, #tpu.memory_space<vmem>>[vector<16xi32>], vector<16xf32>,
      %parallel_loop3A_237 = arith.constant 8192 : i32
      %parallel_loop3A_238 = vector.broadcast %parallel_loop3A_237 : i32 to vector<16xi32>
      %parallel_loop3A_239 = arith.addi %parallel_loop3A_217, %parallel_loop3A_238 : vector<16xi32>
      %parallel_loop3A_240 = tpu.vector_load_idx %arg7[%parallel_loop3A_239] : memref<16384xf32, #tpu.memory_space<vmem>>[vector<16xi32>], vector<16xf32>,
      %parallel_loop3A_241 = arith.mulf %parallel_loop3A_240, %parallel_loop3A_214 : vector<16xf32>
      %parallel_loop3A_242 = arith.constant 8192 : i32
      %parallel_loop3A_243 = vector.broadcast %parallel_loop3A_242 : i32 to vector<16xi32>
      %parallel_loop3A_244 = arith.addi %parallel_loop3A_220, %parallel_loop3A_243 : vector<16xi32>
      tpu.vector_store_idx %arg9[%parallel_loop3A_244], %parallel_loop3A_241 {add = true} : memref<16384xf32, #tpu.memory_space<vmem>>[vector<16xi32>], vector<16xf32>,
      %parallel_loop3A_245 = arith.constant 12288 : i32
      %parallel_loop3A_246 = vector.broadcast %parallel_loop3A_245 : i32 to vector<16xi32>
      %parallel_loop3A_247 = arith.addi %parallel_loop3A_217, %parallel_loop3A_246 : vector<16xi32>
      %parallel_loop3A_248 = tpu.vector_load_idx %arg7[%parallel_loop3A_247] : memref<16384xf32, #tpu.memory_space<vmem>>[vector<16xi32>], vector<16xf32>,
      %parallel_loop3A_249 = arith.mulf %parallel_loop3A_248, %parallel_loop3A_214 : vector<16xf32>
      %parallel_loop3A_250 = arith.constant 12288 : i32
      %parallel_loop3A_251 = vector.broadcast %parallel_loop3A_250 : i32 to vector<16xi32>
      %parallel_loop3A_252 = arith.addi %parallel_loop3A_220, %parallel_loop3A_251 : vector<16xi32>
      tpu.vector_store_idx %arg9[%parallel_loop3A_252], %parallel_loop3A_249 {add = true} : memref<16384xf32, #tpu.memory_space<vmem>>[vector<16xi32>], vector<16xf32>,
    } {sc.loop_unroll_factor = 2 : i64, sc.parallel_access}
    %mul3A_194 = arith.constant 32 : i32
    %mul3A_195 = arith.muli %add3A, %mul3A_194 : i32
    %add3A_196 = arith.constant 28 : i32
    %add3A_197 = arith.addi %mul3A_195, %add3A_196 : i32
    %mul3A_198 = arith.constant 4096 : i32
    %mul3A_199 = arith.muli %add3A_197, %mul3A_198 : i32
    %dma_start3A_200 = tpu.memref_slice %arg5[%mul3A_199] : memref<4194304xf32, #tpu.memory_space<hbm>> -> memref<16384xf32, #tpu.memory_space<hbm>>
    %dma_start3A_201 = tpu.memref_slice %arg5[%mul3A_199] : memref<4194304xf32, #tpu.memory_space<hbm>> -> memref<16384xf32, #tpu.memory_space<hbm>>
    tpu.enqueue_dma source(%arg9 : memref<16384xf32, #tpu.memory_space<vmem>>) target(%dma_start3A_201 : memref<16384xf32, #tpu.memory_space<hbm>>) target_semaphore(%arg15 : memref<!tpu.dma_semaphore, #tpu.memory_space<semaphore_mem>>)
    %dma_wait3A_202 = tpu.memref_slice %arg5[%mul3A_181] : memref<4194304xf32, #tpu.memory_space<hbm>> -> memref<16384xf32, #tpu.memory_space<hbm>>
    %dma_wait3A_203 = tpu.memref_slice %arg5[%mul3A_181] : memref<4194304xf32, #tpu.memory_space<hbm>> -> memref<16384xf32, #tpu.memory_space<hbm>>
    tpu.wait_dma2 semaphore(%arg14 : memref<!tpu.dma_semaphore, #tpu.memory_space<semaphore_mem>>) src(%arg8 : memref<16384xf32, #tpu.memory_space<vmem>>) dst(%dma_wait3A_203 : memref<16384xf32, #tpu.memory_space<hbm>>)
    %dma_wait3A_204 = tpu.memref_slice %arg5[%mul3A_199] : memref<4194304xf32, #tpu.memory_space<hbm>> -> memref<16384xf32, #tpu.memory_space<hbm>>
    %dma_wait3A_205 = tpu.memref_slice %arg5[%mul3A_199] : memref<4194304xf32, #tpu.memory_space<hbm>> -> memref<16384xf32, #tpu.memory_space<hbm>>
    tpu.wait_dma2 semaphore(%arg15 : memref<!tpu.dma_semaphore, #tpu.memory_space<semaphore_mem>>) src(%arg9 : memref<16384xf32, #tpu.memory_space<vmem>>) dst(%dma_wait3A_205 : memref<16384xf32, #tpu.memory_space<hbm>>)
    return
  }
}

</mosaic_0001>

<sc_bundles>
// kernel: kernel.3.cloned.1.call-start
scs
__scs_entry_jumppad:
0x0: {  	(pc) =	sbr.rel $0x88, $3  }
0x1: {  	(tag) =	ssettag $0x0;
	lr =	simm.s32 $0x1  }
0x2: {  	[smem:$0x3F9C] =	sst lr;
	_ =	strace $0xD0000000  }
0x3: {  	_ = 	snop  }
0x4: {  	_ = 	snop  }
0x5: {  	_ = 	snop  }
0x6: {  	_ = 	snop  }
0x7: {  	_ = 	snop  }
__scs_overlays_trampoline_lowered:
0x8: {  	[smem:$0x3FAB] =	sst s0  }
0x9: {  	[smem:$0x3FAC] =	sst s1  }
0xa: {  	[smem:$0x3FAD] =	sst s2  }
0xb: {  	[smem:$0x3FAE] =	sst s3  }
0xc: {  	[smem:$0x3FAF] =	sst s4  }
0xd: {  	[smem:$0x3FB0] =	sst s5  }
0xe: {  	[smem:$0x3FB1] =	sst s6  }
0xf: {  	[smem:$0x3FB2] =	sst s7  }
0x10: {  	[smem:$0x3FB3] =	sst s8  }
0x11: {  	[smem:$0x3FB4] =	sst s9;
	s0 =	simm.s32 @!p0 $0x0  }
0x12: {  	s1 =	sld [smem:$0x3F9A];
	s0 =	simm.s32 @p0 $0x1  }
0x13: {  	[smem:$0x3FB5] =	sst s0;
	s0 =	simm.s32 @!p1 $0x0  }
0x14: {  	s2 =	sld [smem:$0x3F99];
	s0 =	simm.s32 @p1 $0x1  }
0x15: {  	[smem:$0x3FB6] =	sst s0;
	s0 =	simm.s32 @!p2 $0x0  }
0x16: {  	s3 =	sld [smem:$0x3FDB];
	s0 =	simm.s32 @p2 $0x1  }
0x17: {  	s4 =	simm.s32 $0x1BF5;
	[smem:$0x3FB8] =	sst s0  }
0x18: {  	s0 =	sld [smem:$0x3F9B];
	_ =	swait.ge [sflag:s4], $0x0  }
0x19: {  	s7 =	sld [smem:$0x3F9C]  }
0x1a: {  	s8 =	sadd.s32 $0xFFFFE003, lr  }
0x1b: {  	s9 =	sadd.s32 $0xFFFFFEF7, lr;
	s5 =	simm.s32 $0xFFFFFFFF;
	p2 =	slt.u32 s8, $0xFFFFF086  }
0x1c: {  	p1 =	slt.u32 s9, $0xF7A;
	s5 =	simm.s32 @!p2 $0x0  }
0x1d: {  	s5 =	simm.s32 @p1 $0x1;
	p0 =	seq.s32 s7, s2  }
0x1e: {  	s7 =	smul.u32 @!p0 $0xF7A, s2;
	p2 =	seq.s32 @!p0 s5, $0x0  }
0x1f: {  	s9 =	smul.u32 $0xF7A, s1;
	s8 =	simm.s32 @!p0 $0x1BF5;
	p2 =	por !p2, p0  }
0x20: {  	[sflag:s8] =	ssyncset.s32 @!p0 $0xFFFFF086;
	s6 =	sadd.s32 @!p0 s3, s7;
	s7 =	simm.s32 @!p0 $0x108  }
0x21: {  	s3 =	sadd.s32 s3, s9;
	s6 =	sadd.s32 @!p0 $0x88, s6;
	s7 =	simm.s32 @p2 $0x1082  }
0x22: {  	[simem:s7], [sflag:s8] =	dma.local @!p0 [hbm:s6], $0xF7A  }
0x23: {  	s9 =	sor.u32 $0xD0000000, s2;
	s6 =	simm.s32 $0x108;
	_ =	swait.ge @!p0 [sflag:s8], $0x0  }
0x24: {  	s3 =	sadd.s32 $0x88, s3;
	s6 =	simm.s32 @!p1 $0x1082;
	[sflag:s4] =	ssyncset.s32 $0xFFFFF086  }
0x25: {  	[simem:s6], [sflag:s4] =	dma.local [hbm:s3], $0xF7A  }
0x26: {  	[smem:$0x3F9C] =	sst s1;
	(tag) =	ssettag s2;
	_ =	strace s9  }
0x27: {  	s1 =	sld [smem:$0x3FAC]  }
0x28: {  	s2 =	sld [smem:$0x3FAD]  }
0x29: {  	s4 =	sld [smem:$0x3FAF]  }
0x2a: {  	p0 =	seq.s32 s5, $0x0;
	s5 =	sld [smem:$0x3FB0]  }
0x2b: {  	s6 =	sld [smem:$0x3FB1]  }
0x2c: {  	s7 =	sld [smem:$0x3FB2]  }
0x2d: {  	s3 =	simm.s32 $0x108;
	s8 =	sld [smem:$0x3FB3]  }
0x2e: {  	s3 =	simm.s32 @!p0 $0x1082;
	s9 =	sld [smem:$0x3FB4]  }
0x2f: {  	lr =	sadd.s32 s0, s3;
	s0 =	sld [smem:$0x3FAB]  }
0x30: {  	s3 =	sld [smem:$0x3FAE]  }
0x31: {  	[smem:$0x3FB7] =	sst s10  }
0x32: {  	s10 =	sld [smem:$0x3FB5];
	_ =	sdelay $0x3  }
0x33: {  	p0 =	seq.s32 s10, $0x1;
	s10 =	sld [smem:$0x3FB7];
	_ =	sdelay $0x3  }
0x34: {  	[smem:$0x3FB7] =	sst s10  }
0x35: {  	s10 =	sld [smem:$0x3FB6];
	_ =	sdelay $0x3  }
0x36: {  	p1 =	seq.s32 s10, $0x1;
	s10 =	sld [smem:$0x3FB7];
	_ =	sdelay $0x3  }
0x37: {  	[smem:$0x3FB7] =	sst s10  }
0x38: {  	s10 =	sld [smem:$0x3FB8]  }
0x39: {  	_ = 	snop;
	(pc) =	sbr.ind lr, $3  }
0x3a: {  	_ = 	snop  }
0x3b: {  	_ = 	snop  }
0x3c: {  	p2 =	seq.s32 s10, $0x1;
	s10 =	sld [smem:$0x3FB7]  }
0x3d: {  	_ =	shalt  }
0x3e: {  	_ =	shalt  }
0x3f: {  	_ =	shalt  }
0x40: {  	_ =	shalt  }
0x41: {  	_ =	shalt  }
0x42: {  	_ =	shalt  }
0x43: {  	_ =	shalt  }
0x44: {  	_ =	shalt  }
0x45: {  	_ =	shalt  }
0x46: {  	_ =	shalt  }
0x47: {  	_ =	shalt  }
0x48: {  	_ =	shalt  }
0x49: {  	_ =	shalt  }
0x4a: {  	_ =	shalt  }
0x4b: {  	_ =	shalt  }
0x4c: {  	_ =	shalt  }
0x4d: {  	_ =	shalt  }
0x4e: {  	_ =	shalt  }
0x4f: {  	_ =	shalt  }
0x50: {  	_ =	shalt  }
0x51: {  	_ =	shalt  }
0x52: {  	_ =	shalt  }
0x53: {  	_ =	shalt  }
0x54: {  	_ =	shalt  }
0x55: {  	_ =	shalt  }
0x56: {  	_ =	shalt  }
0x57: {  	_ =	shalt  }
0x58: {  	_ =	shalt  }
0x59: {  	_ =	shalt  }
0x5a: {  	_ =	shalt  }
0x5b: {  	_ =	shalt  }
0x5c: {  	_ =	shalt  }
0x5d: {  	_ =	shalt  }
0x5e: {  	_ =	shalt  }
0x5f: {  	_ =	shalt  }
0x60: {  	_ =	shalt  }
0x61: {  	_ =	shalt  }
0x62: {  	_ =	shalt  }
0x63: {  	_ =	shalt  }
0x64: {  	_ =	shalt  }
0x65: {  	_ =	shalt  }
0x66: {  	_ =	shalt  }
0x67: {  	_ =	shalt  }
0x68: {  	_ =	shalt  }
0x69: {  	_ =	shalt  }
0x6a: {  	_ =	shalt  }
0x6b: {  	_ =	shalt  }
0x6c: {  	_ =	shalt  }
0x6d: {  	_ =	shalt  }
0x6e: {  	_ =	shalt  }
0x6f: {  	_ =	shalt  }
0x70: {  	_ =	shalt  }
0x71: {  	_ =	shalt  }
0x72: {  	_ =	shalt  }
0x73: {  	_ =	shalt  }
0x74: {  	_ =	shalt  }
0x75: {  	_ =	shalt  }
0x76: {  	_ =	shalt  }
0x77: {  	_ =	shalt  }
0x78: {  	_ =	shalt  }
0x79: {  	_ =	shalt  }
0x7a: {  	_ =	shalt  }
0x7b: {  	_ =	shalt  }
0x7c: {  	_ =	shalt  }
0x7d: {  	_ =	shalt  }
0x7e: {  	_ =	shalt  }
0x7f: {  	_ =	shalt  }
0x80: {  	_ =	shalt  }
0x81: {  	_ =	shalt  }
0x82: {  	_ =	shalt  }
0x83: {  	_ =	shalt  }
0x84: {  	_ =	shalt  }
0x85: {  	_ =	shalt  }
0x86: {  	_ =	shalt  }
0x87: {  	_ =	shalt  }
.Lfunc_end0:
.L_simem_size_0:
called_computation_lowered:
.L_overlay_start_0:
0x88: {  	s2 =	sld [smem:$0x3FD9]  }
0x89: {  	s3 =	sld [smem:$0x3FFE];
	_ =	sdelay $0x1  }
0x8a: {  	s1 =	srdreg.scid  }
0x8b: {  	s0 =	sand.u32 $0x1, s1  }
0x8c: {  	s17 =	sshll.u32 s0, $0xA;
	s2 =	sadd.s32 s3, s2  }
0x8d: {  	s2 =	sadd.s32 s2, s17  }
0x8e: {  	[smem:$0x3FC3] =	sst s2  }
0x8f: {  	_ = 	snop  }
0x90: {  	s2 =	sld [smem:$0x3FC7]  }
0x91: {  	s18 =	sld [smem:$0x3FD0];
	(tm) =	ssettm $0x1  }
0x92: {  	s4 =	sld [smem:$0x3FFB];
	_ =	sdelay $0x3  }
0x93: {  	_ =	strace s4  }
0x94: {  	s4 =	sld [smem:$0x3FFC];
	_ =	sdelay $0x3  }
0x95: {  	_ =	strace s4  }
0x96: {  	s4 =	sld [smem:$0x3FFD];
	_ =	sdelay $0x3  }
0x97: {  	_ =	strace s4  }
0x98: {  	_ =	strace $0x8FFFFFFF  }
0x99: {  	s19 =	sld [smem:$0x3FDB];
	_ =	sdelay $0x1  }
0x9a: {  	s5 =	simm.s32 $_scs_section_size  }
0x9b: {  	s6 =	simm.s32 $_size__tile_overlayer_lowered;
	s7 =	simm.s32 $_tile_overlayer_lowered  }
0x9c: {  	s22 =	simm.s32 $0x1BFF;
	s21 =	sshll.u32 s7, $0x1;
	s4 =	sadd.s32 s5, s19  }
0x9d: {  	s8 =	simm.s32 $0x0;
	s20 =	sshll.u32 s6, $0x1;
	s6 =	sadd.s32 s21, s4  }
0x9e: {  	[timem:s8], [sflag:s22] =	dma.local [hbm:s6], s20  }
0x9f: {  	_ =	swait.ge [sflag:s22], s20  }
0xa0: {  	s5 =	ssub.s32 $0x0, s20;
	[sflag:s22] =	ssyncset.done $0x0  }
0xa1: {  	[sflag:s22] =	ssyncadd.s32 s5;
	_ =	sdelay $0x1  }
0xa2: {  	s23 =	simm.s32 $0x1B8B  }
0xa3: {  	_ =	swait.ge [sflag:s23], $0x1  }
0xa4: {  	[sflag:s23] =	ssyncset.done $0x0  }
0xa5: {  	s25 =	simm.s32 $0x1B8E;
	s24 =	sld [smem:$0x3FFE];
	[sflag:s23] =	ssyncadd.s32 $0xFFFFFFFF  }
0xa6: {  	s26 =	simm.s32 $execute0_lowered;
	[smem:$0x3FD2] =	sst s25  }
0xa7: {  	s6 =	sshll.u32 s26, $0x1;
	_ =	strace $0x80000046;
	[dreg:$0x1] =	wrdreg $0xFFFFFFFF  }
0xa8: {  	s28 =	simm.s32 $_size_execute0_lowered;
	s4 =	sadd.s32 s4, s6;
	[dreg:$0x0] =	wrdreg $0x0  }
0xa9: {  	s6 =	sshll.u32 s28, $0x1;
	[dreg:$0x2] =	wrdreg s4  }
0xaa: {  	[dreg:$0x3] =	wrdreg s6  }
0xab: {  	[dreg:$0x4] =	wrdreg $0xC0  }
0xac: {  	_ =	task [dreg:s8], $0x5FFFF  }
0xad: {  	[dreg:$0x1] =	wrdreg $0xFFFFFFFF  }
0xae: {  	[dreg:$0x0] =	wrdreg $0x60  }
0xaf: {  	[dreg:$0x2] =	wrdreg s18  }
0xb0: {  	[dreg:$0x3] =	wrdreg s24  }
0xb1: {  	[dreg:$0x4] =	wrdreg s2  }
0xb2: {  	[dreg:$0x5] =	wrdreg $0x9  }
0xb3: {  	_ =	task.clear_ibuf [dreg:s8], $0x6FFFF;
	_ =	strace $0x90000046  }
0xb4: {  	s29 =	simm.s32 $0x9;
	_ =	strace $0x80000048  }
0xb5: {  	_ =	swait.ge [sflag:s29], $0x1  }
0xb6: {  	[sflag:s29] =	ssyncadd.s32 $0xFFFFFFFF  }
0xb7: {  	_ =	strace $0x90000048  }
0xb8: {  	_ =	sfence  }
0xb9: {  	s30 =	sld [smem:$0x0];
	_ =	sdelay $0x2  }
0xba: {  	s31 =	sshll.u32 s1, $0xD;
	s1 =	sshrl.u32 s1, $0x2  }
0xbb: {  	s3 =	sand.u32 $0x4000, s31;
	s1 =	sadd.s32 s1, s30  }
0xbc: {  	s0 =	sor.u32 s3, s0;
	s1 =	sshll.u32 s1, $0x11  }
0xbd: {  	s0 =	sor.u32 s1, s0  }
0xbe: {  	s0 =	sadd.s32 $0x8F2B, s0  }
0xbf: {  	[sflag:s0] =	ssyncadd.remote.s32 $0x1  }
0xc0: {  	_ =	sfence.sel $0xFFFF  }
0xc1: {  	[dreg:$0x0] =	wrdreg $0xFFFFFFFF;
	(pc) =	sbr.abs _section_cstart, $3  }
0xc2: {  	[dreg:$0x1] =	wrdreg $0xFFFFFFFF  }
0xc3: {  	_ =	task.clear_ibuf [dreg:s8], $0x2FFFF;
	_ =	strace $0x9FFFFFFF  }
0xc4: {  	(tm) =	ssettm $0x7FFFFFFF  }
0xc5: {  	_ =	shalt  }
tec
execute0_lowered:
.L_overlay_start_1:
0x0: {  	(tag) =	ssettag $0x1  }
0x1: {  	s0 =	rddreg [dreg:$0x0]  }
0x2: {  	s1 =	rddreg [dreg:$0x1]  }
0x3: {  	s3 =	simm.s32 $0x0;
	s2 =	srdreg.scid;
	s4 =	stileid.u32  }
0x4: {  	s28 =	simm.s32 $0x4000;
	s29 =	simm.s32 $0x8000;
	s30 =	simm.s32 $0x2  }
0x5: {  	s31 =	simm.s32 $0xC000;
	[smem:$0x7FF] =	sst s3;
	s2 =	sand.u32 $0x1, s2  }
0x6: {  	s4 =	sshll.u32 s4, $0xF;
	s6 =	sadd.s32 $0x400, s1;
	s1 =	sadd.s32 $0x1600, s1  }
0x7: {  	_ =	strace $0x80000047;
	s5 =	sshll.u32 s2, $0xE;
	s2 =	ssub.s32 $0x2, s2  }
0x8: {  	[dreg:$0x4] =	wrdreg s6;
	s4 =	sor.u32 s5, s4;
	s21 =	sshrl.u32 s2, $0x1  }
0x9: {  	s9 =	sor.u32 $0x800, s4;
	s2 =	ssub.s32 s2, s21;
	s22 =	sadd.s32 s0, s4  }
0xa: {  	s7 =	sadd.s32 s1, s4;
	s24 =	sor.u32 $0x1000, s4;
	s13 =	sor.u32 $0x1800, s4  }
0xb: {  	s25 =	sor.u32 $0x2000, s4;
	s17 =	sor.u32 $0x2800, s4;
	s26 =	sor.u32 $0x3000, s4  }
0xc: {  	s4 =	sor.u32 $0x3800, s4;
	[dreg:$0x5] =	wrdreg s22;
	s23 =	sadd.s32 s0, s9  }
0xd: {  	s8 =	sadd.s32 s0, s24;
	s9 =	sadd.s32 s1, s9;
	s10 =	sadd.s32 s0, s13  }
0xe: {  	s11 =	sadd.s32 s1, s24;
	s12 =	sadd.s32 s0, s25;
	s13 =	sadd.s32 s1, s13  }
0xf: {  	s14 =	sadd.s32 s0, s17;
	s15 =	sadd.s32 s1, s25;
	s16 =	sadd.s32 s0, s26  }
0x10: {  	s17 =	sadd.s32 s1, s17;
	s18 =	sadd.s32 s0, s4;
	s19 =	sadd.s32 s1, s26  }
0x11: {  	s20 =	sadd.s32 s1, s4;
	s21 =	smax.u32 s2, $0x1;
	s24 =	simm.s32 $0x5  }
0x12: {  	s25 =	simm.s32 $0x6;
	s26 =	simm.s32 $0x1;
	s0 =	simm.s32 $0x3  }
0x13: {  	s2 =	simm.s32 $0x4;
	s1 =	simm.s32 $0x0;
	[dreg:$0x6] =	wrdreg s23  }
.LBB2_1:
0x14: {  	s4 =	rddreg [dreg:$0x4];
	s5 =	simm.s32 $0x10000  }
0x15: {  	[tilespmem:s5], [sflag:$0x5] =	stream.linear.gather [hbm4b:s4+s3], $0x8380, $0x38;
	[tilespmem:$0x19380] =	vst v63  }
0x16: {  	s6 =	simm.s32 $0x18380;
	s5 =	rddreg [dreg:$0x2]  }
0x17: {  	[tilespmem:s6], [sflag:$0x6] =	stream.linear.gather [hbm4b:s5+s3], $0x1000, $0x38;
	[tilespmem:$0x19380] =	vst v63  }
0x18: {  	s22 =	rddreg [dreg:$0x5]  }
0x19: {  	[tilespmem:s3], [sflag:$0x1] =	stream.linear.gather [hbm4b:s22+s3], $0x4000, $0x38;
	[tilespmem:$0x19380] =	vst v63  }
0x1a: {  	_ =	swait.ge [sflag:s24], $0x8380  }
0x1b: {  	[sflag:s24] =	ssyncset.done $0x0  }
0x1c: {  	[sflag:s24] =	ssyncadd.s32 $0xFFFF7C80  }
0x1d: {  	_ =	swait.ge [sflag:s25], $0x1000  }
0x1e: {  	[sflag:s25] =	ssyncset.done $0x0  }
0x1f: {  	[sflag:s25] =	ssyncadd.s32 $0xFFFFF000  }
0x20: {  	_ =	swait.ge [sflag:s26], $0x4000  }
0x21: {  	[sflag:s26] =	ssyncset.done $0x0  }
0x22: {  	s5 =	simm.s32 $0x183A0;
	s23 =	rddreg [dreg:$0x6];
	[sflag:s26] =	ssyncadd.s32 $0xFFFFC000  }
0x23: {  	[tilespmem:s28], [sflag:$0x2] =	stream.linear.gather [hbm4b:s23+s3], $0x4000, $0x38;
	[tilespmem:$0x19380] =	vst v63  }
0x24: {  	v0 =	vld [tilespmem:s5+$0x10]  }
0x25: {  	v2 =	vld [tilespmem:s5+$0xFFFFFFE0]  }
0x26: {  	v3 =	vld [tilespmem:s5+$0xFFFFFFF0];
	_ =	sdelay $0x1  }
0x27: {  	s22 =	simm.s32 $0xA010  }
0x28: {  	[tilespmem:s22+$0x1020] =	vst v0  }
0x29: {  	v1 =	vld [tilespmem:s5+$0x0];
	[tilespmem:s22+$0xFFFFDFF0] =	vst v2  }
0x2a: {  	[tilespmem:s22+$0xFFFFE000] =	vst v3  }
0x2b: {  	[tilespmem:s22+$0xFFFFF000] =	vst v3  }
0x2c: {  	[tilespmem:s22+$0x0] =	vst v3  }
0x2d: {  	[tilespmem:s22+$0x1000] =	vst v3  }
0x2e: {  	s23 =	simm.s32 $0x0;
	[tilespmem:s22+$0xFFFFE010] =	vst v1  }
0x2f: {  	s6 =	sand.u32 $0xFC0, s23;
	[tilespmem:s22+$0xFFFFF010] =	vst v1  }
0x30: {  	[tilespmem:s6+$0x9000] =	vst v2  }
0x31: {  	[tilespmem:s6+$0xA000] =	vst v2  }
0x32: {  	s4 =	simm.s32 $0x183E0;
	[tilespmem:s6+$0xB000] =	vst v2  }
.LBB2_2:
0x33: {  	v2 =	vld [tilespmem:s4+$0x10];
	[tilespmem:s22+$0x10] =	vst v1  }
0x34: {  	v3 =	vld [tilespmem:s4+$0xFFFFFFE0];
	[tilespmem:s22+$0x1010] =	vst v1  }
0x35: {  	v4 =	vld [tilespmem:s4+$0xFFFFFFF0];
	[tilespmem:s22+$0xFFFFE020] =	vst v0  }
0x36: {  	v1 =	vld [tilespmem:s4+$0x0];
	[tilespmem:s22+$0xFFFFF020] =	vst v0  }
0x37: {  	[tilespmem:s22+$0x20] =	vst v0;
	s22 =	sadd.s32 $0x40, s22  }
0x38: {  	s23 =	sadd.s32 $0x40, s23;
	s5 =	simm.s32 $0x10000;
	[tilespmem:s22+$0x1020] =	vst v2;
	v0 =	vmov v2  }
0x39: {  	s6 =	sand.u32 $0xFC0, s23;
	p0 =	slt.u32 s23, $0xFC0;
	[tilespmem:s22+$0xFFFFDFF0] =	vst v3  }
0x3a: {  	[tilespmem:s6+$0x9000] =	vst v3  }
0x3b: {  	[tilespmem:s6+$0xA000] =	vst v3  }
0x3c: {  	[tilespmem:s6+$0xB000] =	vst v3  }
0x3d: {  	[tilespmem:s22+$0xFFFFE000] =	vst v4  }
.Ltmp0:
0x3e: {  	[tilespmem:s22+$0xFFFFF000] =	vst v4;
	(pc) =	sbr.rel @p0 .LBB2_2-.Ltmp0, $4  }
0x3f: {  	[tilespmem:s22+$0x0] =	vst v4  }
0x40: {  	[tilespmem:s22+$0x1000] =	vst v4  }
0x41: {  	[tilespmem:s22+$0xFFFFE010] =	vst v1  }
0x42: {  	s4 =	sadd.s32 $0x40, s4;
	[tilespmem:s22+$0xFFFFF010] =	vst v1  }
0x43: {  	[tilespmem:s22+$0x10] =	vst v1  }
0x44: {  	[tilespmem:s22+$0x1010] =	vst v1  }
0x45: {  	[tilespmem:s22+$0xFFFFE020] =	vst v0  }
0x46: {  	[tilespmem:s22+$0xFFFFF020] =	vst v0  }
0x47: {  	[tilespmem:s22+$0x20] =	vst v0  }
0x48: {  	v0 =	vld [tilespmem:s5+$0x10];
	_ =	sdelay $0x4  }
0x49: {  	v2 =	vand.u32 $0xFFF, v0  }
0x4a: {  	v1 =	vld [tilespmem:s5+$0x0];
	_ =	sdelay $0x2  }
0x4b: {  	v4 =	vld [tilespmem:s5+$0x41B0]  }
0x4c: {  	v3 =	vld.idx.msk [tilespmem:v2+s3+$0x0], $0xffff  }
0x4d: {  	v5 =	vand.u32 $0xFFF, v1  }
0x4e: {  	v6 =	vshrl.u32 v0, $0xC;
	_ =	sdelay $0x1  }
0x4f: {  	v0 =	vor.u32 $0x1000, v2  }
0x50: {  	v11 =	vld [tilespmem:s5+$0x41A0];
	v3 =	vmul.f32 v3, v4  }
0x51: {  	v7 =	vld.idx.msk [tilespmem:v5+s3+$0x0], $0xffff  }
0x52: {  	s4 =	simm.s32 $0x10020;
	[tilespmem:v6+s29+$0x0] =	vst.idx.add.f32.msk $0xffff, v3  }
0x53: {  	v8 =	vshrl.u32 v1, $0xC;
	v3 =	vld [tilespmem:s4+$0x10]  }
0x54: {  	v1 =	vadd.s32 $0x1000, v6;
	v9 =	vor.u32 $0x1000, v5;
	v0 =	vld.idx.msk [tilespmem:v0+s3+$0x0], $0xffff  }
0x55: {  	v12 =	vld [tilespmem:s4+$0x0];
	v10 =	vand.u32 $0x7F, v6;
	v1 =	vand.u32 $0x1FFF80, v1  }
0x56: {  	v1 =	vor.u32 v10, v1;
	v7 =	vmul.f32 v7, v11;
	_ =	sdelay $0x1  }
0x57: {  	v13 =	vor.u32 $0x2000, v2;
	[tilespmem:v8+s29+$0x0] =	vst.idx.add.f32.msk $0xffff, v7  }
0x58: {  	v7 =	vadd.s32 $0x1000, v8;
	v9 =	vld.idx.msk [tilespmem:v9+s3+$0x0], $0xffff;
	v14 =	vand.u32 $0xFFF, v3;
	v0 =	vmul.f32 v0, v4  }
0x59: {  	v16 =	vand.u32 $0xFFF, v12;
	v15 =	vand.u32 $0x7F, v8;
	v7 =	vand.u32 $0x1FFF80, v7  }
0x5a: {  	v7 =	vor.u32 v15, v7;
	[tilespmem:v1+s29+$0x0] =	vst.idx.add.f32.msk $0xffff, v0  }
0x5b: {  	v1 =	vld [tilespmem:s4+$0x41B0]  }
0x5c: {  	v17 =	vor.u32 $0x2000, v5;
	v0 =	vadd.s32 $0x2000, v6;
	v13 =	vld.idx.msk [tilespmem:v13+s3+$0x0], $0xffff  }
0x5d: {  	v9 =	vmul.f32 v9, v11;
	v0 =	vand.u32 $0x1FFF80, v0;
	v18 =	vld.idx.msk [tilespmem:v14+s3+$0x0], $0xffff  }
0x5e: {  	v20 =	vld.idx.msk [tilespmem:v16+s3+$0x0], $0xffff;
	v19 =	vor.u32 v10, v0  }
0x5f: {  	v2 =	vor.u32 $0x3000, v2;
	[tilespmem:v7+s29+$0x0] =	vst.idx.add.f32.msk $0xffff, v9  }
0x60: {  	v0 =	vld [tilespmem:s4+$0x41A0]  }
0x61: {  	s23 =	simm.s32 $0x10040;
	v21 =	vshrl.u32 v3, $0xC;
	v9 =	vld.idx.msk [tilespmem:v17+s3+$0x0], $0xffff;
	v3 =	vmul.f32 v13, v4  }
0x62: {  	v7 =	vor.u32 $0x1000, v14;
	v13 =	vmul.f32 v18, v1;
	v18 =	vld [tilespmem:s23+$0x10]  }
0x63: {  	v12 =	vshrl.u32 v12, $0xC;
	[tilespmem:v19+s29+$0x0] =	vst.idx.add.f32.msk $0xffff, v3  }
0x64: {  	v3 =	vadd.s32 $0x3000, v6;
	v6 =	vor.u32 $0x1000, v16;
	v17 =	vld.idx.msk [tilespmem:v2+s3+$0x0], $0xffff  }
0x65: {  	v19 =	vmul.f32 v20, v0;
	v20 =	vld [tilespmem:s23+$0x0];
	v2 =	vadd.s32 $0x2000, v8;
	v3 =	vand.u32 $0x1FFF80, v3  }
0x66: {  	[tilespmem:v21+s29+$0x0] =	vst.idx.add.f32.msk $0xffff, v13;
	v2 =	vand.u32 $0x1FFF80, v2;
	v10 =	vor.u32 v10, v3  }
0x67: {  	v7 =	vld.idx.msk [tilespmem:v7+s3+$0x0], $0xffff;
	v13 =	vor.u32 v15, v2;
	v2 =	vadd.s32 $0x1000, v21  }
0x68: {  	v3 =	vand.u32 $0x7F, v21;
	[tilespmem:v12+s29+$0x0] =	vst.idx.add.f32.msk $0xffff, v19;
	v22 =	vand.u32 $0x1FFF80, v2  }
0x69: {  	v23 =	vor.u32 $0x3000, v5;
	v2 =	vld [tilespmem:s23+$0x41A0];
	v22 =	vor.u32 v3, v22;
	v17 =	vmul.f32 v17, v4  }
0x6a: {  	v5 =	vadd.s32 $0x3000, v8;
	v9 =	vmul.f32 v9, v11;
	v8 =	vor.u32 $0x2000, v14;
	v19 =	vld.idx.msk [tilespmem:v6+s3+$0x0], $0xffff  }
0x6b: {  	v4 =	vand.u32 $0x1FFF80, v5;
	v5 =	vand.u32 $0xFFF, v18;
	[tilespmem:v10+s29+$0x0] =	vst.idx.add.f32.msk $0xffff, v17  }
0x6c: {  	v6 =	vadd.s32 $0x1000, v12;
	v25 =	vand.u32 $0xFFF, v20;
	v7 =	vmul.f32 v7, v1;
	[tilespmem:v13+s29+$0x0] =	vst.idx.add.f32.msk $0xffff, v9  }
0x6d: {  	v6 =	vand.u32 $0x1FFF80, v6;
	v4 =	vor.u32 v15, v4;
	v10 =	vand.u32 $0x7F, v12;
	v13 =	vld [tilespmem:s23+$0x41B0]  }
0x6e: {  	v15 =	vor.u32 $0x2000, v16;
	v9 =	vadd.s32 $0x2000, v12;
	v24 =	vor.u32 v10, v6;
	[tilespmem:v22+s29+$0x0] =	vst.idx.add.f32.msk $0xffff, v7  }
0x6f: {  	v6 =	vand.u32 $0x1FFF80, v9;
	v9 =	vadd.s32 $0x3000, v12;
	v12 =	vld.idx.msk [tilespmem:v8+s3+$0x0], $0xffff;
	v8 =	vadd.s32 $0x2000, v21  }
0x70: {  	v7 =	vor.u32 v10, v6;
	v6 =	vand.u32 $0x1FFF80, v9;
	v22 =	vld.idx.msk [tilespmem:v5+s3+$0x0], $0xffff;
	v9 =	vand.u32 $0x1FFF80, v8  }
0x71: {  	v14 =	vor.u32 $0x3000, v14;
	v23 =	vld.idx.msk [tilespmem:v23+s3+$0x0], $0xffff;
	v6 =	vor.u32 v10, v6;
	v10 =	vor.u32 v3, v9  }
0x72: {  	v63 =	vor.u32 $0x1000, v5;
	v19 =	vmul.f32 v19, v0;
	v27 =	vld.idx.msk [tilespmem:v25+s3+$0x0], $0xffff;
	v9 =	vshrl.u32 v18, $0xC  }
0x73: {  	v17 =	vor.u32 $0x1000, v25;
	v8 =	vor.u32 $0x3000, v16;
	v16 =	vshrl.u32 v20, $0xC  }
0x74: {  	v26 =	vand.u32 $0x7F, v16;
	v18 =	vadd.s32 $0x1000, v16;
	[tilespmem:v24+s29+$0x0] =	vst.idx.add.f32.msk $0xffff, v19;
	v19 =	vmul.f32 v12, v1  }
0x75: {  	v28 =	vadd.s32 $0x2000, v16;
	v18 =	vand.u32 $0x1FFF80, v18;
	v20 =	vld.idx.msk [tilespmem:v15+s3+$0x0], $0xffff;
	v22 =	vmul.f32 v22, v13  }
0x76: {  	v28 =	vand.u32 $0x1FFF80, v28;
	v11 =	vmul.f32 v23, v11;
	v15 =	vor.u32 v26, v18;
	[tilespmem:v10+s29+$0x0] =	vst.idx.add.f32.msk $0xffff, v19  }
0x77: {  	v29 =	vadd.s32 $0x3000, v16;
	v18 =	vor.u32 v26, v28;
	v23 =	vmul.f32 v27, v2;
	[tilespmem:v9+s29+$0x0] =	vst.idx.add.f32.msk $0xffff, v22  }
0x78: {  	v12 =	vor.u32 $0x2000, v25;
	v10 =	vand.u32 $0x1FFF80, v29;
	v22 =	vadd.s32 $0x3000, v21;
	v19 =	vld.idx.msk [tilespmem:v14+s3+$0x0], $0xffff  }
0x79: {  	s22 =	simm.s32 $0x40;
	s23 =	simm.s32 $0x10060;
	v14 =	vor.u32 $0x3000, v25;
	v10 =	vor.u32 v26, v10;
	v21 =	vld.idx.msk [tilespmem:v63+s3+$0x0], $0xffff;
	v22 =	vand.u32 $0x1FFF80, v22  }
.LBB2_4:
0x7a: {  	v24 =	vld [tilespmem:s23+$0x10];
	s22 =	sadd.s32 $0x20, s22;
	v25 =	vadd.s32 $0x1000, v9;
	v20 =	vmul.f32 v20, v0;
	v22 =	vor.u32 v3, v22  }
0x7b: {  	v3 =	vand.u32 $0x7F, v9;
	v26 =	vld [tilespmem:s23+$0x0];
	p0 =	slt.u32 s22, $0x4180;
	v25 =	vand.u32 $0x1FFF80, v25  }
0x7c: {  	v27 =	vld [tilespmem:s23+$0x41A0];
	v25 =	vor.u32 v3, v25  }
0x7d: {  	[tilespmem:v16+s29+$0x0] =	vst.idx.add.f32.msk $0xffff, v23;
	v23 =	vor.u32 $0x2000, v5;
	v16 =	vmul.f32 v19, v1;
	v1 =	vmov v13  }
0x7e: {  	v13 =	vld.idx.msk [tilespmem:v17+s3+$0x0], $0xffff  }
0x7f: {  	v21 =	vmul.f32 v21, v1;
	v19 =	vand.u32 $0xFFF, v24;
	[tilespmem:v22+s29+$0x0] =	vst.idx.add.f32.msk $0xffff, v16  }
0x80: {  	v16 =	vshrl.u32 v26, $0xC;
	v22 =	vand.u32 $0xFFF, v26;
	[tilespmem:v7+s29+$0x0] =	vst.idx.add.f32.msk $0xffff, v20;
	v7 =	vmov v18  }
0x81: {  	v20 =	vand.u32 $0x7F, v16;
	v17 =	vor.u32 $0x1000, v22;
	v18 =	vadd.s32 $0x1000, v16;
	[tilespmem:v25+s29+$0x0] =	vst.idx.add.f32.msk $0xffff, v21  }
0x82: {  	v21 =	vor.u32 $0x2000, v22;
	v25 =	vadd.s32 $0x2000, v16;
	v18 =	vand.u32 $0x1FFF80, v18;
	v23 =	vld.idx.msk [tilespmem:v23+s3+$0x0], $0xffff  }
0x83: {  	v26 =	vor.u32 v20, v18;
	v18 =	vand.u32 $0x1FFF80, v25;
	v25 =	vadd.s32 $0x2000, v9;
	v28 =	vld.idx.msk [tilespmem:v8+s3+$0x0], $0xffff;
	v8 =	vmovc v14  }
0x84: {  	v30 =	vmul.f32 v13, v2;
	v18 =	vor.u32 v20, v18;
	v29 =	vld.idx.msk [tilespmem:v19+s3+$0x0], $0xffff;
	v25 =	vand.u32 $0x1FFF80, v25  }
0x85: {  	v31 =	vadd.s32 $0x3000, v16;
	v14 =	vor.u32 $0x3000, v22;
	v13 =	vld [tilespmem:s23+$0x41B0];
	v25 =	vor.u32 v3, v25  }
0x86: {  	v32 =	vor.u32 $0x3000, v5;
	v5 =	vmov v19;
	v31 =	vand.u32 $0x1FFF80, v31;
	v22 =	vld.idx.msk [tilespmem:v22+s3+$0x0], $0xffff  }
0x87: {  	v24 =	vshrl.u32 v24, $0xC;
	v19 =	vor.u32 v20, v31;
	[tilespmem:v15+s29+$0x0] =	vst.idx.add.f32.msk $0xffff, v30;
	v15 =	vmov v26  }
0x88: {  	v26 =	vor.u32 $0x1000, v5;
	v23 =	vmul.f32 v23, v1;
	v20 =	vld.idx.msk [tilespmem:v12+s3+$0x0], $0xffff;
	v12 =	vmov v21  }
.Ltmp1:
0x89: {  	[tilespmem:v4+s29+$0x0] =	vst.idx.add.f32.msk $0xffff, v11;
	v11 =	vmul.f32 v28, v0;
	v0 =	vmovc v2;
	v2 =	vmov v27;
	v4 =	vmov v6;
	(pc) =	sbr.rel @p0 .LBB2_4-.Ltmp1, $4  }
0x8a: {  	v6 =	vmov v10;
	v10 =	vmov v19;
	v21 =	vmul.f32 v29, v13;
	[tilespmem:v25+s29+$0x0] =	vst.idx.add.f32.msk $0xffff, v23  }
0x8b: {  	v19 =	vld.idx.msk [tilespmem:v32+s3+$0x0], $0xffff  }
0x8c: {  	v23 =	vmul.f32 v22, v2;
	v22 =	vadd.s32 $0x3000, v9;
	v9 =	vmov v24;
	[tilespmem:v24+s29+$0x0] =	vst.idx.add.f32.msk $0xffff, v21  }
0x8d: {  	s23 =	sadd.s32 $0x20, s23;
	v22 =	vand.u32 $0x1FFF80, v22;
	v21 =	vld.idx.msk [tilespmem:v26+s3+$0x0], $0xffff  }
0x8e: {  	_ =	sdelay $0x2  }
0x8f: {  	v24 =	vadd.s32 $0x1000, v9  }
0x90: {  	[tilespmem:v16+s29+$0x0] =	vst.idx.add.f32.msk $0xffff, v23;
	v52 =	vand.u32 $0x7F, v9;
	v53 =	vand.u32 $0x1FFF80, v24  }
0x91: {  	v17 =	vld.idx.msk [tilespmem:v17+s3+$0x0], $0xffff;
	v23 =	vor.u32 v52, v53  }
0x92: {  	v54 =	vor.u32 $0x2000, v5;
	_ =	sdelay $0x1  }
0x93: {  	v21 =	vmul.f32 v21, v13;
	_ =	sdelay $0x1  }
0x94: {  	v17 =	vmul.f32 v17, v2;
	[tilespmem:v23+s29+$0x0] =	vst.idx.add.f32.msk $0xffff, v21  }
0x95: {  	v55 =	vadd.s32 $0x2000, v9;
	v21 =	vld.idx.msk [tilespmem:v54+s3+$0x0], $0xffff  }
0x96: {  	v23 =	vand.u32 $0x1FFF80, v55;
	[tilespmem:v15+s29+$0x0] =	vst.idx.add.f32.msk $0xffff, v17  }
0x97: {  	v56 =	vor.u32 v52, v23;
	v12 =	vld.idx.msk [tilespmem:v12+s3+$0x0], $0xffff  }
0x98: {  	v57 =	vmul.f32 v20, v0;
	v58 =	vor.u32 $0x3000, v5;
	_ =	sdelay $0x1  }
0x99: {  	[tilespmem:v7+s29+$0x0] =	vst.idx.add.f32.msk $0xffff, v57;
	v59 =	vmul.f32 v21, v13  }
0x9a: {  	v8 =	vld.idx.msk [tilespmem:v8+s3+$0x0], $0xffff  }
0x9b: {  	v60 =	vmul.f32 v12, v2;
	[tilespmem:v56+s29+$0x0] =	vst.idx.add.f32.msk $0xffff, v59  }
0x9c: {  	v3 =	vor.u32 v3, v22;
	v61 =	vadd.s32 $0x3000, v9;
	v5 =	vld.idx.msk [tilespmem:v58+s3+$0x0], $0xffff  }
0x9d: {  	v9 =	vand.u32 $0x1FFF80, v61;
	[tilespmem:v18+s29+$0x0] =	vst.idx.add.f32.msk $0xffff, v60  }
0x9e: {  	v62 =	vor.u32 v52, v9;
	v63 =	vld.idx.msk [tilespmem:v14+s3+$0x0], $0xffff  }
0x9f: {  	v1 =	vmul.f32 v19, v1;
	_ =	sdelay $0x1  }
0xa0: {  	[tilespmem:v3+s29+$0x0] =	vst.idx.add.f32.msk $0xffff, v1;
	v1 =	vmul.f32 v5, v13  }
0xa1: {  	[tilespmem:v4+s29+$0x0] =	vst.idx.add.f32.msk $0xffff, v11;
	v0 =	vmul.f32 v8, v0  }
0xa2: {  	[tilespmem:v62+s29+$0x0] =	vst.idx.add.f32.msk $0xffff, v1;
	v1 =	vmul.f32 v63, v2  }
0xa3: {  	[tilespmem:v6+s29+$0x0] =	vst.idx.add.f32.msk $0xffff, v0  }
0xa4: {  	[tilespmem:v10+s29+$0x0] =	vst.idx.add.f32.msk $0xffff, v1  }
0xa5: {  	[hbm4b:s7+s3] =	stream.linear.scatter [tilespmem:s29], [sflag:$0x3], $0x4000, $0x38;
	[tilespmem:$0x19380] =	vst v63  }
0xa6: {  	_ =	swait.ge [sflag:s30], $0x4000  }
0xa7: {  	[sflag:s30] =	ssyncset.done $0x0  }
0xa8: {  	s4 =	simm.s32 $0x183A0;
	[sflag:s30] =	ssyncadd.s32 $0xFFFFC000  }
0xa9: {  	[tilespmem:s3], [sflag:$0x1] =	stream.linear.gather [hbm4b:s8+s3], $0x4000, $0x38;
	[tilespmem:$0x19380] =	vst v63  }
0xaa: {  	v0 =	vld [tilespmem:s4+$0x10]  }
0xab: {  	v2 =	vld [tilespmem:s4+$0xFFFFFFE0]  }
0xac: {  	v3 =	vld [tilespmem:s4+$0xFFFFFFF0];
	_ =	sdelay $0x1  }
0xad: {  	s22 =	simm.s32 $0xE010  }
0xae: {  	[tilespmem:s22+$0x1020] =	vst v0  }
0xaf: {  	v1 =	vld [tilespmem:s4+$0x0];
	[tilespmem:s22+$0xFFFFDFF0] =	vst v2  }
0xb0: {  	[tilespmem:s22+$0xFFFFE000] =	vst v3  }
0xb1: {  	[tilespmem:s22+$0xFFFFF000] =	vst v3  }
0xb2: {  	[tilespmem:s22+$0x0] =	vst v3  }
0xb3: {  	[tilespmem:s22+$0x1000] =	vst v3  }
0xb4: {  	s23 =	simm.s32 $0x0;
	[tilespmem:s22+$0xFFFFE010] =	vst v1  }
0xb5: {  	s5 =	sand.u32 $0xFC0, s23;
	[tilespmem:s22+$0xFFFFF010] =	vst v1  }
0xb6: {  	[tilespmem:s5+$0xD000] =	vst v2  }
0xb7: {  	[tilespmem:s5+$0xE000] =	vst v2  }
0xb8: {  	s4 =	simm.s32 $0x183E0;
	[tilespmem:s5+$0xF000] =	vst v2  }
.LBB2_6:
0xb9: {  	v2 =	vld [tilespmem:s4+$0x10];
	[tilespmem:s22+$0x10] =	vst v1  }
0xba: {  	v3 =	vld [tilespmem:s4+$0xFFFFFFE0];
	[tilespmem:s22+$0x1010] =	vst v1  }
0xbb: {  	v4 =	vld [tilespmem:s4+$0xFFFFFFF0];
	[tilespmem:s22+$0xFFFFE020] =	vst v0  }
0xbc: {  	v1 =	vld [tilespmem:s4+$0x0];
	[tilespmem:s22+$0xFFFFF020] =	vst v0  }
0xbd: {  	[tilespmem:s22+$0x20] =	vst v0;
	s22 =	sadd.s32 $0x40, s22  }
0xbe: {  	s23 =	sadd.s32 $0x40, s23;
	s5 =	simm.s32 $0x10000;
	[tilespmem:s22+$0x1020] =	vst v2;
	v0 =	vmov v2  }
0xbf: {  	s6 =	sand.u32 $0xFC0, s23;
	p0 =	slt.u32 s23, $0xFC0;
	[tilespmem:s22+$0xFFFFDFF0] =	vst v3  }
0xc0: {  	[tilespmem:s6+$0xD000] =	vst v3  }
0xc1: {  	[tilespmem:s6+$0xE000] =	vst v3  }
0xc2: {  	[tilespmem:s6+$0xF000] =	vst v3  }
0xc3: {  	[tilespmem:s22+$0xFFFFE000] =	vst v4  }
.Ltmp2:
0xc4: {  	[tilespmem:s22+$0xFFFFF000] =	vst v4;
	(pc) =	sbr.rel @p0 .LBB2_6-.Ltmp2, $4  }
0xc5: {  	[tilespmem:s22+$0x0] =	vst v4  }
0xc6: {  	[tilespmem:s22+$0x1000] =	vst v4  }
0xc7: {  	[tilespmem:s22+$0xFFFFE010] =	vst v1  }
0xc8: {  	s4 =	sadd.s32 $0x40, s4;
	[tilespmem:s22+$0xFFFFF010] =	vst v1  }
0xc9: {  	[tilespmem:s22+$0x10] =	vst v1  }
0xca: {  	[tilespmem:s22+$0x1010] =	vst v1  }
0xcb: {  	[tilespmem:s22+$0xFFFFE020] =	vst v0  }
0xcc: {  	[tilespmem:s22+$0xFFFFF020] =	vst v0  }
0xcd: {  	[tilespmem:s22+$0x20] =	vst v0  }
0xce: {  	v0 =	vld [tilespmem:s5+$0x10];
	_ =	sdelay $0x4  }
0xcf: {  	v2 =	vand.u32 $0xFFF, v0  }
0xd0: {  	v1 =	vld [tilespmem:s5+$0x0];
	_ =	sdelay $0x2  }
0xd1: {  	v4 =	vld [tilespmem:s5+$0x41B0]  }
0xd2: {  	v3 =	vld.idx.msk [tilespmem:v2+s28+$0x0], $0xffff  }
0xd3: {  	v5 =	vand.u32 $0xFFF, v1  }
0xd4: {  	v6 =	vshrl.u32 v0, $0xC;
	_ =	sdelay $0x1  }
0xd5: {  	v0 =	vor.u32 $0x1000, v2  }
0xd6: {  	v11 =	vld [tilespmem:s5+$0x41A0];
	v3 =	vmul.f32 v3, v4  }
0xd7: {  	v7 =	vld.idx.msk [tilespmem:v5+s28+$0x0], $0xffff  }
0xd8: {  	s4 =	simm.s32 $0x10020;
	[tilespmem:v6+s31+$0x0] =	vst.idx.add.f32.msk $0xffff, v3  }
0xd9: {  	v8 =	vshrl.u32 v1, $0xC;
	v3 =	vld [tilespmem:s4+$0x10]  }
0xda: {  	v1 =	vadd.s32 $0x1000, v6;
	v9 =	vor.u32 $0x1000, v5;
	v0 =	vld.idx.msk [tilespmem:v0+s28+$0x0], $0xffff  }
0xdb: {  	v12 =	vld [tilespmem:s4+$0x0];
	v10 =	vand.u32 $0x7F, v6;
	v1 =	vand.u32 $0x1FFF80, v1  }
0xdc: {  	v1 =	vor.u32 v10, v1;
	v7 =	vmul.f32 v7, v11;
	_ =	sdelay $0x1  }
0xdd: {  	v13 =	vor.u32 $0x2000, v2;
	[tilespmem:v8+s31+$0x0] =	vst.idx.add.f32.msk $0xffff, v7  }
0xde: {  	v7 =	vadd.s32 $0x1000, v8;
	v9 =	vld.idx.msk [tilespmem:v9+s28+$0x0], $0xffff;
	v14 =	vand.u32 $0xFFF, v3;
	v0 =	vmul.f32 v0, v4  }
0xdf: {  	v16 =	vand.u32 $0xFFF, v12;
	v15 =	vand.u32 $0x7F, v8;
	v7 =	vand.u32 $0x1FFF80, v7  }
0xe0: {  	v7 =	vor.u32 v15, v7;
	[tilespmem:v1+s31+$0x0] =	vst.idx.add.f32.msk $0xffff, v0  }
0xe1: {  	v1 =	vld [tilespmem:s4+$0x41B0]  }
0xe2: {  	v17 =	vor.u32 $0x2000, v5;
	v0 =	vadd.s32 $0x2000, v6;
	v13 =	vld.idx.msk [tilespmem:v13+s28+$0x0], $0xffff  }
0xe3: {  	v9 =	vmul.f32 v9, v11;
	v0 =	vand.u32 $0x1FFF80, v0;
	v18 =	vld.idx.msk [tilespmem:v14+s28+$0x0], $0xffff  }
0xe4: {  	v20 =	vld.idx.msk [tilespmem:v16+s28+$0x0], $0xffff;
	v19 =	vor.u32 v10, v0  }
0xe5: {  	v2 =	vor.u32 $0x3000, v2;
	[tilespmem:v7+s31+$0x0] =	vst.idx.add.f32.msk $0xffff, v9  }
0xe6: {  	v0 =	vld [tilespmem:s4+$0x41A0]  }
0xe7: {  	s23 =	simm.s32 $0x10040;
	v21 =	vshrl.u32 v3, $0xC;
	v9 =	vld.idx.msk [tilespmem:v17+s28+$0x0], $0xffff;
	v3 =	vmul.f32 v13, v4  }
0xe8: {  	v7 =	vor.u32 $0x1000, v14;
	v13 =	vmul.f32 v18, v1;
	v18 =	vld [tilespmem:s23+$0x10]  }
0xe9: {  	v12 =	vshrl.u32 v12, $0xC;
	[tilespmem:v19+s31+$0x0] =	vst.idx.add.f32.msk $0xffff, v3  }
0xea: {  	v3 =	vadd.s32 $0x3000, v6;
	v6 =	vor.u32 $0x1000, v16;
	v17 =	vld.idx.msk [tilespmem:v2+s28+$0x0], $0xffff  }
0xeb: {  	v19 =	vmul.f32 v20, v0;
	v20 =	vld [tilespmem:s23+$0x0];
	v2 =	vadd.s32 $0x2000, v8;
	v3 =	vand.u32 $0x1FFF80, v3  }
0xec: {  	[tilespmem:v21+s31+$0x0] =	vst.idx.add.f32.msk $0xffff, v13;
	v2 =	vand.u32 $0x1FFF80, v2;
	v10 =	vor.u32 v10, v3  }
0xed: {  	v7 =	vld.idx.msk [tilespmem:v7+s28+$0x0], $0xffff;
	v13 =	vor.u32 v15, v2;
	v2 =	vadd.s32 $0x1000, v21  }
0xee: {  	v3 =	vand.u32 $0x7F, v21;
	[tilespmem:v12+s31+$0x0] =	vst.idx.add.f32.msk $0xffff, v19;
	v22 =	vand.u32 $0x1FFF80, v2  }
0xef: {  	v23 =	vor.u32 $0x3000, v5;
	v2 =	vld [tilespmem:s23+$0x41A0];
	v22 =	vor.u32 v3, v22;
	v17 =	vmul.f32 v17, v4  }
0xf0: {  	v5 =	vadd.s32 $0x3000, v8;
	v9 =	vmul.f32 v9, v11;
	v8 =	vor.u32 $0x2000, v14;
	v19 =	vld.idx.msk [tilespmem:v6+s28+$0x0], $0xffff  }
0xf1: {  	v4 =	vand.u32 $0x1FFF80, v5;
	v5 =	vand.u32 $0xFFF, v18;
	[tilespmem:v10+s31+$0x0] =	vst.idx.add.f32.msk $0xffff, v17  }
0xf2: {  	v6 =	vadd.s32 $0x1000, v12;
	v25 =	vand.u32 $0xFFF, v20;
	v7 =	vmul.f32 v7, v1;
	[tilespmem:v13+s31+$0x0] =	vst.idx.add.f32.msk $0xffff, v9  }
0xf3: {  	v6 =	vand.u32 $0x1FFF80, v6;
	v4 =	vor.u32 v15, v4;
	v10 =	vand.u32 $0x7F, v12;
	v13 =	vld [tilespmem:s23+$0x41B0]  }
0xf4: {  	v15 =	vor.u32 $0x2000, v16;
	v9 =	vadd.s32 $0x2000, v12;
	v24 =	vor.u32 v10, v6;
	[tilespmem:v22+s31+$0x0] =	vst.idx.add.f32.msk $0xffff, v7  }
0xf5: {  	v6 =	vand.u32 $0x1FFF80, v9;
	v9 =	vadd.s32 $0x3000, v12;
	v12 =	vld.idx.msk [tilespmem:v8+s28+$0x0], $0xffff;
	v8 =	vadd.s32 $0x2000, v21  }
0xf6: {  	v7 =	vor.u32 v10, v6;
	v6 =	vand.u32 $0x1FFF80, v9;
	v22 =	vld.idx.msk [tilespmem:v5+s28+$0x0], $0xffff;
	v9 =	vand.u32 $0x1FFF80, v8  }
0xf7: {  	v14 =	vor.u32 $0x3000, v14;
	v23 =	vld.idx.msk [tilespmem:v23+s28+$0x0], $0xffff;
	v6 =	vor.u32 v10, v6;
	v10 =	vor.u32 v3, v9  }
0xf8: {  	v63 =	vor.u32 $0x1000, v5;
	v19 =	vmul.f32 v19, v0;
	v27 =	vld.idx.msk [tilespmem:v25+s28+$0x0], $0xffff;
	v9 =	vshrl.u32 v18, $0xC  }
0xf9: {  	v17 =	vor.u32 $0x1000, v25;
	v8 =	vor.u32 $0x3000, v16;
	v16 =	vshrl.u32 v20, $0xC  }
0xfa: {  	v26 =	vand.u32 $0x7F, v16;
	v18 =	vadd.s32 $0x1000, v16;
	[tilespmem:v24+s31+$0x0] =	vst.idx.add.f32.msk $0xffff, v19;
	v19 =	vmul.f32 v12, v1  }
0xfb: {  	v28 =	vadd.s32 $0x2000, v16;
	v18 =	vand.u32 $0x1FFF80, v18;
	v20 =	vld.idx.msk [tilespmem:v15+s28+$0x0], $0xffff;
	v22 =	vmul.f32 v22, v13  }
0xfc: {  	v28 =	vand.u32 $0x1FFF80, v28;
	v11 =	vmul.f32 v23, v11;
	v15 =	vor.u32 v26, v18;
	[tilespmem:v10+s31+$0x0] =	vst.idx.add.f32.msk $0xffff, v19  }
0xfd: {  	v29 =	vadd.s32 $0x3000, v16;
	v18 =	vor.u32 v26, v28;
	v23 =	vmul.f32 v27, v2;
	[tilespmem:v9+s31+$0x0] =	vst.idx.add.f32.msk $0xffff, v22  }
0xfe: {  	v12 =	vor.u32 $0x2000, v25;
	v10 =	vand.u32 $0x1FFF80, v29;
	v22 =	vadd.s32 $0x3000, v21;
	v19 =	vld.idx.msk [tilespmem:v14+s28+$0x0], $0xffff  }
0xff: {  	s22 =	simm.s32 $0x40;
	s23 =	simm.s32 $0x10060;
	v14 =	vor.u32 $0x3000, v25;
	v10 =	vor.u32 v26, v10;
	v21 =	vld.idx.msk [tilespmem:v63+s28+$0x0], $0xffff;
	v22 =	vand.u32 $0x1FFF80, v22  }
.LBB2_8:
0x100: {  	v24 =	vld [tilespmem:s23+$0x10];
	s22 =	sadd.s32 $0x20, s22;
	v25 =	vadd.s32 $0x1000, v9;
	v20 =	vmul.f32 v20, v0;
	v22 =	vor.u32 v3, v22  }
0x101: {  	v3 =	vand.u32 $0x7F, v9;
	v26 =	vld [tilespmem:s23+$0x0];
	p0 =	slt.u32 s22, $0x4180;
	v25 =	vand.u32 $0x1FFF80, v25  }
0x102: {  	v27 =	vld [tilespmem:s23+$0x41A0];
	v25 =	vor.u32 v3, v25  }
0x103: {  	[tilespmem:v16+s31+$0x0] =	vst.idx.add.f32.msk $0xffff, v23;
	v23 =	vor.u32 $0x2000, v5;
	v16 =	vmul.f32 v19, v1;
	v1 =	vmov v13  }
0x104: {  	v13 =	vld.idx.msk [tilespmem:v17+s28+$0x0], $0xffff  }
0x105: {  	v21 =	vmul.f32 v21, v1;
	v19 =	vand.u32 $0xFFF, v24;
	[tilespmem:v22+s31+$0x0] =	vst.idx.add.f32.msk $0xffff, v16  }
0x106: {  	v16 =	vshrl.u32 v26, $0xC;
	v22 =	vand.u32 $0xFFF, v26;
	[tilespmem:v7+s31+$0x0] =	vst.idx.add.f32.msk $0xffff, v20;
	v7 =	vmov v18  }
0x107: {  	v20 =	vand.u32 $0x7F, v16;
	v17 =	vor.u32 $0x1000, v22;
	v18 =	vadd.s32 $0x1000, v16;
	[tilespmem:v25+s31+$0x0] =	vst.idx.add.f32.msk $0xffff, v21  }
0x108: {  	v21 =	vor.u32 $0x2000, v22;
	v25 =	vadd.s32 $0x2000, v16;
	v18 =	vand.u32 $0x1FFF80, v18;
	v23 =	vld.idx.msk [tilespmem:v23+s28+$0x0], $0xffff  }
0x109: {  	v26 =	vor.u32 v20, v18;
	v18 =	vand.u32 $0x1FFF80, v25;
	v25 =	vadd.s32 $0x2000, v9;
	v28 =	vld.idx.msk [tilespmem:v8+s28+$0x0], $0xffff;
	v8 =	vmovc v14  }
0x10a: {  	v30 =	vmul.f32 v13, v2;
	v18 =	vor.u32 v20, v18;
	v29 =	vld.idx.msk [tilespmem:v19+s28+$0x0], $0xffff;
	v25 =	vand.u32 $0x1FFF80, v25  }
0x10b: {  	v31 =	vadd.s32 $0x3000, v16;
	v14 =	vor.u32 $0x3000, v22;
	v13 =	vld [tilespmem:s23+$0x41B0];
	v25 =	vor.u32 v3, v25  }
0x10c: {  	v32 =	vor.u32 $0x3000, v5;
	v5 =	vmov v19;
	v31 =	vand.u32 $0x1FFF80, v31;
	v22 =	vld.idx.msk [tilespmem:v22+s28+$0x0], $0xffff  }
0x10d: {  	v24 =	vshrl.u32 v24, $0xC;
	v19 =	vor.u32 v20, v31;
	[tilespmem:v15+s31+$0x0] =	vst.idx.add.f32.msk $0xffff, v30;
	v15 =	vmov v26  }
0x10e: {  	v26 =	vor.u32 $0x1000, v5;
	v23 =	vmul.f32 v23, v1;
	v20 =	vld.idx.msk [tilespmem:v12+s28+$0x0], $0xffff;
	v12 =	vmov v21  }
.Ltmp3:
0x10f: {  	[tilespmem:v4+s31+$0x0] =	vst.idx.add.f32.msk $0xffff, v11;
	v11 =	vmul.f32 v28, v0;
	v0 =	vmovc v2;
	v2 =	vmov v27;
	v4 =	vmov v6;
	(pc) =	sbr.rel @p0 .LBB2_8-.Ltmp3, $4  }
0x110: {  	v6 =	vmov v10;
	v10 =	vmov v19;
	v21 =	vmul.f32 v29, v13;
	[tilespmem:v25+s31+$0x0] =	vst.idx.add.f32.msk $0xffff, v23  }
0x111: {  	v19 =	vld.idx.msk [tilespmem:v32+s28+$0x0], $0xffff  }
0x112: {  	v23 =	vmul.f32 v22, v2;
	v22 =	vadd.s32 $0x3000, v9;
	v9 =	vmov v24;
	[tilespmem:v24+s31+$0x0] =	vst.idx.add.f32.msk $0xffff, v21  }
0x113: {  	s23 =	sadd.s32 $0x20, s23;
	v22 =	vand.u32 $0x1FFF80, v22;
	v21 =	vld.idx.msk [tilespmem:v26+s28+$0x0], $0xffff  }
0x114: {  	_ =	sdelay $0x2  }
0x115: {  	v24 =	vadd.s32 $0x1000, v9  }
0x116: {  	[tilespmem:v16+s31+$0x0] =	vst.idx.add.f32.msk $0xffff, v23;
	v52 =	vand.u32 $0x7F, v9;
	v53 =	vand.u32 $0x1FFF80, v24  }
0x117: {  	v17 =	vld.idx.msk [tilespmem:v17+s28+$0x0], $0xffff;
	v23 =	vor.u32 v52, v53  }
0x118: {  	v54 =	vor.u32 $0x2000, v5;
	_ =	sdelay $0x1  }
0x119: {  	v21 =	vmul.f32 v21, v13;
	_ =	sdelay $0x1  }
0x11a: {  	v17 =	vmul.f32 v17, v2;
	[tilespmem:v23+s31+$0x0] =	vst.idx.add.f32.msk $0xffff, v21  }
0x11b: {  	v55 =	vadd.s32 $0x2000, v9;
	v21 =	vld.idx.msk [tilespmem:v54+s28+$0x0], $0xffff  }
0x11c: {  	v23 =	vand.u32 $0x1FFF80, v55;
	[tilespmem:v15+s31+$0x0] =	vst.idx.add.f32.msk $0xffff, v17  }
0x11d: {  	v56 =	vor.u32 v52, v23;
	v12 =	vld.idx.msk [tilespmem:v12+s28+$0x0], $0xffff  }
0x11e: {  	v57 =	vmul.f32 v20, v0;
	v58 =	vor.u32 $0x3000, v5;
	_ =	sdelay $0x1  }
0x11f: {  	[tilespmem:v7+s31+$0x0] =	vst.idx.add.f32.msk $0xffff, v57;
	v59 =	vmul.f32 v21, v13  }
0x120: {  	v8 =	vld.idx.msk [tilespmem:v8+s28+$0x0], $0xffff  }
0x121: {  	v60 =	vmul.f32 v12, v2;
	[tilespmem:v56+s31+$0x0] =	vst.idx.add.f32.msk $0xffff, v59  }
0x122: {  	v3 =	vor.u32 v3, v22;
	v61 =	vadd.s32 $0x3000, v9;
	v5 =	vld.idx.msk [tilespmem:v58+s28+$0x0], $0xffff  }
0x123: {  	v9 =	vand.u32 $0x1FFF80, v61;
	[tilespmem:v18+s31+$0x0] =	vst.idx.add.f32.msk $0xffff, v60  }
0x124: {  	v62 =	vor.u32 v52, v9;
	v63 =	vld.idx.msk [tilespmem:v14+s28+$0x0], $0xffff  }
0x125: {  	v1 =	vmul.f32 v19, v1;
	_ =	sdelay $0x1  }
0x126: {  	[tilespmem:v3+s31+$0x0] =	vst.idx.add.f32.msk $0xffff, v1;
	v1 =	vmul.f32 v5, v13  }
0x127: {  	[tilespmem:v4+s31+$0x0] =	vst.idx.add.f32.msk $0xffff, v11;
	v0 =	vmul.f32 v8, v0  }
0x128: {  	[tilespmem:v62+s31+$0x0] =	vst.idx.add.f32.msk $0xffff, v1;
	v1 =	vmul.f32 v63, v2  }
0x129: {  	[tilespmem:v6+s31+$0x0] =	vst.idx.add.f32.msk $0xffff, v0  }
0x12a: {  	[tilespmem:v10+s31+$0x0] =	vst.idx.add.f32.msk $0xffff, v1  }
0x12b: {  	[hbm4b:s9+s3] =	stream.linear.scatter [tilespmem:s31], [sflag:$0x4], $0x4000, $0x38;
	[tilespmem:$0x19380] =	vst v63  }
0x12c: {  	_ =	swait.ge [sflag:s26], $0x4000  }
0x12d: {  	[sflag:s26] =	ssyncset.done $0x0  }
0x12e: {  	[sflag:s26] =	ssyncadd.s32 $0xFFFFC000  }
0x12f: {  	[tilespmem:s28], [sflag:$0x2] =	stream.linear.gather [hbm4b:s10+s3], $0x4000, $0x38;
	[tilespmem:$0x19380] =	vst v63  }
0x130: {  	_ =	swait.ge [sflag:s0], $0x4000  }
0x131: {  	[sflag:s0] =	ssyncset.done $0x0  }
0x132: {  	s4 =	simm.s32 $0x183A0;
	[sflag:s0] =	ssyncadd.s32 $0xFFFFC000  }
0x133: {  	v0 =	vld [tilespmem:s4+$0x10]  }
0x134: {  	v2 =	vld [tilespmem:s4+$0xFFFFFFE0]  }
0x135: {  	v3 =	vld [tilespmem:s4+$0xFFFFFFF0];
	_ =	sdelay $0x1  }
0x136: {  	s22 =	simm.s32 $0xA010  }
0x137: {  	[tilespmem:s22+$0x1020] =	vst v0  }
0x138: {  	v1 =	vld [tilespmem:s4+$0x0];
	[tilespmem:s22+$0xFFFFDFF0] =	vst v2  }
0x139: {  	[tilespmem:s22+$0xFFFFE000] =	vst v3  }
0x13a: {  	[tilespmem:s22+$0xFFFFF000] =	vst v3  }
0x13b: {  	[tilespmem:s22+$0x0] =	vst v3  }
0x13c: {  	[tilespmem:s22+$0x1000] =	vst v3  }
0x13d: {  	s23 =	simm.s32 $0x0;
	[tilespmem:s22+$0xFFFFE010] =	vst v1  }
0x13e: {  	s5 =	sand.u32 $0xFC0, s23;
	[tilespmem:s22+$0xFFFFF010] =	vst v1  }
0x13f: {  	[tilespmem:s5+$0x9000] =	vst v2  }
0x140: {  	[tilespmem:s5+$0xA000] =	vst v2  }
0x141: {  	s4 =	simm.s32 $0x183E0;
	[tilespmem:s5+$0xB000] =	vst v2  }
.LBB2_10:
0x142: {  	v2 =	vld [tilespmem:s4+$0x10];
	[tilespmem:s22+$0x10] =	vst v1  }
0x143: {  	v3 =	vld [tilespmem:s4+$0xFFFFFFE0];
	[tilespmem:s22+$0x1010] =	vst v1  }
0x144: {  	v4 =	vld [tilespmem:s4+$0xFFFFFFF0];
	[tilespmem:s22+$0xFFFFE020] =	vst v0  }
0x145: {  	v1 =	vld [tilespmem:s4+$0x0];
	[tilespmem:s22+$0xFFFFF020] =	vst v0  }
0x146: {  	[tilespmem:s22+$0x20] =	vst v0;
	s22 =	sadd.s32 $0x40, s22  }
0x147: {  	s23 =	sadd.s32 $0x40, s23;
	s5 =	simm.s32 $0x10000;
	[tilespmem:s22+$0x1020] =	vst v2;
	v0 =	vmov v2  }
0x148: {  	s6 =	sand.u32 $0xFC0, s23;
	p0 =	slt.u32 s23, $0xFC0;
	[tilespmem:s22+$0xFFFFDFF0] =	vst v3  }
0x149: {  	[tilespmem:s6+$0x9000] =	vst v3  }
0x14a: {  	[tilespmem:s6+$0xA000] =	vst v3  }
0x14b: {  	[tilespmem:s6+$0xB000] =	vst v3  }
0x14c: {  	[tilespmem:s22+$0xFFFFE000] =	vst v4  }
.Ltmp4:
0x14d: {  	[tilespmem:s22+$0xFFFFF000] =	vst v4;
	(pc) =	sbr.rel @p0 .LBB2_10-.Ltmp4, $4  }
0x14e: {  	[tilespmem:s22+$0x0] =	vst v4  }
0x14f: {  	[tilespmem:s22+$0x1000] =	vst v4  }
0x150: {  	[tilespmem:s22+$0xFFFFE010] =	vst v1  }
0x151: {  	s4 =	sadd.s32 $0x40, s4;
	[tilespmem:s22+$0xFFFFF010] =	vst v1  }
0x152: {  	[tilespmem:s22+$0x10] =	vst v1  }
0x153: {  	[tilespmem:s22+$0x1010] =	vst v1  }
0x154: {  	[tilespmem:s22+$0xFFFFE020] =	vst v0  }
0x155: {  	[tilespmem:s22+$0xFFFFF020] =	vst v0  }
0x156: {  	[tilespmem:s22+$0x20] =	vst v0  }
0x157: {  	v0 =	vld [tilespmem:s5+$0x10];
	_ =	sdelay $0x4  }
0x158: {  	v2 =	vand.u32 $0xFFF, v0  }
0x159: {  	v1 =	vld [tilespmem:s5+$0x0];
	_ =	sdelay $0x2  }
0x15a: {  	v4 =	vld [tilespmem:s5+$0x41B0]  }
0x15b: {  	v3 =	vld.idx.msk [tilespmem:v2+s3+$0x0], $0xffff  }
0x15c: {  	v5 =	vand.u32 $0xFFF, v1  }
0x15d: {  	v6 =	vshrl.u32 v0, $0xC;
	_ =	sdelay $0x1  }
0x15e: {  	v0 =	vor.u32 $0x1000, v2  }
0x15f: {  	v11 =	vld [tilespmem:s5+$0x41A0];
	v3 =	vmul.f32 v3, v4  }
0x160: {  	v7 =	vld.idx.msk [tilespmem:v5+s3+$0x0], $0xffff  }
0x161: {  	s4 =	simm.s32 $0x10020;
	[tilespmem:v6+s29+$0x0] =	vst.idx.add.f32.msk $0xffff, v3  }
0x162: {  	v8 =	vshrl.u32 v1, $0xC;
	v3 =	vld [tilespmem:s4+$0x10]  }
0x163: {  	v1 =	vadd.s32 $0x1000, v6;
	v9 =	vor.u32 $0x1000, v5;
	v0 =	vld.idx.msk [tilespmem:v0+s3+$0x0], $0xffff  }
0x164: {  	v12 =	vld [tilespmem:s4+$0x0];
	v10 =	vand.u32 $0x7F, v6;
	v1 =	vand.u32 $0x1FFF80, v1  }
0x165: {  	v1 =	vor.u32 v10, v1;
	v7 =	vmul.f32 v7, v11;
	_ =	sdelay $0x1  }
0x166: {  	v13 =	vor.u32 $0x2000, v2;
	[tilespmem:v8+s29+$0x0] =	vst.idx.add.f32.msk $0xffff, v7  }
0x167: {  	v7 =	vadd.s32 $0x1000, v8;
	v9 =	vld.idx.msk [tilespmem:v9+s3+$0x0], $0xffff;
	v14 =	vand.u32 $0xFFF, v3;
	v0 =	vmul.f32 v0, v4  }
0x168: {  	v16 =	vand.u32 $0xFFF, v12;
	v15 =	vand.u32 $0x7F, v8;
	v7 =	vand.u32 $0x1FFF80, v7  }
0x169: {  	v7 =	vor.u32 v15, v7;
	[tilespmem:v1+s29+$0x0] =	vst.idx.add.f32.msk $0xffff, v0  }
0x16a: {  	v1 =	vld [tilespmem:s4+$0x41B0]  }
0x16b: {  	v17 =	vor.u32 $0x2000, v5;
	v0 =	vadd.s32 $0x2000, v6;
	v13 =	vld.idx.msk [tilespmem:v13+s3+$0x0], $0xffff  }
0x16c: {  	v9 =	vmul.f32 v9, v11;
	v0 =	vand.u32 $0x1FFF80, v0;
	v18 =	vld.idx.msk [tilespmem:v14+s3+$0x0], $0xffff  }
0x16d: {  	v20 =	vld.idx.msk [tilespmem:v16+s3+$0x0], $0xffff;
	v19 =	vor.u32 v10, v0  }
0x16e: {  	v2 =	vor.u32 $0x3000, v2;
	[tilespmem:v7+s29+$0x0] =	vst.idx.add.f32.msk $0xffff, v9  }
0x16f: {  	v0 =	vld [tilespmem:s4+$0x41A0]  }
0x170: {  	s23 =	simm.s32 $0x10040;
	v21 =	vshrl.u32 v3, $0xC;
	v9 =	vld.idx.msk [tilespmem:v17+s3+$0x0], $0xffff;
	v3 =	vmul.f32 v13, v4  }
0x171: {  	v7 =	vor.u32 $0x1000, v14;
	v13 =	vmul.f32 v18, v1;
	v18 =	vld [tilespmem:s23+$0x10]  }
0x172: {  	v12 =	vshrl.u32 v12, $0xC;
	[tilespmem:v19+s29+$0x0] =	vst.idx.add.f32.msk $0xffff, v3  }
0x173: {  	v3 =	vadd.s32 $0x3000, v6;
	v6 =	vor.u32 $0x1000, v16;
	v17 =	vld.idx.msk [tilespmem:v2+s3+$0x0], $0xffff  }
0x174: {  	v19 =	vmul.f32 v20, v0;
	v20 =	vld [tilespmem:s23+$0x0];
	v2 =	vadd.s32 $0x2000, v8;
	v3 =	vand.u32 $0x1FFF80, v3  }
0x175: {  	[tilespmem:v21+s29+$0x0] =	vst.idx.add.f32.msk $0xffff, v13;
	v2 =	vand.u32 $0x1FFF80, v2;
	v10 =	vor.u32 v10, v3  }
0x176: {  	v7 =	vld.idx.msk [tilespmem:v7+s3+$0x0], $0xffff;
	v13 =	vor.u32 v15, v2;
	v2 =	vadd.s32 $0x1000, v21  }
0x177: {  	v3 =	vand.u32 $0x7F, v21;
	[tilespmem:v12+s29+$0x0] =	vst.idx.add.f32.msk $0xffff, v19;
	v22 =	vand.u32 $0x1FFF80, v2  }
0x178: {  	v23 =	vor.u32 $0x3000, v5;
	v2 =	vld [tilespmem:s23+$0x41A0];
	v22 =	vor.u32 v3, v22;
	v17 =	vmul.f32 v17, v4  }
0x179: {  	v5 =	vadd.s32 $0x3000, v8;
	v9 =	vmul.f32 v9, v11;
	v8 =	vor.u32 $0x2000, v14;
	v19 =	vld.idx.msk [tilespmem:v6+s3+$0x0], $0xffff  }
0x17a: {  	v4 =	vand.u32 $0x1FFF80, v5;
	v5 =	vand.u32 $0xFFF, v18;
	[tilespmem:v10+s29+$0x0] =	vst.idx.add.f32.msk $0xffff, v17  }
0x17b: {  	v6 =	vadd.s32 $0x1000, v12;
	v25 =	vand.u32 $0xFFF, v20;
	v7 =	vmul.f32 v7, v1;
	[tilespmem:v13+s29+$0x0] =	vst.idx.add.f32.msk $0xffff, v9  }
0x17c: {  	v6 =	vand.u32 $0x1FFF80, v6;
	v4 =	vor.u32 v15, v4;
	v10 =	vand.u32 $0x7F, v12;
	v13 =	vld [tilespmem:s23+$0x41B0]  }
0x17d: {  	v15 =	vor.u32 $0x2000, v16;
	v9 =	vadd.s32 $0x2000, v12;
	v24 =	vor.u32 v10, v6;
	[tilespmem:v22+s29+$0x0] =	vst.idx.add.f32.msk $0xffff, v7  }
0x17e: {  	v6 =	vand.u32 $0x1FFF80, v9;
	v9 =	vadd.s32 $0x3000, v12;
	v12 =	vld.idx.msk [tilespmem:v8+s3+$0x0], $0xffff;
	v8 =	vadd.s32 $0x2000, v21  }
0x17f: {  	v7 =	vor.u32 v10, v6;
	v6 =	vand.u32 $0x1FFF80, v9;
	v22 =	vld.idx.msk [tilespmem:v5+s3+$0x0], $0xffff;
	v9 =	vand.u32 $0x1FFF80, v8  }
0x180: {  	v14 =	vor.u32 $0x3000, v14;
	v23 =	vld.idx.msk [tilespmem:v23+s3+$0x0], $0xffff;
	v6 =	vor.u32 v10, v6;
	v10 =	vor.u32 v3, v9  }
0x181: {  	v63 =	vor.u32 $0x1000, v5;
	v19 =	vmul.f32 v19, v0;
	v27 =	vld.idx.msk [tilespmem:v25+s3+$0x0], $0xffff;
	v9 =	vshrl.u32 v18, $0xC  }
0x182: {  	v17 =	vor.u32 $0x1000, v25;
	v8 =	vor.u32 $0x3000, v16;
	v16 =	vshrl.u32 v20, $0xC  }
0x183: {  	v26 =	vand.u32 $0x7F, v16;
	v18 =	vadd.s32 $0x1000, v16;
	[tilespmem:v24+s29+$0x0] =	vst.idx.add.f32.msk $0xffff, v19;
	v19 =	vmul.f32 v12, v1  }
0x184: {  	v28 =	vadd.s32 $0x2000, v16;
	v18 =	vand.u32 $0x1FFF80, v18;
	v20 =	vld.idx.msk [tilespmem:v15+s3+$0x0], $0xffff;
	v22 =	vmul.f32 v22, v13  }
0x185: {  	v28 =	vand.u32 $0x1FFF80, v28;
	v11 =	vmul.f32 v23, v11;
	v15 =	vor.u32 v26, v18;
	[tilespmem:v10+s29+$0x0] =	vst.idx.add.f32.msk $0xffff, v19  }
0x186: {  	v29 =	vadd.s32 $0x3000, v16;
	v18 =	vor.u32 v26, v28;
	v23 =	vmul.f32 v27, v2;
	[tilespmem:v9+s29+$0x0] =	vst.idx.add.f32.msk $0xffff, v22  }
0x187: {  	v12 =	vor.u32 $0x2000, v25;
	v10 =	vand.u32 $0x1FFF80, v29;
	v22 =	vadd.s32 $0x3000, v21;
	v19 =	vld.idx.msk [tilespmem:v14+s3+$0x0], $0xffff  }
0x188: {  	s22 =	simm.s32 $0x40;
	s23 =	simm.s32 $0x10060;
	v14 =	vor.u32 $0x3000, v25;
	v10 =	vor.u32 v26, v10;
	v21 =	vld.idx.msk [tilespmem:v63+s3+$0x0], $0xffff;
	v22 =	vand.u32 $0x1FFF80, v22  }
.LBB2_12:
0x189: {  	v24 =	vld [tilespmem:s23+$0x10];
	s22 =	sadd.s32 $0x20, s22;
	v25 =	vadd.s32 $0x1000, v9;
	v20 =	vmul.f32 v20, v0;
	v22 =	vor.u32 v3, v22  }
0x18a: {  	v3 =	vand.u32 $0x7F, v9;
	v26 =	vld [tilespmem:s23+$0x0];
	p0 =	slt.u32 s22, $0x4180;
	v25 =	vand.u32 $0x1FFF80, v25  }
0x18b: {  	v27 =	vld [tilespmem:s23+$0x41A0];
	v25 =	vor.u32 v3, v25  }
0x18c: {  	[tilespmem:v16+s29+$0x0] =	vst.idx.add.f32.msk $0xffff, v23;
	v23 =	vor.u32 $0x2000, v5;
	v16 =	vmul.f32 v19, v1;
	v1 =	vmov v13  }
0x18d: {  	v13 =	vld.idx.msk [tilespmem:v17+s3+$0x0], $0xffff  }
0x18e: {  	v21 =	vmul.f32 v21, v1;
	v19 =	vand.u32 $0xFFF, v24;
	[tilespmem:v22+s29+$0x0] =	vst.idx.add.f32.msk $0xffff, v16  }
0x18f: {  	v16 =	vshrl.u32 v26, $0xC;
	v22 =	vand.u32 $0xFFF, v26;
	[tilespmem:v7+s29+$0x0] =	vst.idx.add.f32.msk $0xffff, v20;
	v7 =	vmov v18  }
0x190: {  	v20 =	vand.u32 $0x7F, v16;
	v17 =	vor.u32 $0x1000, v22;
	v18 =	vadd.s32 $0x1000, v16;
	[tilespmem:v25+s29+$0x0] =	vst.idx.add.f32.msk $0xffff, v21  }
0x191: {  	v21 =	vor.u32 $0x2000, v22;
	v25 =	vadd.s32 $0x2000, v16;
	v18 =	vand.u32 $0x1FFF80, v18;
	v23 =	vld.idx.msk [tilespmem:v23+s3+$0x0], $0xffff  }
0x192: {  	v26 =	vor.u32 v20, v18;
	v18 =	vand.u32 $0x1FFF80, v25;
	v25 =	vadd.s32 $0x2000, v9;
	v28 =	vld.idx.msk [tilespmem:v8+s3+$0x0], $0xffff;
	v8 =	vmovc v14  }
0x193: {  	v30 =	vmul.f32 v13, v2;
	v18 =	vor.u32 v20, v18;
	v29 =	vld.idx.msk [tilespmem:v19+s3+$0x0], $0xffff;
	v25 =	vand.u32 $0x1FFF80, v25  }
0x194: {  	v31 =	vadd.s32 $0x3000, v16;
	v14 =	vor.u32 $0x3000, v22;
	v13 =	vld [tilespmem:s23+$0x41B0];
	v25 =	vor.u32 v3, v25  }
0x195: {  	v32 =	vor.u32 $0x3000, v5;
	v5 =	vmov v19;
	v31 =	vand.u32 $0x1FFF80, v31;
	v22 =	vld.idx.msk [tilespmem:v22+s3+$0x0], $0xffff  }
0x196: {  	v24 =	vshrl.u32 v24, $0xC;
	v19 =	vor.u32 v20, v31;
	[tilespmem:v15+s29+$0x0] =	vst.idx.add.f32.msk $0xffff, v30;
	v15 =	vmov v26  }
0x197: {  	v26 =	vor.u32 $0x1000, v5;
	v23 =	vmul.f32 v23, v1;
	v20 =	vld.idx.msk [tilespmem:v12+s3+$0x0], $0xffff;
	v12 =	vmov v21  }
.Ltmp5:
0x198: {  	[tilespmem:v4+s29+$0x0] =	vst.idx.add.f32.msk $0xffff, v11;
	v11 =	vmul.f32 v28, v0;
	v0 =	vmovc v2;
	v2 =	vmov v27;
	v4 =	vmov v6;
	(pc) =	sbr.rel @p0 .LBB2_12-.Ltmp5, $4  }
0x199: {  	v6 =	vmov v10;
	v10 =	vmov v19;
	v21 =	vmul.f32 v29, v13;
	[tilespmem:v25+s29+$0x0] =	vst.idx.add.f32.msk $0xffff, v23  }
0x19a: {  	v19 =	vld.idx.msk [tilespmem:v32+s3+$0x0], $0xffff  }
0x19b: {  	v23 =	vmul.f32 v22, v2;
	v22 =	vadd.s32 $0x3000, v9;
	v9 =	vmov v24;
	[tilespmem:v24+s29+$0x0] =	vst.idx.add.f32.msk $0xffff, v21  }
0x19c: {  	s23 =	sadd.s32 $0x20, s23;
	v22 =	vand.u32 $0x1FFF80, v22;
	v21 =	vld.idx.msk [tilespmem:v26+s3+$0x0], $0xffff  }
0x19d: {  	_ =	sdelay $0x2  }
0x19e: {  	v24 =	vadd.s32 $0x1000, v9  }
0x19f: {  	[tilespmem:v16+s29+$0x0] =	vst.idx.add.f32.msk $0xffff, v23;
	v52 =	vand.u32 $0x7F, v9;
	v53 =	vand.u32 $0x1FFF80, v24  }
0x1a0: {  	v17 =	vld.idx.msk [tilespmem:v17+s3+$0x0], $0xffff;
	v23 =	vor.u32 v52, v53  }
0x1a1: {  	v54 =	vor.u32 $0x2000, v5;
	_ =	sdelay $0x1  }
0x1a2: {  	v21 =	vmul.f32 v21, v13;
	_ =	sdelay $0x1  }
0x1a3: {  	v17 =	vmul.f32 v17, v2;
	[tilespmem:v23+s29+$0x0] =	vst.idx.add.f32.msk $0xffff, v21  }
0x1a4: {  	v55 =	vadd.s32 $0x2000, v9;
	v21 =	vld.idx.msk [tilespmem:v54+s3+$0x0], $0xffff  }
0x1a5: {  	v23 =	vand.u32 $0x1FFF80, v55;
	[tilespmem:v15+s29+$0x0] =	vst.idx.add.f32.msk $0xffff, v17  }
0x1a6: {  	v56 =	vor.u32 v52, v23;
	v12 =	vld.idx.msk [tilespmem:v12+s3+$0x0], $0xffff  }
0x1a7: {  	v57 =	vmul.f32 v20, v0;
	v58 =	vor.u32 $0x3000, v5;
	_ =	sdelay $0x1  }
0x1a8: {  	[tilespmem:v7+s29+$0x0] =	vst.idx.add.f32.msk $0xffff, v57;
	v59 =	vmul.f32 v21, v13  }
0x1a9: {  	v8 =	vld.idx.msk [tilespmem:v8+s3+$0x0], $0xffff  }
0x1aa: {  	v60 =	vmul.f32 v12, v2;
	[tilespmem:v56+s29+$0x0] =	vst.idx.add.f32.msk $0xffff, v59  }
0x1ab: {  	v3 =	vor.u32 v3, v22;
	v61 =	vadd.s32 $0x3000, v9;
	v5 =	vld.idx.msk [tilespmem:v58+s3+$0x0], $0xffff  }
0x1ac: {  	v9 =	vand.u32 $0x1FFF80, v61;
	[tilespmem:v18+s29+$0x0] =	vst.idx.add.f32.msk $0xffff, v60  }
0x1ad: {  	v62 =	vor.u32 v52, v9;
	v63 =	vld.idx.msk [tilespmem:v14+s3+$0x0], $0xffff  }
0x1ae: {  	v1 =	vmul.f32 v19, v1;
	_ =	sdelay $0x1  }
0x1af: {  	[tilespmem:v3+s29+$0x0] =	vst.idx.add.f32.msk $0xffff, v1;
	v1 =	vmul.f32 v5, v13  }
0x1b0: {  	[tilespmem:v4+s29+$0x0] =	vst.idx.add.f32.msk $0xffff, v11;
	v0 =	vmul.f32 v8, v0  }
0x1b1: {  	[tilespmem:v62+s29+$0x0] =	vst.idx.add.f32.msk $0xffff, v1;
	v1 =	vmul.f32 v63, v2  }
0x1b2: {  	[tilespmem:v6+s29+$0x0] =	vst.idx.add.f32.msk $0xffff, v0  }
0x1b3: {  	[tilespmem:v10+s29+$0x0] =	vst.idx.add.f32.msk $0xffff, v1  }
0x1b4: {  	[hbm4b:s11+s3] =	stream.linear.scatter [tilespmem:s29], [sflag:$0x3], $0x4000, $0x38;
	[tilespmem:$0x19380] =	vst v63  }
0x1b5: {  	_ =	swait.ge [sflag:s30], $0x4000  }
0x1b6: {  	[sflag:s30] =	ssyncset.done $0x0  }
0x1b7: {  	[sflag:s30] =	ssyncadd.s32 $0xFFFFC000  }
0x1b8: {  	[tilespmem:s3], [sflag:$0x1] =	stream.linear.gather [hbm4b:s12+s3], $0x4000, $0x38;
	[tilespmem:$0x19380] =	vst v63  }
0x1b9: {  	_ =	swait.ge [sflag:s2], $0x4000  }
0x1ba: {  	[sflag:s2] =	ssyncset.done $0x0  }
0x1bb: {  	s4 =	simm.s32 $0x183A0;
	[sflag:s2] =	ssyncadd.s32 $0xFFFFC000  }
0x1bc: {  	v0 =	vld [tilespmem:s4+$0x10]  }
0x1bd: {  	v2 =	vld [tilespmem:s4+$0xFFFFFFE0]  }
0x1be: {  	v3 =	vld [tilespmem:s4+$0xFFFFFFF0];
	_ =	sdelay $0x1  }
0x1bf: {  	s22 =	simm.s32 $0xE010  }
0x1c0: {  	[tilespmem:s22+$0x1020] =	vst v0  }
0x1c1: {  	v1 =	vld [tilespmem:s4+$0x0];
	[tilespmem:s22+$0xFFFFDFF0] =	vst v2  }
0x1c2: {  	[tilespmem:s22+$0xFFFFE000] =	vst v3  }
0x1c3: {  	[tilespmem:s22+$0xFFFFF000] =	vst v3  }
0x1c4: {  	[tilespmem:s22+$0x0] =	vst v3  }
0x1c5: {  	[tilespmem:s22+$0x1000] =	vst v3  }
0x1c6: {  	s23 =	simm.s32 $0x0;
	[tilespmem:s22+$0xFFFFE010] =	vst v1  }
0x1c7: {  	s5 =	sand.u32 $0xFC0, s23;
	[tilespmem:s22+$0xFFFFF010] =	vst v1  }
0x1c8: {  	[tilespmem:s5+$0xD000] =	vst v2  }
0x1c9: {  	[tilespmem:s5+$0xE000] =	vst v2  }
0x1ca: {  	s4 =	simm.s32 $0x183E0;
	[tilespmem:s5+$0xF000] =	vst v2  }
.LBB2_14:
0x1cb: {  	v2 =	vld [tilespmem:s4+$0x10];
	[tilespmem:s22+$0x10] =	vst v1  }
0x1cc: {  	v3 =	vld [tilespmem:s4+$0xFFFFFFE0];
	[tilespmem:s22+$0x1010] =	vst v1  }
0x1cd: {  	v4 =	vld [tilespmem:s4+$0xFFFFFFF0];
	[tilespmem:s22+$0xFFFFE020] =	vst v0  }
0x1ce: {  	v1 =	vld [tilespmem:s4+$0x0];
	[tilespmem:s22+$0xFFFFF020] =	vst v0  }
0x1cf: {  	[tilespmem:s22+$0x20] =	vst v0;
	s22 =	sadd.s32 $0x40, s22  }
0x1d0: {  	s23 =	sadd.s32 $0x40, s23;
	s5 =	simm.s32 $0x10000;
	[tilespmem:s22+$0x1020] =	vst v2;
	v0 =	vmov v2  }
0x1d1: {  	s6 =	sand.u32 $0xFC0, s23;
	p0 =	slt.u32 s23, $0xFC0;
	[tilespmem:s22+$0xFFFFDFF0] =	vst v3  }
0x1d2: {  	[tilespmem:s6+$0xD000] =	vst v3  }
0x1d3: {  	[tilespmem:s6+$0xE000] =	vst v3  }
0x1d4: {  	[tilespmem:s6+$0xF000] =	vst v3  }
0x1d5: {  	[tilespmem:s22+$0xFFFFE000] =	vst v4  }
.Ltmp6:
0x1d6: {  	[tilespmem:s22+$0xFFFFF000] =	vst v4;
	(pc) =	sbr.rel @p0 .LBB2_14-.Ltmp6, $4  }
0x1d7: {  	[tilespmem:s22+$0x0] =	vst v4  }
0x1d8: {  	[tilespmem:s22+$0x1000] =	vst v4  }
0x1d9: {  	[tilespmem:s22+$0xFFFFE010] =	vst v1  }
0x1da: {  	s4 =	sadd.s32 $0x40, s4;
	[tilespmem:s22+$0xFFFFF010] =	vst v1  }
0x1db: {  	[tilespmem:s22+$0x10] =	vst v1  }
0x1dc: {  	[tilespmem:s22+$0x1010] =	vst v1  }
0x1dd: {  	[tilespmem:s22+$0xFFFFE020] =	vst v0  }
0x1de: {  	[tilespmem:s22+$0xFFFFF020] =	vst v0  }
0x1df: {  	[tilespmem:s22+$0x20] =	vst v0  }
0x1e0: {  	v0 =	vld [tilespmem:s5+$0x10];
	_ =	sdelay $0x4  }
0x1e1: {  	v2 =	vand.u32 $0xFFF, v0  }
0x1e2: {  	v1 =	vld [tilespmem:s5+$0x0];
	_ =	sdelay $0x2  }
0x1e3: {  	v4 =	vld [tilespmem:s5+$0x41B0]  }
0x1e4: {  	v3 =	vld.idx.msk [tilespmem:v2+s28+$0x0], $0xffff  }
0x1e5: {  	v5 =	vand.u32 $0xFFF, v1  }
0x1e6: {  	v6 =	vshrl.u32 v0, $0xC;
	_ =	sdelay $0x1  }
0x1e7: {  	v0 =	vor.u32 $0x1000, v2  }
0x1e8: {  	v11 =	vld [tilespmem:s5+$0x41A0];
	v3 =	vmul.f32 v3, v4  }
0x1e9: {  	v7 =	vld.idx.msk [tilespmem:v5+s28+$0x0], $0xffff  }
0x1ea: {  	s4 =	simm.s32 $0x10020;
	[tilespmem:v6+s31+$0x0] =	vst.idx.add.f32.msk $0xffff, v3  }
0x1eb: {  	v8 =	vshrl.u32 v1, $0xC;
	v3 =	vld [tilespmem:s4+$0x10]  }
0x1ec: {  	v1 =	vadd.s32 $0x1000, v6;
	v9 =	vor.u32 $0x1000, v5;
	v0 =	vld.idx.msk [tilespmem:v0+s28+$0x0], $0xffff  }
0x1ed: {  	v12 =	vld [tilespmem:s4+$0x0];
	v10 =	vand.u32 $0x7F, v6;
	v1 =	vand.u32 $0x1FFF80, v1  }
0x1ee: {  	v1 =	vor.u32 v10, v1;
	v7 =	vmul.f32 v7, v11;
	_ =	sdelay $0x1  }
0x1ef: {  	v13 =	vor.u32 $0x2000, v2;
	[tilespmem:v8+s31+$0x0] =	vst.idx.add.f32.msk $0xffff, v7  }
0x1f0: {  	v7 =	vadd.s32 $0x1000, v8;
	v9 =	vld.idx.msk [tilespmem:v9+s28+$0x0], $0xffff;
	v14 =	vand.u32 $0xFFF, v3;
	v0 =	vmul.f32 v0, v4  }
0x1f1: {  	v16 =	vand.u32 $0xFFF, v12;
	v15 =	vand.u32 $0x7F, v8;
	v7 =	vand.u32 $0x1FFF80, v7  }
0x1f2: {  	v7 =	vor.u32 v15, v7;
	[tilespmem:v1+s31+$0x0] =	vst.idx.add.f32.msk $0xffff, v0  }
0x1f3: {  	v1 =	vld [tilespmem:s4+$0x41B0]  }
0x1f4: {  	v17 =	vor.u32 $0x2000, v5;
	v0 =	vadd.s32 $0x2000, v6;
	v13 =	vld.idx.msk [tilespmem:v13+s28+$0x0], $0xffff  }
0x1f5: {  	v9 =	vmul.f32 v9, v11;
	v0 =	vand.u32 $0x1FFF80, v0;
	v18 =	vld.idx.msk [tilespmem:v14+s28+$0x0], $0xffff  }
0x1f6: {  	v20 =	vld.idx.msk [tilespmem:v16+s28+$0x0], $0xffff;
	v19 =	vor.u32 v10, v0  }
0x1f7: {  	v2 =	vor.u32 $0x3000, v2;
	[tilespmem:v7+s31+$0x0] =	vst.idx.add.f32.msk $0xffff, v9  }
0x1f8: {  	v0 =	vld [tilespmem:s4+$0x41A0]  }
0x1f9: {  	s23 =	simm.s32 $0x10040;
	v21 =	vshrl.u32 v3, $0xC;
	v9 =	vld.idx.msk [tilespmem:v17+s28+$0x0], $0xffff;
	v3 =	vmul.f32 v13, v4  }
0x1fa: {  	v7 =	vor.u32 $0x1000, v14;
	v13 =	vmul.f32 v18, v1;
	v18 =	vld [tilespmem:s23+$0x10]  }
0x1fb: {  	v12 =	vshrl.u32 v12, $0xC;
	[tilespmem:v19+s31+$0x0] =	vst.idx.add.f32.msk $0xffff, v3  }
0x1fc: {  	v3 =	vadd.s32 $0x3000, v6;
	v6 =	vor.u32 $0x1000, v16;
	v17 =	vld.idx.msk [tilespmem:v2+s28+$0x0], $0xffff  }
0x1fd: {  	v19 =	vmul.f32 v20, v0;
	v20 =	vld [tilespmem:s23+$0x0];
	v2 =	vadd.s32 $0x2000, v8;
	v3 =	vand.u32 $0x1FFF80, v3  }
0x1fe: {  	[tilespmem:v21+s31+$0x0] =	vst.idx.add.f32.msk $0xffff, v13;
	v2 =	vand.u32 $0x1FFF80, v2;
	v10 =	vor.u32 v10, v3  }
0x1ff: {  	v7 =	vld.idx.msk [tilespmem:v7+s28+$0x0], $0xffff;
	v13 =	vor.u32 v15, v2;
	v2 =	vadd.s32 $0x1000, v21  }
0x200: {  	v3 =	vand.u32 $0x7F, v21;
	[tilespmem:v12+s31+$0x0] =	vst.idx.add.f32.msk $0xffff, v19;
	v22 =	vand.u32 $0x1FFF80, v2  }
0x201: {  	v23 =	vor.u32 $0x3000, v5;
	v2 =	vld [tilespmem:s23+$0x41A0];
	v22 =	vor.u32 v3, v22;
	v17 =	vmul.f32 v17, v4  }
0x202: {  	v5 =	vadd.s32 $0x3000, v8;
	v9 =	vmul.f32 v9, v11;
	v8 =	vor.u32 $0x2000, v14;
	v19 =	vld.idx.msk [tilespmem:v6+s28+$0x0], $0xffff  }
0x203: {  	v4 =	vand.u32 $0x1FFF80, v5;
	v5 =	vand.u32 $0xFFF, v18;
	[tilespmem:v10+s31+$0x0] =	vst.idx.add.f32.msk $0xffff, v17  }
0x204: {  	v6 =	vadd.s32 $0x1000, v12;
	v25 =	vand.u32 $0xFFF, v20;
	v7 =	vmul.f32 v7, v1;
	[tilespmem:v13+s31+$0x0] =	vst.idx.add.f32.msk $0xffff, v9  }
0x205: {  	v6 =	vand.u32 $0x1FFF80, v6;
	v4 =	vor.u32 v15, v4;
	v10 =	vand.u32 $0x7F, v12;
	v13 =	vld [tilespmem:s23+$0x41B0]  }
0x206: {  	v15 =	vor.u32 $0x2000, v16;
	v9 =	vadd.s32 $0x2000, v12;
	v24 =	vor.u32 v10, v6;
	[tilespmem:v22+s31+$0x0] =	vst.idx.add.f32.msk $0xffff, v7  }
0x207: {  	v6 =	vand.u32 $0x1FFF80, v9;
	v9 =	vadd.s32 $0x3000, v12;
	v12 =	vld.idx.msk [tilespmem:v8+s28+$0x0], $0xffff;
	v8 =	vadd.s32 $0x2000, v21  }
0x208: {  	v7 =	vor.u32 v10, v6;
	v6 =	vand.u32 $0x1FFF80, v9;
	v22 =	vld.idx.msk [tilespmem:v5+s28+$0x0], $0xffff;
	v9 =	vand.u32 $0x1FFF80, v8  }
0x209: {  	v14 =	vor.u32 $0x3000, v14;
	v23 =	vld.idx.msk [tilespmem:v23+s28+$0x0], $0xffff;
	v6 =	vor.u32 v10, v6;
	v10 =	vor.u32 v3, v9  }
0x20a: {  	v63 =	vor.u32 $0x1000, v5;
	v19 =	vmul.f32 v19, v0;
	v27 =	vld.idx.msk [tilespmem:v25+s28+$0x0], $0xffff;
	v9 =	vshrl.u32 v18, $0xC  }
0x20b: {  	v17 =	vor.u32 $0x1000, v25;
	v8 =	vor.u32 $0x3000, v16;
	v16 =	vshrl.u32 v20, $0xC  }
0x20c: {  	v26 =	vand.u32 $0x7F, v16;
	v18 =	vadd.s32 $0x1000, v16;
	[tilespmem:v24+s31+$0x0] =	vst.idx.add.f32.msk $0xffff, v19;
	v19 =	vmul.f32 v12, v1  }
0x20d: {  	v28 =	vadd.s32 $0x2000, v16;
	v18 =	vand.u32 $0x1FFF80, v18;
	v20 =	vld.idx.msk [tilespmem:v15+s28+$0x0], $0xffff;
	v22 =	vmul.f32 v22, v13  }
0x20e: {  	v28 =	vand.u32 $0x1FFF80, v28;
	v11 =	vmul.f32 v23, v11;
	v15 =	vor.u32 v26, v18;
	[tilespmem:v10+s31+$0x0] =	vst.idx.add.f32.msk $0xffff, v19  }
0x20f: {  	v29 =	vadd.s32 $0x3000, v16;
	v18 =	vor.u32 v26, v28;
	v23 =	vmul.f32 v27, v2;
	[tilespmem:v9+s31+$0x0] =	vst.idx.add.f32.msk $0xffff, v22  }
0x210: {  	v12 =	vor.u32 $0x2000, v25;
	v10 =	vand.u32 $0x1FFF80, v29;
	v22 =	vadd.s32 $0x3000, v21;
	v19 =	vld.idx.msk [tilespmem:v14+s28+$0x0], $0xffff  }
0x211: {  	s22 =	simm.s32 $0x40;
	s23 =	simm.s32 $0x10060;
	v14 =	vor.u32 $0x3000, v25;
	v10 =	vor.u32 v26, v10;
	v21 =	vld.idx.msk [tilespmem:v63+s28+$0x0], $0xffff;
	v22 =	vand.u32 $0x1FFF80, v22  }
.LBB2_16:
0x212: {  	v24 =	vld [tilespmem:s23+$0x10];
	s22 =	sadd.s32 $0x20, s22;
	v25 =	vadd.s32 $0x1000, v9;
	v20 =	vmul.f32 v20, v0;
	v22 =	vor.u32 v3, v22  }
0x213: {  	v3 =	vand.u32 $0x7F, v9;
	v26 =	vld [tilespmem:s23+$0x0];
	p0 =	slt.u32 s22, $0x4180;
	v25 =	vand.u32 $0x1FFF80, v25  }
0x214: {  	v27 =	vld [tilespmem:s23+$0x41A0];
	v25 =	vor.u32 v3, v25  }
0x215: {  	[tilespmem:v16+s31+$0x0] =	vst.idx.add.f32.msk $0xffff, v23;
	v23 =	vor.u32 $0x2000, v5;
	v16 =	vmul.f32 v19, v1;
	v1 =	vmov v13  }
0x216: {  	v13 =	vld.idx.msk [tilespmem:v17+s28+$0x0], $0xffff  }
0x217: {  	v21 =	vmul.f32 v21, v1;
	v19 =	vand.u32 $0xFFF, v24;
	[tilespmem:v22+s31+$0x0] =	vst.idx.add.f32.msk $0xffff, v16  }
0x218: {  	v16 =	vshrl.u32 v26, $0xC;
	v22 =	vand.u32 $0xFFF, v26;
	[tilespmem:v7+s31+$0x0] =	vst.idx.add.f32.msk $0xffff, v20;
	v7 =	vmov v18  }
0x219: {  	v20 =	vand.u32 $0x7F, v16;
	v17 =	vor.u32 $0x1000, v22;
	v18 =	vadd.s32 $0x1000, v16;
	[tilespmem:v25+s31+$0x0] =	vst.idx.add.f32.msk $0xffff, v21  }
0x21a: {  	v21 =	vor.u32 $0x2000, v22;
	v25 =	vadd.s32 $0x2000, v16;
	v18 =	vand.u32 $0x1FFF80, v18;
	v23 =	vld.idx.msk [tilespmem:v23+s28+$0x0], $0xffff  }
0x21b: {  	v26 =	vor.u32 v20, v18;
	v18 =	vand.u32 $0x1FFF80, v25;
	v25 =	vadd.s32 $0x2000, v9;
	v28 =	vld.idx.msk [tilespmem:v8+s28+$0x0], $0xffff;
	v8 =	vmovc v14  }
0x21c: {  	v30 =	vmul.f32 v13, v2;
	v18 =	vor.u32 v20, v18;
	v29 =	vld.idx.msk [tilespmem:v19+s28+$0x0], $0xffff;
	v25 =	vand.u32 $0x1FFF80, v25  }
0x21d: {  	v31 =	vadd.s32 $0x3000, v16;
	v14 =	vor.u32 $0x3000, v22;
	v13 =	vld [tilespmem:s23+$0x41B0];
	v25 =	vor.u32 v3, v25  }
0x21e: {  	v32 =	vor.u32 $0x3000, v5;
	v5 =	vmov v19;
	v31 =	vand.u32 $0x1FFF80, v31;
	v22 =	vld.idx.msk [tilespmem:v22+s28+$0x0], $0xffff  }
0x21f: {  	v24 =	vshrl.u32 v24, $0xC;
	v19 =	vor.u32 v20, v31;
	[tilespmem:v15+s31+$0x0] =	vst.idx.add.f32.msk $0xffff, v30;
	v15 =	vmov v26  }
0x220: {  	v26 =	vor.u32 $0x1000, v5;
	v23 =	vmul.f32 v23, v1;
	v20 =	vld.idx.msk [tilespmem:v12+s28+$0x0], $0xffff;
	v12 =	vmov v21  }
.Ltmp7:
0x221: {  	[tilespmem:v4+s31+$0x0] =	vst.idx.add.f32.msk $0xffff, v11;
	v11 =	vmul.f32 v28, v0;
	v0 =	vmovc v2;
	v2 =	vmov v27;
	v4 =	vmov v6;
	(pc) =	sbr.rel @p0 .LBB2_16-.Ltmp7, $4  }
0x222: {  	v6 =	vmov v10;
	v10 =	vmov v19;
	v21 =	vmul.f32 v29, v13;
	[tilespmem:v25+s31+$0x0] =	vst.idx.add.f32.msk $0xffff, v23  }
0x223: {  	v19 =	vld.idx.msk [tilespmem:v32+s28+$0x0], $0xffff  }
0x224: {  	v23 =	vmul.f32 v22, v2;
	v22 =	vadd.s32 $0x3000, v9;
	v9 =	vmov v24;
	[tilespmem:v24+s31+$0x0] =	vst.idx.add.f32.msk $0xffff, v21  }
0x225: {  	s23 =	sadd.s32 $0x20, s23;
	v22 =	vand.u32 $0x1FFF80, v22;
	v21 =	vld.idx.msk [tilespmem:v26+s28+$0x0], $0xffff  }
0x226: {  	_ =	sdelay $0x2  }
0x227: {  	v24 =	vadd.s32 $0x1000, v9  }
0x228: {  	[tilespmem:v16+s31+$0x0] =	vst.idx.add.f32.msk $0xffff, v23;
	v52 =	vand.u32 $0x7F, v9;
	v53 =	vand.u32 $0x1FFF80, v24  }
0x229: {  	v17 =	vld.idx.msk [tilespmem:v17+s28+$0x0], $0xffff;
	v23 =	vor.u32 v52, v53  }
0x22a: {  	v54 =	vor.u32 $0x2000, v5;
	_ =	sdelay $0x1  }
0x22b: {  	v21 =	vmul.f32 v21, v13;
	_ =	sdelay $0x1  }
0x22c: {  	v17 =	vmul.f32 v17, v2;
	[tilespmem:v23+s31+$0x0] =	vst.idx.add.f32.msk $0xffff, v21  }
0x22d: {  	v55 =	vadd.s32 $0x2000, v9;
	v21 =	vld.idx.msk [tilespmem:v54+s28+$0x0], $0xffff  }
0x22e: {  	v23 =	vand.u32 $0x1FFF80, v55;
	[tilespmem:v15+s31+$0x0] =	vst.idx.add.f32.msk $0xffff, v17  }
0x22f: {  	v56 =	vor.u32 v52, v23;
	v12 =	vld.idx.msk [tilespmem:v12+s28+$0x0], $0xffff  }
0x230: {  	v57 =	vmul.f32 v20, v0;
	v58 =	vor.u32 $0x3000, v5;
	_ =	sdelay $0x1  }
0x231: {  	[tilespmem:v7+s31+$0x0] =	vst.idx.add.f32.msk $0xffff, v57;
	v59 =	vmul.f32 v21, v13  }
0x232: {  	v8 =	vld.idx.msk [tilespmem:v8+s28+$0x0], $0xffff  }
0x233: {  	v60 =	vmul.f32 v12, v2;
	[tilespmem:v56+s31+$0x0] =	vst.idx.add.f32.msk $0xffff, v59  }
0x234: {  	v3 =	vor.u32 v3, v22;
	v61 =	vadd.s32 $0x3000, v9;
	v5 =	vld.idx.msk [tilespmem:v58+s28+$0x0], $0xffff  }
0x235: {  	v9 =	vand.u32 $0x1FFF80, v61;
	[tilespmem:v18+s31+$0x0] =	vst.idx.add.f32.msk $0xffff, v60  }
0x236: {  	v62 =	vor.u32 v52, v9;
	v63 =	vld.idx.msk [tilespmem:v14+s28+$0x0], $0xffff  }
0x237: {  	v1 =	vmul.f32 v19, v1;
	_ =	sdelay $0x1  }
0x238: {  	[tilespmem:v3+s31+$0x0] =	vst.idx.add.f32.msk $0xffff, v1;
	v1 =	vmul.f32 v5, v13  }
0x239: {  	[tilespmem:v4+s31+$0x0] =	vst.idx.add.f32.msk $0xffff, v11;
	v0 =	vmul.f32 v8, v0  }
0x23a: {  	[tilespmem:v62+s31+$0x0] =	vst.idx.add.f32.msk $0xffff, v1;
	v1 =	vmul.f32 v63, v2  }
0x23b: {  	[tilespmem:v6+s31+$0x0] =	vst.idx.add.f32.msk $0xffff, v0  }
0x23c: {  	[tilespmem:v10+s31+$0x0] =	vst.idx.add.f32.msk $0xffff, v1  }
0x23d: {  	[hbm4b:s13+s3] =	stream.linear.scatter [tilespmem:s31], [sflag:$0x4], $0x4000, $0x38;
	[tilespmem:$0x19380] =	vst v63  }
0x23e: {  	_ =	swait.ge [sflag:s26], $0x4000  }
0x23f: {  	[sflag:s26] =	ssyncset.done $0x0  }
0x240: {  	[sflag:s26] =	ssyncadd.s32 $0xFFFFC000  }
0x241: {  	[tilespmem:s28], [sflag:$0x2] =	stream.linear.gather [hbm4b:s14+s3], $0x4000, $0x38;
	[tilespmem:$0x19380] =	vst v63  }
0x242: {  	_ =	swait.ge [sflag:s0], $0x4000  }
0x243: {  	[sflag:s0] =	ssyncset.done $0x0  }
0x244: {  	s4 =	simm.s32 $0x183A0;
	[sflag:s0] =	ssyncadd.s32 $0xFFFFC000  }
0x245: {  	v0 =	vld [tilespmem:s4+$0x10]  }
0x246: {  	v2 =	vld [tilespmem:s4+$0xFFFFFFE0]  }
0x247: {  	v3 =	vld [tilespmem:s4+$0xFFFFFFF0];
	_ =	sdelay $0x1  }
0x248: {  	s22 =	simm.s32 $0xA010  }
0x249: {  	[tilespmem:s22+$0x1020] =	vst v0  }
0x24a: {  	v1 =	vld [tilespmem:s4+$0x0];
	[tilespmem:s22+$0xFFFFDFF0] =	vst v2  }
0x24b: {  	[tilespmem:s22+$0xFFFFE000] =	vst v3  }
0x24c: {  	[tilespmem:s22+$0xFFFFF000] =	vst v3  }
0x24d: {  	[tilespmem:s22+$0x0] =	vst v3  }
0x24e: {  	[tilespmem:s22+$0x1000] =	vst v3  }
0x24f: {  	s23 =	simm.s32 $0x0;
	[tilespmem:s22+$0xFFFFE010] =	vst v1  }
0x250: {  	s5 =	sand.u32 $0xFC0, s23;
	[tilespmem:s22+$0xFFFFF010] =	vst v1  }
0x251: {  	[tilespmem:s5+$0x9000] =	vst v2  }
0x252: {  	[tilespmem:s5+$0xA000] =	vst v2  }
0x253: {  	s4 =	simm.s32 $0x183E0;
	[tilespmem:s5+$0xB000] =	vst v2  }
.LBB2_18:
0x254: {  	v2 =	vld [tilespmem:s4+$0x10];
	[tilespmem:s22+$0x10] =	vst v1  }
0x255: {  	v3 =	vld [tilespmem:s4+$0xFFFFFFE0];
	[tilespmem:s22+$0x1010] =	vst v1  }
0x256: {  	v4 =	vld [tilespmem:s4+$0xFFFFFFF0];
	[tilespmem:s22+$0xFFFFE020] =	vst v0  }
0x257: {  	v1 =	vld [tilespmem:s4+$0x0];
	[tilespmem:s22+$0xFFFFF020] =	vst v0  }
0x258: {  	[tilespmem:s22+$0x20] =	vst v0;
	s22 =	sadd.s32 $0x40, s22  }
0x259: {  	s23 =	sadd.s32 $0x40, s23;
	s5 =	simm.s32 $0x10000;
	[tilespmem:s22+$0x1020] =	vst v2;
	v0 =	vmov v2  }
0x25a: {  	s6 =	sand.u32 $0xFC0, s23;
	p0 =	slt.u32 s23, $0xFC0;
	[tilespmem:s22+$0xFFFFDFF0] =	vst v3  }
0x25b: {  	[tilespmem:s6+$0x9000] =	vst v3  }
0x25c: {  	[tilespmem:s6+$0xA000] =	vst v3  }
0x25d: {  	[tilespmem:s6+$0xB000] =	vst v3  }
0x25e: {  	[tilespmem:s22+$0xFFFFE000] =	vst v4  }
.Ltmp8:
0x25f: {  	[tilespmem:s22+$0xFFFFF000] =	vst v4;
	(pc) =	sbr.rel @p0 .LBB2_18-.Ltmp8, $4  }
0x260: {  	[tilespmem:s22+$0x0] =	vst v4  }
0x261: {  	[tilespmem:s22+$0x1000] =	vst v4  }
0x262: {  	[tilespmem:s22+$0xFFFFE010] =	vst v1  }
0x263: {  	s4 =	sadd.s32 $0x40, s4;
	[tilespmem:s22+$0xFFFFF010] =	vst v1  }
0x264: {  	[tilespmem:s22+$0x10] =	vst v1  }
0x265: {  	[tilespmem:s22+$0x1010] =	vst v1  }
0x266: {  	[tilespmem:s22+$0xFFFFE020] =	vst v0  }
0x267: {  	[tilespmem:s22+$0xFFFFF020] =	vst v0  }
0x268: {  	[tilespmem:s22+$0x20] =	vst v0  }
0x269: {  	v0 =	vld [tilespmem:s5+$0x10];
	_ =	sdelay $0x4  }
0x26a: {  	v2 =	vand.u32 $0xFFF, v0  }
0x26b: {  	v1 =	vld [tilespmem:s5+$0x0];
	_ =	sdelay $0x2  }
0x26c: {  	v4 =	vld [tilespmem:s5+$0x41B0]  }
0x26d: {  	v3 =	vld.idx.msk [tilespmem:v2+s3+$0x0], $0xffff  }
0x26e: {  	v5 =	vand.u32 $0xFFF, v1  }
0x26f: {  	v6 =	vshrl.u32 v0, $0xC;
	_ =	sdelay $0x1  }
0x270: {  	v0 =	vor.u32 $0x1000, v2  }
0x271: {  	v11 =	vld [tilespmem:s5+$0x41A0];
	v3 =	vmul.f32 v3, v4  }
0x272: {  	v7 =	vld.idx.msk [tilespmem:v5+s3+$0x0], $0xffff  }
0x273: {  	s4 =	simm.s32 $0x10020;
	[tilespmem:v6+s29+$0x0] =	vst.idx.add.f32.msk $0xffff, v3  }
0x274: {  	v8 =	vshrl.u32 v1, $0xC;
	v3 =	vld [tilespmem:s4+$0x10]  }
0x275: {  	v1 =	vadd.s32 $0x1000, v6;
	v9 =	vor.u32 $0x1000, v5;
	v0 =	vld.idx.msk [tilespmem:v0+s3+$0x0], $0xffff  }
0x276: {  	v12 =	vld [tilespmem:s4+$0x0];
	v10 =	vand.u32 $0x7F, v6;
	v1 =	vand.u32 $0x1FFF80, v1  }
0x277: {  	v1 =	vor.u32 v10, v1;
	v7 =	vmul.f32 v7, v11;
	_ =	sdelay $0x1  }
0x278: {  	v13 =	vor.u32 $0x2000, v2;
	[tilespmem:v8+s29+$0x0] =	vst.idx.add.f32.msk $0xffff, v7  }
0x279: {  	v7 =	vadd.s32 $0x1000, v8;
	v9 =	vld.idx.msk [tilespmem:v9+s3+$0x0], $0xffff;
	v14 =	vand.u32 $0xFFF, v3;
	v0 =	vmul.f32 v0, v4  }
0x27a: {  	v16 =	vand.u32 $0xFFF, v12;
	v15 =	vand.u32 $0x7F, v8;
	v7 =	vand.u32 $0x1FFF80, v7  }
0x27b: {  	v7 =	vor.u32 v15, v7;
	[tilespmem:v1+s29+$0x0] =	vst.idx.add.f32.msk $0xffff, v0  }
0x27c: {  	v1 =	vld [tilespmem:s4+$0x41B0]  }
0x27d: {  	v17 =	vor.u32 $0x2000, v5;
	v0 =	vadd.s32 $0x2000, v6;
	v13 =	vld.idx.msk [tilespmem:v13+s3+$0x0], $0xffff  }
0x27e: {  	v9 =	vmul.f32 v9, v11;
	v0 =	vand.u32 $0x1FFF80, v0;
	v18 =	vld.idx.msk [tilespmem:v14+s3+$0x0], $0xffff  }
0x27f: {  	v20 =	vld.idx.msk [tilespmem:v16+s3+$0x0], $0xffff;
	v19 =	vor.u32 v10, v0  }
0x280: {  	v2 =	vor.u32 $0x3000, v2;
	[tilespmem:v7+s29+$0x0] =	vst.idx.add.f32.msk $0xffff, v9  }
0x281: {  	v0 =	vld [tilespmem:s4+$0x41A0]  }
0x282: {  	s23 =	simm.s32 $0x10040;
	v21 =	vshrl.u32 v3, $0xC;
	v9 =	vld.idx.msk [tilespmem:v17+s3+$0x0], $0xffff;
	v3 =	vmul.f32 v13, v4  }
0x283: {  	v7 =	vor.u32 $0x1000, v14;
	v13 =	vmul.f32 v18, v1;
	v18 =	vld [tilespmem:s23+$0x10]  }
0x284: {  	v12 =	vshrl.u32 v12, $0xC;
	[tilespmem:v19+s29+$0x0] =	vst.idx.add.f32.msk $0xffff, v3  }
0x285: {  	v3 =	vadd.s32 $0x3000, v6;
	v6 =	vor.u32 $0x1000, v16;
	v17 =	vld.idx.msk [tilespmem:v2+s3+$0x0], $0xffff  }
0x286: {  	v19 =	vmul.f32 v20, v0;
	v20 =	vld [tilespmem:s23+$0x0];
	v2 =	vadd.s32 $0x2000, v8;
	v3 =	vand.u32 $0x1FFF80, v3  }
0x287: {  	[tilespmem:v21+s29+$0x0] =	vst.idx.add.f32.msk $0xffff, v13;
	v2 =	vand.u32 $0x1FFF80, v2;
	v10 =	vor.u32 v10, v3  }
0x288: {  	v7 =	vld.idx.msk [tilespmem:v7+s3+$0x0], $0xffff;
	v13 =	vor.u32 v15, v2;
	v2 =	vadd.s32 $0x1000, v21  }
0x289: {  	v3 =	vand.u32 $0x7F, v21;
	[tilespmem:v12+s29+$0x0] =	vst.idx.add.f32.msk $0xffff, v19;
	v22 =	vand.u32 $0x1FFF80, v2  }
0x28a: {  	v23 =	vor.u32 $0x3000, v5;
	v2 =	vld [tilespmem:s23+$0x41A0];
	v22 =	vor.u32 v3, v22;
	v17 =	vmul.f32 v17, v4  }
0x28b: {  	v5 =	vadd.s32 $0x3000, v8;
	v9 =	vmul.f32 v9, v11;
	v8 =	vor.u32 $0x2000, v14;
	v19 =	vld.idx.msk [tilespmem:v6+s3+$0x0], $0xffff  }
0x28c: {  	v4 =	vand.u32 $0x1FFF80, v5;
	v5 =	vand.u32 $0xFFF, v18;
	[tilespmem:v10+s29+$0x0] =	vst.idx.add.f32.msk $0xffff, v17  }
0x28d: {  	v6 =	vadd.s32 $0x1000, v12;
	v25 =	vand.u32 $0xFFF, v20;
	v7 =	vmul.f32 v7, v1;
	[tilespmem:v13+s29+$0x0] =	vst.idx.add.f32.msk $0xffff, v9  }
0x28e: {  	v6 =	vand.u32 $0x1FFF80, v6;
	v4 =	vor.u32 v15, v4;
	v10 =	vand.u32 $0x7F, v12;
	v13 =	vld [tilespmem:s23+$0x41B0]  }
0x28f: {  	v15 =	vor.u32 $0x2000, v16;
	v9 =	vadd.s32 $0x2000, v12;
	v24 =	vor.u32 v10, v6;
	[tilespmem:v22+s29+$0x0] =	vst.idx.add.f32.msk $0xffff, v7  }
0x290: {  	v6 =	vand.u32 $0x1FFF80, v9;
	v9 =	vadd.s32 $0x3000, v12;
	v12 =	vld.idx.msk [tilespmem:v8+s3+$0x0], $0xffff;
	v8 =	vadd.s32 $0x2000, v21  }
0x291: {  	v7 =	vor.u32 v10, v6;
	v6 =	vand.u32 $0x1FFF80, v9;
	v22 =	vld.idx.msk [tilespmem:v5+s3+$0x0], $0xffff;
	v9 =	vand.u32 $0x1FFF80, v8  }
0x292: {  	v14 =	vor.u32 $0x3000, v14;
	v23 =	vld.idx.msk [tilespmem:v23+s3+$0x0], $0xffff;
	v6 =	vor.u32 v10, v6;
	v10 =	vor.u32 v3, v9  }
0x293: {  	v63 =	vor.u32 $0x1000, v5;
	v19 =	vmul.f32 v19, v0;
	v27 =	vld.idx.msk [tilespmem:v25+s3+$0x0], $0xffff;
	v9 =	vshrl.u32 v18, $0xC  }
0x294: {  	v17 =	vor.u32 $0x1000, v25;
	v8 =	vor.u32 $0x3000, v16;
	v16 =	vshrl.u32 v20, $0xC  }
0x295: {  	v26 =	vand.u32 $0x7F, v16;
	v18 =	vadd.s32 $0x1000, v16;
	[tilespmem:v24+s29+$0x0] =	vst.idx.add.f32.msk $0xffff, v19;
	v19 =	vmul.f32 v12, v1  }
0x296: {  	v28 =	vadd.s32 $0x2000, v16;
	v18 =	vand.u32 $0x1FFF80, v18;
	v20 =	vld.idx.msk [tilespmem:v15+s3+$0x0], $0xffff;
	v22 =	vmul.f32 v22, v13  }
0x297: {  	v28 =	vand.u32 $0x1FFF80, v28;
	v11 =	vmul.f32 v23, v11;
	v15 =	vor.u32 v26, v18;
	[tilespmem:v10+s29+$0x0] =	vst.idx.add.f32.msk $0xffff, v19  }
0x298: {  	v29 =	vadd.s32 $0x3000, v16;
	v18 =	vor.u32 v26, v28;
	v23 =	vmul.f32 v27, v2;
	[tilespmem:v9+s29+$0x0] =	vst.idx.add.f32.msk $0xffff, v22  }
0x299: {  	v12 =	vor.u32 $0x2000, v25;
	v10 =	vand.u32 $0x1FFF80, v29;
	v22 =	vadd.s32 $0x3000, v21;
	v19 =	vld.idx.msk [tilespmem:v14+s3+$0x0], $0xffff  }
0x29a: {  	s22 =	simm.s32 $0x40;
	s23 =	simm.s32 $0x10060;
	v14 =	vor.u32 $0x3000, v25;
	v10 =	vor.u32 v26, v10;
	v21 =	vld.idx.msk [tilespmem:v63+s3+$0x0], $0xffff;
	v22 =	vand.u32 $0x1FFF80, v22  }
.LBB2_20:
0x29b: {  	v24 =	vld [tilespmem:s23+$0x10];
	s22 =	sadd.s32 $0x20, s22;
	v25 =	vadd.s32 $0x1000, v9;
	v20 =	vmul.f32 v20, v0;
	v22 =	vor.u32 v3, v22  }
0x29c: {  	v3 =	vand.u32 $0x7F, v9;
	v26 =	vld [tilespmem:s23+$0x0];
	p0 =	slt.u32 s22, $0x4180;
	v25 =	vand.u32 $0x1FFF80, v25  }
0x29d: {  	v27 =	vld [tilespmem:s23+$0x41A0];
	v25 =	vor.u32 v3, v25  }
0x29e: {  	[tilespmem:v16+s29+$0x0] =	vst.idx.add.f32.msk $0xffff, v23;
	v23 =	vor.u32 $0x2000, v5;
	v16 =	vmul.f32 v19, v1;
	v1 =	vmov v13  }
0x29f: {  	v13 =	vld.idx.msk [tilespmem:v17+s3+$0x0], $0xffff  }
0x2a0: {  	v21 =	vmul.f32 v21, v1;
	v19 =	vand.u32 $0xFFF, v24;
	[tilespmem:v22+s29+$0x0] =	vst.idx.add.f32.msk $0xffff, v16  }
0x2a1: {  	v16 =	vshrl.u32 v26, $0xC;
	v22 =	vand.u32 $0xFFF, v26;
	[tilespmem:v7+s29+$0x0] =	vst.idx.add.f32.msk $0xffff, v20;
	v7 =	vmov v18  }
0x2a2: {  	v20 =	vand.u32 $0x7F, v16;
	v17 =	vor.u32 $0x1000, v22;
	v18 =	vadd.s32 $0x1000, v16;
	[tilespmem:v25+s29+$0x0] =	vst.idx.add.f32.msk $0xffff, v21  }
0x2a3: {  	v21 =	vor.u32 $0x2000, v22;
	v25 =	vadd.s32 $0x2000, v16;
	v18 =	vand.u32 $0x1FFF80, v18;
	v23 =	vld.idx.msk [tilespmem:v23+s3+$0x0], $0xffff  }
0x2a4: {  	v26 =	vor.u32 v20, v18;
	v18 =	vand.u32 $0x1FFF80, v25;
	v25 =	vadd.s32 $0x2000, v9;
	v28 =	vld.idx.msk [tilespmem:v8+s3+$0x0], $0xffff;
	v8 =	vmovc v14  }
0x2a5: {  	v30 =	vmul.f32 v13, v2;
	v18 =	vor.u32 v20, v18;
	v29 =	vld.idx.msk [tilespmem:v19+s3+$0x0], $0xffff;
	v25 =	vand.u32 $0x1FFF80, v25  }
0x2a6: {  	v31 =	vadd.s32 $0x3000, v16;
	v14 =	vor.u32 $0x3000, v22;
	v13 =	vld [tilespmem:s23+$0x41B0];
	v25 =	vor.u32 v3, v25  }
0x2a7: {  	v32 =	vor.u32 $0x3000, v5;
	v5 =	vmov v19;
	v31 =	vand.u32 $0x1FFF80, v31;
	v22 =	vld.idx.msk [tilespmem:v22+s3+$0x0], $0xffff  }
0x2a8: {  	v24 =	vshrl.u32 v24, $0xC;
	v19 =	vor.u32 v20, v31;
	[tilespmem:v15+s29+$0x0] =	vst.idx.add.f32.msk $0xffff, v30;
	v15 =	vmov v26  }
0x2a9: {  	v26 =	vor.u32 $0x1000, v5;
	v23 =	vmul.f32 v23, v1;
	v20 =	vld.idx.msk [tilespmem:v12+s3+$0x0], $0xffff;
	v12 =	vmov v21  }
.Ltmp9:
0x2aa: {  	[tilespmem:v4+s29+$0x0] =	vst.idx.add.f32.msk $0xffff, v11;
	v11 =	vmul.f32 v28, v0;
	v0 =	vmovc v2;
	v2 =	vmov v27;
	v4 =	vmov v6;
	(pc) =	sbr.rel @p0 .LBB2_20-.Ltmp9, $4  }
0x2ab: {  	v6 =	vmov v10;
	v10 =	vmov v19;
	v21 =	vmul.f32 v29, v13;
	[tilespmem:v25+s29+$0x0] =	vst.idx.add.f32.msk $0xffff, v23  }
0x2ac: {  	v19 =	vld.idx.msk [tilespmem:v32+s3+$0x0], $0xffff  }
0x2ad: {  	v23 =	vmul.f32 v22, v2;
	v22 =	vadd.s32 $0x3000, v9;
	v9 =	vmov v24;
	[tilespmem:v24+s29+$0x0] =	vst.idx.add.f32.msk $0xffff, v21  }
0x2ae: {  	s23 =	sadd.s32 $0x20, s23;
	v22 =	vand.u32 $0x1FFF80, v22;
	v21 =	vld.idx.msk [tilespmem:v26+s3+$0x0], $0xffff  }
0x2af: {  	_ =	sdelay $0x2  }
0x2b0: {  	v24 =	vadd.s32 $0x1000, v9  }
0x2b1: {  	[tilespmem:v16+s29+$0x0] =	vst.idx.add.f32.msk $0xffff, v23;
	v52 =	vand.u32 $0x7F, v9;
	v53 =	vand.u32 $0x1FFF80, v24  }
0x2b2: {  	v17 =	vld.idx.msk [tilespmem:v17+s3+$0x0], $0xffff;
	v23 =	vor.u32 v52, v53  }
0x2b3: {  	v54 =	vor.u32 $0x2000, v5;
	_ =	sdelay $0x1  }
0x2b4: {  	v21 =	vmul.f32 v21, v13;
	_ =	sdelay $0x1  }
0x2b5: {  	v17 =	vmul.f32 v17, v2;
	[tilespmem:v23+s29+$0x0] =	vst.idx.add.f32.msk $0xffff, v21  }
0x2b6: {  	v55 =	vadd.s32 $0x2000, v9;
	v21 =	vld.idx.msk [tilespmem:v54+s3+$0x0], $0xffff  }
0x2b7: {  	v23 =	vand.u32 $0x1FFF80, v55;
	[tilespmem:v15+s29+$0x0] =	vst.idx.add.f32.msk $0xffff, v17  }
0x2b8: {  	v56 =	vor.u32 v52, v23;
	v12 =	vld.idx.msk [tilespmem:v12+s3+$0x0], $0xffff  }
0x2b9: {  	v57 =	vmul.f32 v20, v0;
	v58 =	vor.u32 $0x3000, v5;
	_ =	sdelay $0x1  }
0x2ba: {  	[tilespmem:v7+s29+$0x0] =	vst.idx.add.f32.msk $0xffff, v57;
	v59 =	vmul.f32 v21, v13  }
0x2bb: {  	v8 =	vld.idx.msk [tilespmem:v8+s3+$0x0], $0xffff  }
0x2bc: {  	v60 =	vmul.f32 v12, v2;
	[tilespmem:v56+s29+$0x0] =	vst.idx.add.f32.msk $0xffff, v59  }
0x2bd: {  	v3 =	vor.u32 v3, v22;
	v61 =	vadd.s32 $0x3000, v9;
	v5 =	vld.idx.msk [tilespmem:v58+s3+$0x0], $0xffff  }
0x2be: {  	v9 =	vand.u32 $0x1FFF80, v61;
	[tilespmem:v18+s29+$0x0] =	vst.idx.add.f32.msk $0xffff, v60  }
0x2bf: {  	v62 =	vor.u32 v52, v9;
	v63 =	vld.idx.msk [tilespmem:v14+s3+$0x0], $0xffff  }
0x2c0: {  	v1 =	vmul.f32 v19, v1;
	_ =	sdelay $0x1  }
0x2c1: {  	[tilespmem:v3+s29+$0x0] =	vst.idx.add.f32.msk $0xffff, v1;
	v1 =	vmul.f32 v5, v13  }
0x2c2: {  	[tilespmem:v4+s29+$0x0] =	vst.idx.add.f32.msk $0xffff, v11;
	v0 =	vmul.f32 v8, v0  }
0x2c3: {  	[tilespmem:v62+s29+$0x0] =	vst.idx.add.f32.msk $0xffff, v1;
	v1 =	vmul.f32 v63, v2  }
0x2c4: {  	[tilespmem:v6+s29+$0x0] =	vst.idx.add.f32.msk $0xffff, v0  }
0x2c5: {  	[tilespmem:v10+s29+$0x0] =	vst.idx.add.f32.msk $0xffff, v1  }
0x2c6: {  	[hbm4b:s15+s3] =	stream.linear.scatter [tilespmem:s29], [sflag:$0x3], $0x4000, $0x38;
	[tilespmem:$0x19380] =	vst v63  }
0x2c7: {  	_ =	swait.ge [sflag:s30], $0x4000  }
0x2c8: {  	[sflag:s30] =	ssyncset.done $0x0  }
0x2c9: {  	[sflag:s30] =	ssyncadd.s32 $0xFFFFC000  }
0x2ca: {  	[tilespmem:s3], [sflag:$0x1] =	stream.linear.gather [hbm4b:s16+s3], $0x4000, $0x38;
	[tilespmem:$0x19380] =	vst v63  }
0x2cb: {  	_ =	swait.ge [sflag:s2], $0x4000  }
0x2cc: {  	[sflag:s2] =	ssyncset.done $0x0  }
0x2cd: {  	s4 =	simm.s32 $0x183A0;
	[sflag:s2] =	ssyncadd.s32 $0xFFFFC000  }
0x2ce: {  	v0 =	vld [tilespmem:s4+$0x10]  }
0x2cf: {  	v2 =	vld [tilespmem:s4+$0xFFFFFFE0]  }
0x2d0: {  	v3 =	vld [tilespmem:s4+$0xFFFFFFF0];
	_ =	sdelay $0x1  }
0x2d1: {  	s22 =	simm.s32 $0xE010  }
0x2d2: {  	[tilespmem:s22+$0x1020] =	vst v0  }
0x2d3: {  	v1 =	vld [tilespmem:s4+$0x0];
	[tilespmem:s22+$0xFFFFDFF0] =	vst v2  }
0x2d4: {  	[tilespmem:s22+$0xFFFFE000] =	vst v3  }
0x2d5: {  	[tilespmem:s22+$0xFFFFF000] =	vst v3  }
0x2d6: {  	[tilespmem:s22+$0x0] =	vst v3  }
0x2d7: {  	[tilespmem:s22+$0x1000] =	vst v3  }
0x2d8: {  	s23 =	simm.s32 $0x0;
	[tilespmem:s22+$0xFFFFE010] =	vst v1  }
0x2d9: {  	s5 =	sand.u32 $0xFC0, s23;
	[tilespmem:s22+$0xFFFFF010] =	vst v1  }
0x2da: {  	[tilespmem:s5+$0xD000] =	vst v2  }
0x2db: {  	[tilespmem:s5+$0xE000] =	vst v2  }
0x2dc: {  	s4 =	simm.s32 $0x183E0;
	[tilespmem:s5+$0xF000] =	vst v2  }
.LBB2_22:
0x2dd: {  	v2 =	vld [tilespmem:s4+$0x10];
	[tilespmem:s22+$0x10] =	vst v1  }
0x2de: {  	v3 =	vld [tilespmem:s4+$0xFFFFFFE0];
	[tilespmem:s22+$0x1010] =	vst v1  }
0x2df: {  	v4 =	vld [tilespmem:s4+$0xFFFFFFF0];
	[tilespmem:s22+$0xFFFFE020] =	vst v0  }
0x2e0: {  	v1 =	vld [tilespmem:s4+$0x0];
	[tilespmem:s22+$0xFFFFF020] =	vst v0  }
0x2e1: {  	[tilespmem:s22+$0x20] =	vst v0;
	s22 =	sadd.s32 $0x40, s22  }
0x2e2: {  	s23 =	sadd.s32 $0x40, s23;
	s5 =	simm.s32 $0x10000;
	[tilespmem:s22+$0x1020] =	vst v2;
	v0 =	vmov v2  }
0x2e3: {  	s6 =	sand.u32 $0xFC0, s23;
	p0 =	slt.u32 s23, $0xFC0;
	[tilespmem:s22+$0xFFFFDFF0] =	vst v3  }
0x2e4: {  	[tilespmem:s6+$0xD000] =	vst v3  }
0x2e5: {  	[tilespmem:s6+$0xE000] =	vst v3  }
0x2e6: {  	[tilespmem:s6+$0xF000] =	vst v3  }
0x2e7: {  	[tilespmem:s22+$0xFFFFE000] =	vst v4  }
.Ltmp10:
0x2e8: {  	[tilespmem:s22+$0xFFFFF000] =	vst v4;
	(pc) =	sbr.rel @p0 .LBB2_22-.Ltmp10, $4  }
0x2e9: {  	[tilespmem:s22+$0x0] =	vst v4  }
0x2ea: {  	[tilespmem:s22+$0x1000] =	vst v4  }
0x2eb: {  	[tilespmem:s22+$0xFFFFE010] =	vst v1  }
0x2ec: {  	s4 =	sadd.s32 $0x40, s4;
	[tilespmem:s22+$0xFFFFF010] =	vst v1  }
0x2ed: {  	[tilespmem:s22+$0x10] =	vst v1  }
0x2ee: {  	[tilespmem:s22+$0x1010] =	vst v1  }
0x2ef: {  	[tilespmem:s22+$0xFFFFE020] =	vst v0  }
0x2f0: {  	[tilespmem:s22+$0xFFFFF020] =	vst v0  }
0x2f1: {  	[tilespmem:s22+$0x20] =	vst v0  }
0x2f2: {  	v0 =	vld [tilespmem:s5+$0x10];
	_ =	sdelay $0x4  }
0x2f3: {  	v2 =	vand.u32 $0xFFF, v0  }
0x2f4: {  	v1 =	vld [tilespmem:s5+$0x0];
	_ =	sdelay $0x2  }
0x2f5: {  	v4 =	vld [tilespmem:s5+$0x41B0]  }
0x2f6: {  	v3 =	vld.idx.msk [tilespmem:v2+s28+$0x0], $0xffff  }
0x2f7: {  	v5 =	vand.u32 $0xFFF, v1  }
0x2f8: {  	v6 =	vshrl.u32 v0, $0xC;
	_ =	sdelay $0x1  }
0x2f9: {  	v0 =	vor.u32 $0x1000, v2  }
0x2fa: {  	v11 =	vld [tilespmem:s5+$0x41A0];
	v3 =	vmul.f32 v3, v4  }
0x2fb: {  	v7 =	vld.idx.msk [tilespmem:v5+s28+$0x0], $0xffff  }
0x2fc: {  	s4 =	simm.s32 $0x10020;
	[tilespmem:v6+s31+$0x0] =	vst.idx.add.f32.msk $0xffff, v3  }
0x2fd: {  	v8 =	vshrl.u32 v1, $0xC;
	v3 =	vld [tilespmem:s4+$0x10]  }
0x2fe: {  	v1 =	vadd.s32 $0x1000, v6;
	v9 =	vor.u32 $0x1000, v5;
	v0 =	vld.idx.msk [tilespmem:v0+s28+$0x0], $0xffff  }
0x2ff: {  	v12 =	vld [tilespmem:s4+$0x0];
	v10 =	vand.u32 $0x7F, v6;
	v1 =	vand.u32 $0x1FFF80, v1  }
0x300: {  	v1 =	vor.u32 v10, v1;
	v7 =	vmul.f32 v7, v11;
	_ =	sdelay $0x1  }
0x301: {  	v13 =	vor.u32 $0x2000, v2;
	[tilespmem:v8+s31+$0x0] =	vst.idx.add.f32.msk $0xffff, v7  }
0x302: {  	v7 =	vadd.s32 $0x1000, v8;
	v9 =	vld.idx.msk [tilespmem:v9+s28+$0x0], $0xffff;
	v14 =	vand.u32 $0xFFF, v3;
	v0 =	vmul.f32 v0, v4  }
0x303: {  	v16 =	vand.u32 $0xFFF, v12;
	v15 =	vand.u32 $0x7F, v8;
	v7 =	vand.u32 $0x1FFF80, v7  }
0x304: {  	v7 =	vor.u32 v15, v7;
	[tilespmem:v1+s31+$0x0] =	vst.idx.add.f32.msk $0xffff, v0  }
0x305: {  	v1 =	vld [tilespmem:s4+$0x41B0]  }
0x306: {  	v17 =	vor.u32 $0x2000, v5;
	v0 =	vadd.s32 $0x2000, v6;
	v13 =	vld.idx.msk [tilespmem:v13+s28+$0x0], $0xffff  }
0x307: {  	v9 =	vmul.f32 v9, v11;
	v0 =	vand.u32 $0x1FFF80, v0;
	v18 =	vld.idx.msk [tilespmem:v14+s28+$0x0], $0xffff  }
0x308: {  	v20 =	vld.idx.msk [tilespmem:v16+s28+$0x0], $0xffff;
	v19 =	vor.u32 v10, v0  }
0x309: {  	v2 =	vor.u32 $0x3000, v2;
	[tilespmem:v7+s31+$0x0] =	vst.idx.add.f32.msk $0xffff, v9  }
0x30a: {  	v0 =	vld [tilespmem:s4+$0x41A0]  }
0x30b: {  	s23 =	simm.s32 $0x10040;
	v21 =	vshrl.u32 v3, $0xC;
	v9 =	vld.idx.msk [tilespmem:v17+s28+$0x0], $0xffff;
	v3 =	vmul.f32 v13, v4  }
0x30c: {  	v7 =	vor.u32 $0x1000, v14;
	v13 =	vmul.f32 v18, v1;
	v18 =	vld [tilespmem:s23+$0x10]  }
0x30d: {  	v12 =	vshrl.u32 v12, $0xC;
	[tilespmem:v19+s31+$0x0] =	vst.idx.add.f32.msk $0xffff, v3  }
0x30e: {  	v3 =	vadd.s32 $0x3000, v6;
	v6 =	vor.u32 $0x1000, v16;
	v17 =	vld.idx.msk [tilespmem:v2+s28+$0x0], $0xffff  }
0x30f: {  	v19 =	vmul.f32 v20, v0;
	v20 =	vld [tilespmem:s23+$0x0];
	v2 =	vadd.s32 $0x2000, v8;
	v3 =	vand.u32 $0x1FFF80, v3  }
0x310: {  	[tilespmem:v21+s31+$0x0] =	vst.idx.add.f32.msk $0xffff, v13;
	v2 =	vand.u32 $0x1FFF80, v2;
	v10 =	vor.u32 v10, v3  }
0x311: {  	v7 =	vld.idx.msk [tilespmem:v7+s28+$0x0], $0xffff;
	v13 =	vor.u32 v15, v2;
	v2 =	vadd.s32 $0x1000, v21  }
0x312: {  	v3 =	vand.u32 $0x7F, v21;
	[tilespmem:v12+s31+$0x0] =	vst.idx.add.f32.msk $0xffff, v19;
	v22 =	vand.u32 $0x1FFF80, v2  }
0x313: {  	v23 =	vor.u32 $0x3000, v5;
	v2 =	vld [tilespmem:s23+$0x41A0];
	v22 =	vor.u32 v3, v22;
	v17 =	vmul.f32 v17, v4  }
0x314: {  	v5 =	vadd.s32 $0x3000, v8;
	v9 =	vmul.f32 v9, v11;
	v8 =	vor.u32 $0x2000, v14;
	v19 =	vld.idx.msk [tilespmem:v6+s28+$0x0], $0xffff  }
0x315: {  	v4 =	vand.u32 $0x1FFF80, v5;
	v5 =	vand.u32 $0xFFF, v18;
	[tilespmem:v10+s31+$0x0] =	vst.idx.add.f32.msk $0xffff, v17  }
0x316: {  	v6 =	vadd.s32 $0x1000, v12;
	v25 =	vand.u32 $0xFFF, v20;
	v7 =	vmul.f32 v7, v1;
	[tilespmem:v13+s31+$0x0] =	vst.idx.add.f32.msk $0xffff, v9  }
0x317: {  	v6 =	vand.u32 $0x1FFF80, v6;
	v4 =	vor.u32 v15, v4;
	v10 =	vand.u32 $0x7F, v12;
	v13 =	vld [tilespmem:s23+$0x41B0]  }
0x318: {  	v15 =	vor.u32 $0x2000, v16;
	v9 =	vadd.s32 $0x2000, v12;
	v24 =	vor.u32 v10, v6;
	[tilespmem:v22+s31+$0x0] =	vst.idx.add.f32.msk $0xffff, v7  }
0x319: {  	v6 =	vand.u32 $0x1FFF80, v9;
	v9 =	vadd.s32 $0x3000, v12;
	v12 =	vld.idx.msk [tilespmem:v8+s28+$0x0], $0xffff;
	v8 =	vadd.s32 $0x2000, v21  }
0x31a: {  	v7 =	vor.u32 v10, v6;
	v6 =	vand.u32 $0x1FFF80, v9;
	v22 =	vld.idx.msk [tilespmem:v5+s28+$0x0], $0xffff;
	v9 =	vand.u32 $0x1FFF80, v8  }
0x31b: {  	v14 =	vor.u32 $0x3000, v14;
	v23 =	vld.idx.msk [tilespmem:v23+s28+$0x0], $0xffff;
	v6 =	vor.u32 v10, v6;
	v10 =	vor.u32 v3, v9  }
0x31c: {  	v63 =	vor.u32 $0x1000, v5;
	v19 =	vmul.f32 v19, v0;
	v27 =	vld.idx.msk [tilespmem:v25+s28+$0x0], $0xffff;
	v9 =	vshrl.u32 v18, $0xC  }
0x31d: {  	v17 =	vor.u32 $0x1000, v25;
	v8 =	vor.u32 $0x3000, v16;
	v16 =	vshrl.u32 v20, $0xC  }
0x31e: {  	v26 =	vand.u32 $0x7F, v16;
	v18 =	vadd.s32 $0x1000, v16;
	[tilespmem:v24+s31+$0x0] =	vst.idx.add.f32.msk $0xffff, v19;
	v19 =	vmul.f32 v12, v1  }
0x31f: {  	v28 =	vadd.s32 $0x2000, v16;
	v18 =	vand.u32 $0x1FFF80, v18;
	v20 =	vld.idx.msk [tilespmem:v15+s28+$0x0], $0xffff;
	v22 =	vmul.f32 v22, v13  }
0x320: {  	v28 =	vand.u32 $0x1FFF80, v28;
	v11 =	vmul.f32 v23, v11;
	v15 =	vor.u32 v26, v18;
	[tilespmem:v10+s31+$0x0] =	vst.idx.add.f32.msk $0xffff, v19  }
0x321: {  	v29 =	vadd.s32 $0x3000, v16;
	v18 =	vor.u32 v26, v28;
	v23 =	vmul.f32 v27, v2;
	[tilespmem:v9+s31+$0x0] =	vst.idx.add.f32.msk $0xffff, v22  }
0x322: {  	v12 =	vor.u32 $0x2000, v25;
	v10 =	vand.u32 $0x1FFF80, v29;
	v22 =	vadd.s32 $0x3000, v21;
	v19 =	vld.idx.msk [tilespmem:v14+s28+$0x0], $0xffff  }
0x323: {  	s22 =	simm.s32 $0x40;
	s23 =	simm.s32 $0x10060;
	v14 =	vor.u32 $0x3000, v25;
	v10 =	vor.u32 v26, v10;
	v21 =	vld.idx.msk [tilespmem:v63+s28+$0x0], $0xffff;
	v22 =	vand.u32 $0x1FFF80, v22  }
.LBB2_24:
0x324: {  	v24 =	vld [tilespmem:s23+$0x10];
	s22 =	sadd.s32 $0x20, s22;
	v25 =	vadd.s32 $0x1000, v9;
	v20 =	vmul.f32 v20, v0;
	v22 =	vor.u32 v3, v22  }
0x325: {  	v3 =	vand.u32 $0x7F, v9;
	v26 =	vld [tilespmem:s23+$0x0];
	p0 =	slt.u32 s22, $0x4180;
	v25 =	vand.u32 $0x1FFF80, v25  }
0x326: {  	v27 =	vld [tilespmem:s23+$0x41A0];
	v25 =	vor.u32 v3, v25  }
0x327: {  	[tilespmem:v16+s31+$0x0] =	vst.idx.add.f32.msk $0xffff, v23;
	v23 =	vor.u32 $0x2000, v5;
	v16 =	vmul.f32 v19, v1;
	v1 =	vmov v13  }
0x328: {  	v13 =	vld.idx.msk [tilespmem:v17+s28+$0x0], $0xffff  }
0x329: {  	v21 =	vmul.f32 v21, v1;
	v19 =	vand.u32 $0xFFF, v24;
	[tilespmem:v22+s31+$0x0] =	vst.idx.add.f32.msk $0xffff, v16  }
0x32a: {  	v16 =	vshrl.u32 v26, $0xC;
	v22 =	vand.u32 $0xFFF, v26;
	[tilespmem:v7+s31+$0x0] =	vst.idx.add.f32.msk $0xffff, v20;
	v7 =	vmov v18  }
0x32b: {  	v20 =	vand.u32 $0x7F, v16;
	v17 =	vor.u32 $0x1000, v22;
	v18 =	vadd.s32 $0x1000, v16;
	[tilespmem:v25+s31+$0x0] =	vst.idx.add.f32.msk $0xffff, v21  }
0x32c: {  	v21 =	vor.u32 $0x2000, v22;
	v25 =	vadd.s32 $0x2000, v16;
	v18 =	vand.u32 $0x1FFF80, v18;
	v23 =	vld.idx.msk [tilespmem:v23+s28+$0x0], $0xffff  }
0x32d: {  	v26 =	vor.u32 v20, v18;
	v18 =	vand.u32 $0x1FFF80, v25;
	v25 =	vadd.s32 $0x2000, v9;
	v28 =	vld.idx.msk [tilespmem:v8+s28+$0x0], $0xffff;
	v8 =	vmovc v14  }
0x32e: {  	v30 =	vmul.f32 v13, v2;
	v18 =	vor.u32 v20, v18;
	v29 =	vld.idx.msk [tilespmem:v19+s28+$0x0], $0xffff;
	v25 =	vand.u32 $0x1FFF80, v25  }
0x32f: {  	v31 =	vadd.s32 $0x3000, v16;
	v14 =	vor.u32 $0x3000, v22;
	v13 =	vld [tilespmem:s23+$0x41B0];
	v25 =	vor.u32 v3, v25  }
0x330: {  	v32 =	vor.u32 $0x3000, v5;
	v5 =	vmov v19;
	v31 =	vand.u32 $0x1FFF80, v31;
	v22 =	vld.idx.msk [tilespmem:v22+s28+$0x0], $0xffff  }
0x331: {  	v24 =	vshrl.u32 v24, $0xC;
	v19 =	vor.u32 v20, v31;
	[tilespmem:v15+s31+$0x0] =	vst.idx.add.f32.msk $0xffff, v30;
	v15 =	vmov v26  }
0x332: {  	v26 =	vor.u32 $0x1000, v5;
	v23 =	vmul.f32 v23, v1;
	v20 =	vld.idx.msk [tilespmem:v12+s28+$0x0], $0xffff;
	v12 =	vmov v21  }
.Ltmp11:
0x333: {  	[tilespmem:v4+s31+$0x0] =	vst.idx.add.f32.msk $0xffff, v11;
	v11 =	vmul.f32 v28, v0;
	v0 =	vmovc v2;
	v2 =	vmov v27;
	v4 =	vmov v6;
	(pc) =	sbr.rel @p0 .LBB2_24-.Ltmp11, $4  }
0x334: {  	v6 =	vmov v10;
	v10 =	vmov v19;
	v21 =	vmul.f32 v29, v13;
	[tilespmem:v25+s31+$0x0] =	vst.idx.add.f32.msk $0xffff, v23  }
0x335: {  	v19 =	vld.idx.msk [tilespmem:v32+s28+$0x0], $0xffff  }
0x336: {  	v23 =	vmul.f32 v22, v2;
	v22 =	vadd.s32 $0x3000, v9;
	v9 =	vmov v24;
	[tilespmem:v24+s31+$0x0] =	vst.idx.add.f32.msk $0xffff, v21  }
0x337: {  	s23 =	sadd.s32 $0x20, s23;
	v22 =	vand.u32 $0x1FFF80, v22;
	v21 =	vld.idx.msk [tilespmem:v26+s28+$0x0], $0xffff  }
0x338: {  	_ =	sdelay $0x2  }
0x339: {  	v24 =	vadd.s32 $0x1000, v9  }
0x33a: {  	[tilespmem:v16+s31+$0x0] =	vst.idx.add.f32.msk $0xffff, v23;
	v52 =	vand.u32 $0x7F, v9;
	v53 =	vand.u32 $0x1FFF80, v24  }
0x33b: {  	v17 =	vld.idx.msk [tilespmem:v17+s28+$0x0], $0xffff;
	v23 =	vor.u32 v52, v53  }
0x33c: {  	v54 =	vor.u32 $0x2000, v5;
	_ =	sdelay $0x1  }
0x33d: {  	v21 =	vmul.f32 v21, v13;
	_ =	sdelay $0x1  }
0x33e: {  	v17 =	vmul.f32 v17, v2;
	[tilespmem:v23+s31+$0x0] =	vst.idx.add.f32.msk $0xffff, v21  }
0x33f: {  	v55 =	vadd.s32 $0x2000, v9;
	v21 =	vld.idx.msk [tilespmem:v54+s28+$0x0], $0xffff  }
0x340: {  	v23 =	vand.u32 $0x1FFF80, v55;
	[tilespmem:v15+s31+$0x0] =	vst.idx.add.f32.msk $0xffff, v17  }
0x341: {  	v56 =	vor.u32 v52, v23;
	v12 =	vld.idx.msk [tilespmem:v12+s28+$0x0], $0xffff  }
0x342: {  	v57 =	vmul.f32 v20, v0;
	v58 =	vor.u32 $0x3000, v5;
	_ =	sdelay $0x1  }
0x343: {  	[tilespmem:v7+s31+$0x0] =	vst.idx.add.f32.msk $0xffff, v57;
	v59 =	vmul.f32 v21, v13  }
0x344: {  	v8 =	vld.idx.msk [tilespmem:v8+s28+$0x0], $0xffff  }
0x345: {  	v60 =	vmul.f32 v12, v2;
	[tilespmem:v56+s31+$0x0] =	vst.idx.add.f32.msk $0xffff, v59  }
0x346: {  	v3 =	vor.u32 v3, v22;
	v61 =	vadd.s32 $0x3000, v9;
	v5 =	vld.idx.msk [tilespmem:v58+s28+$0x0], $0xffff  }
0x347: {  	v9 =	vand.u32 $0x1FFF80, v61;
	[tilespmem:v18+s31+$0x0] =	vst.idx.add.f32.msk $0xffff, v60  }
0x348: {  	v62 =	vor.u32 v52, v9;
	v63 =	vld.idx.msk [tilespmem:v14+s28+$0x0], $0xffff  }
0x349: {  	v1 =	vmul.f32 v19, v1;
	_ =	sdelay $0x1  }
0x34a: {  	[tilespmem:v3+s31+$0x0] =	vst.idx.add.f32.msk $0xffff, v1;
	v1 =	vmul.f32 v5, v13  }
0x34b: {  	[tilespmem:v4+s31+$0x0] =	vst.idx.add.f32.msk $0xffff, v11;
	v0 =	vmul.f32 v8, v0  }
0x34c: {  	[tilespmem:v62+s31+$0x0] =	vst.idx.add.f32.msk $0xffff, v1;
	v1 =	vmul.f32 v63, v2  }
0x34d: {  	[tilespmem:v6+s31+$0x0] =	vst.idx.add.f32.msk $0xffff, v0  }
0x34e: {  	[tilespmem:v10+s31+$0x0] =	vst.idx.add.f32.msk $0xffff, v1  }
0x34f: {  	[hbm4b:s17+s3] =	stream.linear.scatter [tilespmem:s31], [sflag:$0x4], $0x4000, $0x38;
	[tilespmem:$0x19380] =	vst v63  }
0x350: {  	_ =	swait.ge [sflag:s26], $0x4000  }
0x351: {  	[sflag:s26] =	ssyncset.done $0x0  }
0x352: {  	[sflag:s26] =	ssyncadd.s32 $0xFFFFC000  }
0x353: {  	[tilespmem:s28], [sflag:$0x2] =	stream.linear.gather [hbm4b:s18+s3], $0x4000, $0x38;
	[tilespmem:$0x19380] =	vst v63  }
0x354: {  	_ =	swait.ge [sflag:s0], $0x4000  }
0x355: {  	[sflag:s0] =	ssyncset.done $0x0  }
0x356: {  	s4 =	simm.s32 $0x183A0;
	[sflag:s0] =	ssyncadd.s32 $0xFFFFC000  }
0x357: {  	v0 =	vld [tilespmem:s4+$0x10]  }
0x358: {  	v2 =	vld [tilespmem:s4+$0xFFFFFFE0]  }
0x359: {  	v3 =	vld [tilespmem:s4+$0xFFFFFFF0];
	_ =	sdelay $0x1  }
0x35a: {  	s22 =	simm.s32 $0xA010  }
0x35b: {  	[tilespmem:s22+$0x1020] =	vst v0  }
0x35c: {  	v1 =	vld [tilespmem:s4+$0x0];
	[tilespmem:s22+$0xFFFFDFF0] =	vst v2  }
0x35d: {  	[tilespmem:s22+$0xFFFFE000] =	vst v3  }
0x35e: {  	[tilespmem:s22+$0xFFFFF000] =	vst v3  }
0x35f: {  	[tilespmem:s22+$0x0] =	vst v3  }
0x360: {  	[tilespmem:s22+$0x1000] =	vst v3  }
0x361: {  	s23 =	simm.s32 $0x0;
	[tilespmem:s22+$0xFFFFE010] =	vst v1  }
0x362: {  	s5 =	sand.u32 $0xFC0, s23;
	[tilespmem:s22+$0xFFFFF010] =	vst v1  }
0x363: {  	[tilespmem:s5+$0x9000] =	vst v2  }
0x364: {  	[tilespmem:s5+$0xA000] =	vst v2  }
0x365: {  	s4 =	simm.s32 $0x183E0;
	[tilespmem:s5+$0xB000] =	vst v2  }
.LBB2_26:
0x366: {  	v2 =	vld [tilespmem:s4+$0x10];
	[tilespmem:s22+$0x10] =	vst v1  }
0x367: {  	v3 =	vld [tilespmem:s4+$0xFFFFFFE0];
	[tilespmem:s22+$0x1010] =	vst v1  }
0x368: {  	v4 =	vld [tilespmem:s4+$0xFFFFFFF0];
	[tilespmem:s22+$0xFFFFE020] =	vst v0  }
0x369: {  	v1 =	vld [tilespmem:s4+$0x0];
	[tilespmem:s22+$0xFFFFF020] =	vst v0  }
0x36a: {  	[tilespmem:s22+$0x20] =	vst v0;
	s22 =	sadd.s32 $0x40, s22  }
0x36b: {  	s23 =	sadd.s32 $0x40, s23;
	s5 =	simm.s32 $0x10000;
	[tilespmem:s22+$0x1020] =	vst v2;
	v0 =	vmov v2  }
0x36c: {  	s6 =	sand.u32 $0xFC0, s23;
	p0 =	slt.u32 s23, $0xFC0;
	[tilespmem:s22+$0xFFFFDFF0] =	vst v3  }
0x36d: {  	[tilespmem:s6+$0x9000] =	vst v3  }
0x36e: {  	[tilespmem:s6+$0xA000] =	vst v3  }
0x36f: {  	[tilespmem:s6+$0xB000] =	vst v3  }
0x370: {  	[tilespmem:s22+$0xFFFFE000] =	vst v4  }
.Ltmp12:
0x371: {  	[tilespmem:s22+$0xFFFFF000] =	vst v4;
	(pc) =	sbr.rel @p0 .LBB2_26-.Ltmp12, $4  }
0x372: {  	[tilespmem:s22+$0x0] =	vst v4  }
0x373: {  	[tilespmem:s22+$0x1000] =	vst v4  }
0x374: {  	[tilespmem:s22+$0xFFFFE010] =	vst v1  }
0x375: {  	s4 =	sadd.s32 $0x40, s4;
	[tilespmem:s22+$0xFFFFF010] =	vst v1  }
0x376: {  	[tilespmem:s22+$0x10] =	vst v1  }
0x377: {  	[tilespmem:s22+$0x1010] =	vst v1  }
0x378: {  	[tilespmem:s22+$0xFFFFE020] =	vst v0  }
0x379: {  	[tilespmem:s22+$0xFFFFF020] =	vst v0  }
0x37a: {  	[tilespmem:s22+$0x20] =	vst v0  }
0x37b: {  	v0 =	vld [tilespmem:s5+$0x10];
	_ =	sdelay $0x4  }
0x37c: {  	v2 =	vand.u32 $0xFFF, v0  }
0x37d: {  	v1 =	vld [tilespmem:s5+$0x0];
	_ =	sdelay $0x2  }
0x37e: {  	v4 =	vld [tilespmem:s5+$0x41B0]  }
0x37f: {  	v3 =	vld.idx.msk [tilespmem:v2+s3+$0x0], $0xffff  }
0x380: {  	v5 =	vand.u32 $0xFFF, v1  }
0x381: {  	v6 =	vshrl.u32 v0, $0xC;
	_ =	sdelay $0x1  }
0x382: {  	v0 =	vor.u32 $0x1000, v2  }
0x383: {  	v11 =	vld [tilespmem:s5+$0x41A0];
	v3 =	vmul.f32 v3, v4  }
0x384: {  	v7 =	vld.idx.msk [tilespmem:v5+s3+$0x0], $0xffff  }
0x385: {  	s4 =	simm.s32 $0x10020;
	[tilespmem:v6+s29+$0x0] =	vst.idx.add.f32.msk $0xffff, v3  }
0x386: {  	v8 =	vshrl.u32 v1, $0xC;
	v3 =	vld [tilespmem:s4+$0x10]  }
0x387: {  	v1 =	vadd.s32 $0x1000, v6;
	v9 =	vor.u32 $0x1000, v5;
	v0 =	vld.idx.msk [tilespmem:v0+s3+$0x0], $0xffff  }
0x388: {  	v12 =	vld [tilespmem:s4+$0x0];
	v10 =	vand.u32 $0x7F, v6;
	v1 =	vand.u32 $0x1FFF80, v1  }
0x389: {  	v1 =	vor.u32 v10, v1;
	v7 =	vmul.f32 v7, v11;
	_ =	sdelay $0x1  }
0x38a: {  	v13 =	vor.u32 $0x2000, v2;
	[tilespmem:v8+s29+$0x0] =	vst.idx.add.f32.msk $0xffff, v7  }
0x38b: {  	v7 =	vadd.s32 $0x1000, v8;
	v9 =	vld.idx.msk [tilespmem:v9+s3+$0x0], $0xffff;
	v14 =	vand.u32 $0xFFF, v3;
	v0 =	vmul.f32 v0, v4  }
0x38c: {  	v16 =	vand.u32 $0xFFF, v12;
	v15 =	vand.u32 $0x7F, v8;
	v7 =	vand.u32 $0x1FFF80, v7  }
0x38d: {  	v7 =	vor.u32 v15, v7;
	[tilespmem:v1+s29+$0x0] =	vst.idx.add.f32.msk $0xffff, v0  }
0x38e: {  	v1 =	vld [tilespmem:s4+$0x41B0]  }
0x38f: {  	v17 =	vor.u32 $0x2000, v5;
	v0 =	vadd.s32 $0x2000, v6;
	v13 =	vld.idx.msk [tilespmem:v13+s3+$0x0], $0xffff  }
0x390: {  	v9 =	vmul.f32 v9, v11;
	v0 =	vand.u32 $0x1FFF80, v0;
	v18 =	vld.idx.msk [tilespmem:v14+s3+$0x0], $0xffff  }
0x391: {  	v20 =	vld.idx.msk [tilespmem:v16+s3+$0x0], $0xffff;
	v19 =	vor.u32 v10, v0  }
0x392: {  	v2 =	vor.u32 $0x3000, v2;
	[tilespmem:v7+s29+$0x0] =	vst.idx.add.f32.msk $0xffff, v9  }
0x393: {  	v0 =	vld [tilespmem:s4+$0x41A0]  }
0x394: {  	s23 =	simm.s32 $0x10040;
	v21 =	vshrl.u32 v3, $0xC;
	v9 =	vld.idx.msk [tilespmem:v17+s3+$0x0], $0xffff;
	v3 =	vmul.f32 v13, v4  }
0x395: {  	v7 =	vor.u32 $0x1000, v14;
	v13 =	vmul.f32 v18, v1;
	v18 =	vld [tilespmem:s23+$0x10]  }
0x396: {  	v12 =	vshrl.u32 v12, $0xC;
	[tilespmem:v19+s29+$0x0] =	vst.idx.add.f32.msk $0xffff, v3  }
0x397: {  	v3 =	vadd.s32 $0x3000, v6;
	v6 =	vor.u32 $0x1000, v16;
	v17 =	vld.idx.msk [tilespmem:v2+s3+$0x0], $0xffff  }
0x398: {  	v19 =	vmul.f32 v20, v0;
	v20 =	vld [tilespmem:s23+$0x0];
	v2 =	vadd.s32 $0x2000, v8;
	v3 =	vand.u32 $0x1FFF80, v3  }
0x399: {  	[tilespmem:v21+s29+$0x0] =	vst.idx.add.f32.msk $0xffff, v13;
	v2 =	vand.u32 $0x1FFF80, v2;
	v10 =	vor.u32 v10, v3  }
0x39a: {  	v7 =	vld.idx.msk [tilespmem:v7+s3+$0x0], $0xffff;
	v13 =	vor.u32 v15, v2;
	v2 =	vadd.s32 $0x1000, v21  }
0x39b: {  	v3 =	vand.u32 $0x7F, v21;
	[tilespmem:v12+s29+$0x0] =	vst.idx.add.f32.msk $0xffff, v19;
	v22 =	vand.u32 $0x1FFF80, v2  }
0x39c: {  	v23 =	vor.u32 $0x3000, v5;
	v2 =	vld [tilespmem:s23+$0x41A0];
	v22 =	vor.u32 v3, v22;
	v17 =	vmul.f32 v17, v4  }
0x39d: {  	v5 =	vadd.s32 $0x3000, v8;
	v9 =	vmul.f32 v9, v11;
	v8 =	vor.u32 $0x2000, v14;
	v19 =	vld.idx.msk [tilespmem:v6+s3+$0x0], $0xffff  }
0x39e: {  	v4 =	vand.u32 $0x1FFF80, v5;
	v5 =	vand.u32 $0xFFF, v18;
	[tilespmem:v10+s29+$0x0] =	vst.idx.add.f32.msk $0xffff, v17  }
0x39f: {  	v6 =	vadd.s32 $0x1000, v12;
	v25 =	vand.u32 $0xFFF, v20;
	v7 =	vmul.f32 v7, v1;
	[tilespmem:v13+s29+$0x0] =	vst.idx.add.f32.msk $0xffff, v9  }
0x3a0: {  	v6 =	vand.u32 $0x1FFF80, v6;
	v4 =	vor.u32 v15, v4;
	v10 =	vand.u32 $0x7F, v12;
	v13 =	vld [tilespmem:s23+$0x41B0]  }
0x3a1: {  	v15 =	vor.u32 $0x2000, v16;
	v9 =	vadd.s32 $0x2000, v12;
	v24 =	vor.u32 v10, v6;
	[tilespmem:v22+s29+$0x0] =	vst.idx.add.f32.msk $0xffff, v7  }
0x3a2: {  	v6 =	vand.u32 $0x1FFF80, v9;
	v9 =	vadd.s32 $0x3000, v12;
	v12 =	vld.idx.msk [tilespmem:v8+s3+$0x0], $0xffff;
	v8 =	vadd.s32 $0x2000, v21  }
0x3a3: {  	v7 =	vor.u32 v10, v6;
	v6 =	vand.u32 $0x1FFF80, v9;
	v22 =	vld.idx.msk [tilespmem:v5+s3+$0x0], $0xffff;
	v9 =	vand.u32 $0x1FFF80, v8  }
0x3a4: {  	v14 =	vor.u32 $0x3000, v14;
	v23 =	vld.idx.msk [tilespmem:v23+s3+$0x0], $0xffff;
	v6 =	vor.u32 v10, v6;
	v10 =	vor.u32 v3, v9  }
0x3a5: {  	v63 =	vor.u32 $0x1000, v5;
	v19 =	vmul.f32 v19, v0;
	v27 =	vld.idx.msk [tilespmem:v25+s3+$0x0], $0xffff;
	v9 =	vshrl.u32 v18, $0xC  }
0x3a6: {  	v17 =	vor.u32 $0x1000, v25;
	v8 =	vor.u32 $0x3000, v16;
	v16 =	vshrl.u32 v20, $0xC  }
0x3a7: {  	v26 =	vand.u32 $0x7F, v16;
	v18 =	vadd.s32 $0x1000, v16;
	[tilespmem:v24+s29+$0x0] =	vst.idx.add.f32.msk $0xffff, v19;
	v19 =	vmul.f32 v12, v1  }
0x3a8: {  	v28 =	vadd.s32 $0x2000, v16;
	v18 =	vand.u32 $0x1FFF80, v18;
	v20 =	vld.idx.msk [tilespmem:v15+s3+$0x0], $0xffff;
	v22 =	vmul.f32 v22, v13  }
0x3a9: {  	v28 =	vand.u32 $0x1FFF80, v28;
	v11 =	vmul.f32 v23, v11;
	v15 =	vor.u32 v26, v18;
	[tilespmem:v10+s29+$0x0] =	vst.idx.add.f32.msk $0xffff, v19  }
0x3aa: {  	v29 =	vadd.s32 $0x3000, v16;
	v18 =	vor.u32 v26, v28;
	v23 =	vmul.f32 v27, v2;
	[tilespmem:v9+s29+$0x0] =	vst.idx.add.f32.msk $0xffff, v22  }
0x3ab: {  	v12 =	vor.u32 $0x2000, v25;
	v10 =	vand.u32 $0x1FFF80, v29;
	v22 =	vadd.s32 $0x3000, v21;
	v19 =	vld.idx.msk [tilespmem:v14+s3+$0x0], $0xffff  }
0x3ac: {  	s22 =	simm.s32 $0x40;
	s23 =	simm.s32 $0x10060;
	v14 =	vor.u32 $0x3000, v25;
	v10 =	vor.u32 v26, v10;
	v21 =	vld.idx.msk [tilespmem:v63+s3+$0x0], $0xffff;
	v22 =	vand.u32 $0x1FFF80, v22  }
.LBB2_28:
0x3ad: {  	v24 =	vld [tilespmem:s23+$0x10];
	s22 =	sadd.s32 $0x20, s22;
	v25 =	vadd.s32 $0x1000, v9;
	v20 =	vmul.f32 v20, v0;
	v22 =	vor.u32 v3, v22  }
0x3ae: {  	v3 =	vand.u32 $0x7F, v9;
	v26 =	vld [tilespmem:s23+$0x0];
	p0 =	slt.u32 s22, $0x4180;
	v25 =	vand.u32 $0x1FFF80, v25  }
0x3af: {  	v27 =	vld [tilespmem:s23+$0x41A0];
	v25 =	vor.u32 v3, v25  }
0x3b0: {  	[tilespmem:v16+s29+$0x0] =	vst.idx.add.f32.msk $0xffff, v23;
	v23 =	vor.u32 $0x2000, v5;
	v16 =	vmul.f32 v19, v1;
	v1 =	vmov v13  }
0x3b1: {  	v13 =	vld.idx.msk [tilespmem:v17+s3+$0x0], $0xffff  }
0x3b2: {  	v21 =	vmul.f32 v21, v1;
	v19 =	vand.u32 $0xFFF, v24;
	[tilespmem:v22+s29+$0x0] =	vst.idx.add.f32.msk $0xffff, v16  }
0x3b3: {  	v16 =	vshrl.u32 v26, $0xC;
	v22 =	vand.u32 $0xFFF, v26;
	[tilespmem:v7+s29+$0x0] =	vst.idx.add.f32.msk $0xffff, v20;
	v7 =	vmov v18  }
0x3b4: {  	v20 =	vand.u32 $0x7F, v16;
	v17 =	vor.u32 $0x1000, v22;
	v18 =	vadd.s32 $0x1000, v16;
	[tilespmem:v25+s29+$0x0] =	vst.idx.add.f32.msk $0xffff, v21  }
0x3b5: {  	v21 =	vor.u32 $0x2000, v22;
	v25 =	vadd.s32 $0x2000, v16;
	v18 =	vand.u32 $0x1FFF80, v18;
	v23 =	vld.idx.msk [tilespmem:v23+s3+$0x0], $0xffff  }
0x3b6: {  	v26 =	vor.u32 v20, v18;
	v18 =	vand.u32 $0x1FFF80, v25;
	v25 =	vadd.s32 $0x2000, v9;
	v28 =	vld.idx.msk [tilespmem:v8+s3+$0x0], $0xffff;
	v8 =	vmovc v14  }
0x3b7: {  	v30 =	vmul.f32 v13, v2;
	v18 =	vor.u32 v20, v18;
	v29 =	vld.idx.msk [tilespmem:v19+s3+$0x0], $0xffff;
	v25 =	vand.u32 $0x1FFF80, v25  }
0x3b8: {  	v31 =	vadd.s32 $0x3000, v16;
	v14 =	vor.u32 $0x3000, v22;
	v13 =	vld [tilespmem:s23+$0x41B0];
	v25 =	vor.u32 v3, v25  }
0x3b9: {  	v32 =	vor.u32 $0x3000, v5;
	v5 =	vmov v19;
	v31 =	vand.u32 $0x1FFF80, v31;
	v22 =	vld.idx.msk [tilespmem:v22+s3+$0x0], $0xffff  }
0x3ba: {  	v24 =	vshrl.u32 v24, $0xC;
	v19 =	vor.u32 v20, v31;
	[tilespmem:v15+s29+$0x0] =	vst.idx.add.f32.msk $0xffff, v30;
	v15 =	vmov v26  }
0x3bb: {  	v26 =	vor.u32 $0x1000, v5;
	v23 =	vmul.f32 v23, v1;
	v20 =	vld.idx.msk [tilespmem:v12+s3+$0x0], $0xffff;
	v12 =	vmov v21  }
.Ltmp13:
0x3bc: {  	[tilespmem:v4+s29+$0x0] =	vst.idx.add.f32.msk $0xffff, v11;
	v11 =	vmul.f32 v28, v0;
	v0 =	vmovc v2;
	v2 =	vmov v27;
	v4 =	vmov v6;
	(pc) =	sbr.rel @p0 .LBB2_28-.Ltmp13, $4  }
0x3bd: {  	v6 =	vmov v10;
	v10 =	vmov v19;
	v21 =	vmul.f32 v29, v13;
	[tilespmem:v25+s29+$0x0] =	vst.idx.add.f32.msk $0xffff, v23  }
0x3be: {  	v19 =	vld.idx.msk [tilespmem:v32+s3+$0x0], $0xffff  }
0x3bf: {  	v23 =	vmul.f32 v22, v2;
	v22 =	vadd.s32 $0x3000, v9;
	v9 =	vmov v24;
	[tilespmem:v24+s29+$0x0] =	vst.idx.add.f32.msk $0xffff, v21  }
0x3c0: {  	s23 =	sadd.s32 $0x20, s23;
	v22 =	vand.u32 $0x1FFF80, v22;
	v21 =	vld.idx.msk [tilespmem:v26+s3+$0x0], $0xffff  }
0x3c1: {  	_ =	sdelay $0x2  }
0x3c2: {  	v24 =	vadd.s32 $0x1000, v9  }
0x3c3: {  	[tilespmem:v16+s29+$0x0] =	vst.idx.add.f32.msk $0xffff, v23;
	v52 =	vand.u32 $0x7F, v9;
	v53 =	vand.u32 $0x1FFF80, v24  }
0x3c4: {  	v17 =	vld.idx.msk [tilespmem:v17+s3+$0x0], $0xffff;
	v23 =	vor.u32 v52, v53  }
0x3c5: {  	v54 =	vor.u32 $0x2000, v5;
	_ =	sdelay $0x1  }
0x3c6: {  	v21 =	vmul.f32 v21, v13;
	_ =	sdelay $0x1  }
0x3c7: {  	v17 =	vmul.f32 v17, v2;
	[tilespmem:v23+s29+$0x0] =	vst.idx.add.f32.msk $0xffff, v21  }
0x3c8: {  	v55 =	vadd.s32 $0x2000, v9;
	v21 =	vld.idx.msk [tilespmem:v54+s3+$0x0], $0xffff  }
0x3c9: {  	v23 =	vand.u32 $0x1FFF80, v55;
	[tilespmem:v15+s29+$0x0] =	vst.idx.add.f32.msk $0xffff, v17  }
0x3ca: {  	v56 =	vor.u32 v52, v23;
	v12 =	vld.idx.msk [tilespmem:v12+s3+$0x0], $0xffff  }
0x3cb: {  	v57 =	vmul.f32 v20, v0;
	v58 =	vor.u32 $0x3000, v5;
	_ =	sdelay $0x1  }
0x3cc: {  	[tilespmem:v7+s29+$0x0] =	vst.idx.add.f32.msk $0xffff, v57;
	v59 =	vmul.f32 v21, v13  }
0x3cd: {  	v8 =	vld.idx.msk [tilespmem:v8+s3+$0x0], $0xffff  }
0x3ce: {  	v60 =	vmul.f32 v12, v2;
	[tilespmem:v56+s29+$0x0] =	vst.idx.add.f32.msk $0xffff, v59  }
0x3cf: {  	v3 =	vor.u32 v3, v22;
	v61 =	vadd.s32 $0x3000, v9;
	v5 =	vld.idx.msk [tilespmem:v58+s3+$0x0], $0xffff  }
0x3d0: {  	v9 =	vand.u32 $0x1FFF80, v61;
	[tilespmem:v18+s29+$0x0] =	vst.idx.add.f32.msk $0xffff, v60  }
0x3d1: {  	v62 =	vor.u32 v52, v9;
	v63 =	vld.idx.msk [tilespmem:v14+s3+$0x0], $0xffff  }
0x3d2: {  	v1 =	vmul.f32 v19, v1;
	_ =	sdelay $0x1  }
0x3d3: {  	[tilespmem:v3+s29+$0x0] =	vst.idx.add.f32.msk $0xffff, v1;
	v1 =	vmul.f32 v5, v13  }
0x3d4: {  	[tilespmem:v4+s29+$0x0] =	vst.idx.add.f32.msk $0xffff, v11;
	v0 =	vmul.f32 v8, v0  }
0x3d5: {  	[tilespmem:v62+s29+$0x0] =	vst.idx.add.f32.msk $0xffff, v1;
	v1 =	vmul.f32 v63, v2  }
0x3d6: {  	[tilespmem:v6+s29+$0x0] =	vst.idx.add.f32.msk $0xffff, v0  }
0x3d7: {  	[tilespmem:v10+s29+$0x0] =	vst.idx.add.f32.msk $0xffff, v1  }
0x3d8: {  	[hbm4b:s19+s3] =	stream.linear.scatter [tilespmem:s29], [sflag:$0x3], $0x4000, $0x38;
	[tilespmem:$0x19380] =	vst v63  }
0x3d9: {  	_ =	swait.ge [sflag:s30], $0x4000  }
0x3da: {  	[sflag:s30] =	ssyncset.done $0x0  }
0x3db: {  	[sflag:s30] =	ssyncadd.s32 $0xFFFFC000  }
0x3dc: {  	_ =	swait.ge [sflag:s2], $0x4000  }
0x3dd: {  	[sflag:s2] =	ssyncset.done $0x0  }
0x3de: {  	s4 =	simm.s32 $0x183A0;
	[sflag:s2] =	ssyncadd.s32 $0xFFFFC000  }
0x3df: {  	v0 =	vld [tilespmem:s4+$0x10]  }
0x3e0: {  	v2 =	vld [tilespmem:s4+$0xFFFFFFE0]  }
0x3e1: {  	v3 =	vld [tilespmem:s4+$0xFFFFFFF0];
	_ =	sdelay $0x1  }
0x3e2: {  	s22 =	simm.s32 $0xE010  }
0x3e3: {  	[tilespmem:s22+$0x1020] =	vst v0  }
0x3e4: {  	v1 =	vld [tilespmem:s4+$0x0];
	[tilespmem:s22+$0xFFFFDFF0] =	vst v2  }
0x3e5: {  	[tilespmem:s22+$0xFFFFE000] =	vst v3  }
0x3e6: {  	[tilespmem:s22+$0xFFFFF000] =	vst v3  }
0x3e7: {  	[tilespmem:s22+$0x0] =	vst v3  }
0x3e8: {  	[tilespmem:s22+$0x1000] =	vst v3  }
0x3e9: {  	s23 =	simm.s32 $0x0;
	[tilespmem:s22+$0xFFFFE010] =	vst v1  }
0x3ea: {  	s5 =	sand.u32 $0xFC0, s23;
	[tilespmem:s22+$0xFFFFF010] =	vst v1  }
0x3eb: {  	[tilespmem:s5+$0xD000] =	vst v2  }
0x3ec: {  	[tilespmem:s5+$0xE000] =	vst v2  }
0x3ed: {  	s4 =	simm.s32 $0x183E0;
	[tilespmem:s5+$0xF000] =	vst v2  }
.LBB2_30:
0x3ee: {  	v2 =	vld [tilespmem:s4+$0x10];
	[tilespmem:s22+$0x10] =	vst v1  }
0x3ef: {  	v3 =	vld [tilespmem:s4+$0xFFFFFFE0];
	[tilespmem:s22+$0x1010] =	vst v1  }
0x3f0: {  	v4 =	vld [tilespmem:s4+$0xFFFFFFF0];
	[tilespmem:s22+$0xFFFFE020] =	vst v0  }
0x3f1: {  	v1 =	vld [tilespmem:s4+$0x0];
	[tilespmem:s22+$0xFFFFF020] =	vst v0  }
0x3f2: {  	[tilespmem:s22+$0x20] =	vst v0;
	s22 =	sadd.s32 $0x40, s22  }
0x3f3: {  	s23 =	sadd.s32 $0x40, s23;
	s5 =	simm.s32 $0x10000;
	[tilespmem:s22+$0x1020] =	vst v2;
	v0 =	vmov v2  }
0x3f4: {  	s6 =	sand.u32 $0xFC0, s23;
	p0 =	slt.u32 s23, $0xFC0;
	[tilespmem:s22+$0xFFFFDFF0] =	vst v3  }
0x3f5: {  	[tilespmem:s6+$0xD000] =	vst v3  }
0x3f6: {  	[tilespmem:s6+$0xE000] =	vst v3  }
0x3f7: {  	[tilespmem:s6+$0xF000] =	vst v3  }
0x3f8: {  	[tilespmem:s22+$0xFFFFE000] =	vst v4  }
.Ltmp14:
0x3f9: {  	[tilespmem:s22+$0xFFFFF000] =	vst v4;
	(pc) =	sbr.rel @p0 .LBB2_30-.Ltmp14, $4  }
0x3fa: {  	[tilespmem:s22+$0x0] =	vst v4  }
0x3fb: {  	[tilespmem:s22+$0x1000] =	vst v4  }
0x3fc: {  	[tilespmem:s22+$0xFFFFE010] =	vst v1  }
0x3fd: {  	s4 =	sadd.s32 $0x40, s4;
	[tilespmem:s22+$0xFFFFF010] =	vst v1  }
0x3fe: {  	[tilespmem:s22+$0x10] =	vst v1  }
0x3ff: {  	[tilespmem:s22+$0x1010] =	vst v1  }
0x400: {  	[tilespmem:s22+$0xFFFFE020] =	vst v0  }
0x401: {  	[tilespmem:s22+$0xFFFFF020] =	vst v0  }
0x402: {  	[tilespmem:s22+$0x20] =	vst v0  }
0x403: {  	v0 =	vld [tilespmem:s5+$0x10];
	_ =	sdelay $0x4  }
0x404: {  	v2 =	vand.u32 $0xFFF, v0  }
0x405: {  	v1 =	vld [tilespmem:s5+$0x0];
	_ =	sdelay $0x2  }
0x406: {  	v4 =	vld [tilespmem:s5+$0x41B0]  }
0x407: {  	v3 =	vld.idx.msk [tilespmem:v2+s28+$0x0], $0xffff  }
0x408: {  	v5 =	vand.u32 $0xFFF, v1  }
0x409: {  	v6 =	vshrl.u32 v0, $0xC;
	_ =	sdelay $0x1  }
0x40a: {  	v0 =	vor.u32 $0x1000, v2  }
0x40b: {  	v11 =	vld [tilespmem:s5+$0x41A0];
	v3 =	vmul.f32 v3, v4  }
0x40c: {  	v7 =	vld.idx.msk [tilespmem:v5+s28+$0x0], $0xffff  }
0x40d: {  	s4 =	simm.s32 $0x10020;
	[tilespmem:v6+s31+$0x0] =	vst.idx.add.f32.msk $0xffff, v3  }
0x40e: {  	v8 =	vshrl.u32 v1, $0xC;
	v3 =	vld [tilespmem:s4+$0x10]  }
0x40f: {  	v1 =	vadd.s32 $0x1000, v6;
	v9 =	vor.u32 $0x1000, v5;
	v0 =	vld.idx.msk [tilespmem:v0+s28+$0x0], $0xffff  }
0x410: {  	v12 =	vld [tilespmem:s4+$0x0];
	v10 =	vand.u32 $0x7F, v6;
	v1 =	vand.u32 $0x1FFF80, v1  }
0x411: {  	v1 =	vor.u32 v10, v1;
	v7 =	vmul.f32 v7, v11;
	_ =	sdelay $0x1  }
0x412: {  	v13 =	vor.u32 $0x2000, v2;
	[tilespmem:v8+s31+$0x0] =	vst.idx.add.f32.msk $0xffff, v7  }
0x413: {  	v7 =	vadd.s32 $0x1000, v8;
	v9 =	vld.idx.msk [tilespmem:v9+s28+$0x0], $0xffff;
	v14 =	vand.u32 $0xFFF, v3;
	v0 =	vmul.f32 v0, v4  }
0x414: {  	v16 =	vand.u32 $0xFFF, v12;
	v15 =	vand.u32 $0x7F, v8;
	v7 =	vand.u32 $0x1FFF80, v7  }
0x415: {  	v7 =	vor.u32 v15, v7;
	[tilespmem:v1+s31+$0x0] =	vst.idx.add.f32.msk $0xffff, v0  }
0x416: {  	v1 =	vld [tilespmem:s4+$0x41B0]  }
0x417: {  	v17 =	vor.u32 $0x2000, v5;
	v0 =	vadd.s32 $0x2000, v6;
	v13 =	vld.idx.msk [tilespmem:v13+s28+$0x0], $0xffff  }
0x418: {  	v9 =	vmul.f32 v9, v11;
	v0 =	vand.u32 $0x1FFF80, v0;
	v18 =	vld.idx.msk [tilespmem:v14+s28+$0x0], $0xffff  }
0x419: {  	v20 =	vld.idx.msk [tilespmem:v16+s28+$0x0], $0xffff;
	v19 =	vor.u32 v10, v0  }
0x41a: {  	v2 =	vor.u32 $0x3000, v2;
	[tilespmem:v7+s31+$0x0] =	vst.idx.add.f32.msk $0xffff, v9  }
0x41b: {  	v0 =	vld [tilespmem:s4+$0x41A0]  }
0x41c: {  	s23 =	simm.s32 $0x10040;
	v21 =	vshrl.u32 v3, $0xC;
	v9 =	vld.idx.msk [tilespmem:v17+s28+$0x0], $0xffff;
	v3 =	vmul.f32 v13, v4  }
0x41d: {  	v7 =	vor.u32 $0x1000, v14;
	v13 =	vmul.f32 v18, v1;
	v18 =	vld [tilespmem:s23+$0x10]  }
0x41e: {  	v12 =	vshrl.u32 v12, $0xC;
	[tilespmem:v19+s31+$0x0] =	vst.idx.add.f32.msk $0xffff, v3  }
0x41f: {  	v3 =	vadd.s32 $0x3000, v6;
	v6 =	vor.u32 $0x1000, v16;
	v17 =	vld.idx.msk [tilespmem:v2+s28+$0x0], $0xffff  }
0x420: {  	v19 =	vmul.f32 v20, v0;
	v20 =	vld [tilespmem:s23+$0x0];
	v2 =	vadd.s32 $0x2000, v8;
	v3 =	vand.u32 $0x1FFF80, v3  }
0x421: {  	[tilespmem:v21+s31+$0x0] =	vst.idx.add.f32.msk $0xffff, v13;
	v2 =	vand.u32 $0x1FFF80, v2;
	v10 =	vor.u32 v10, v3  }
0x422: {  	v7 =	vld.idx.msk [tilespmem:v7+s28+$0x0], $0xffff;
	v13 =	vor.u32 v15, v2;
	v2 =	vadd.s32 $0x1000, v21  }
0x423: {  	v3 =	vand.u32 $0x7F, v21;
	[tilespmem:v12+s31+$0x0] =	vst.idx.add.f32.msk $0xffff, v19;
	v22 =	vand.u32 $0x1FFF80, v2  }
0x424: {  	v23 =	vor.u32 $0x3000, v5;
	v2 =	vld [tilespmem:s23+$0x41A0];
	v22 =	vor.u32 v3, v22;
	v17 =	vmul.f32 v17, v4  }
0x425: {  	v5 =	vadd.s32 $0x3000, v8;
	v9 =	vmul.f32 v9, v11;
	v8 =	vor.u32 $0x2000, v14;
	v19 =	vld.idx.msk [tilespmem:v6+s28+$0x0], $0xffff  }
0x426: {  	v4 =	vand.u32 $0x1FFF80, v5;
	v5 =	vand.u32 $0xFFF, v18;
	[tilespmem:v10+s31+$0x0] =	vst.idx.add.f32.msk $0xffff, v17  }
0x427: {  	v6 =	vadd.s32 $0x1000, v12;
	v25 =	vand.u32 $0xFFF, v20;
	v7 =	vmul.f32 v7, v1;
	[tilespmem:v13+s31+$0x0] =	vst.idx.add.f32.msk $0xffff, v9  }
0x428: {  	v6 =	vand.u32 $0x1FFF80, v6;
	v4 =	vor.u32 v15, v4;
	v10 =	vand.u32 $0x7F, v12;
	v13 =	vld [tilespmem:s23+$0x41B0]  }
0x429: {  	v15 =	vor.u32 $0x2000, v16;
	v9 =	vadd.s32 $0x2000, v12;
	v24 =	vor.u32 v10, v6;
	[tilespmem:v22+s31+$0x0] =	vst.idx.add.f32.msk $0xffff, v7  }
0x42a: {  	v6 =	vand.u32 $0x1FFF80, v9;
	v9 =	vadd.s32 $0x3000, v12;
	v12 =	vld.idx.msk [tilespmem:v8+s28+$0x0], $0xffff;
	v8 =	vadd.s32 $0x2000, v21  }
0x42b: {  	v7 =	vor.u32 v10, v6;
	v6 =	vand.u32 $0x1FFF80, v9;
	v22 =	vld.idx.msk [tilespmem:v5+s28+$0x0], $0xffff;
	v9 =	vand.u32 $0x1FFF80, v8  }
0x42c: {  	v14 =	vor.u32 $0x3000, v14;
	v23 =	vld.idx.msk [tilespmem:v23+s28+$0x0], $0xffff;
	v6 =	vor.u32 v10, v6;
	v10 =	vor.u32 v3, v9  }
0x42d: {  	v63 =	vor.u32 $0x1000, v5;
	v19 =	vmul.f32 v19, v0;
	v27 =	vld.idx.msk [tilespmem:v25+s28+$0x0], $0xffff;
	v9 =	vshrl.u32 v18, $0xC  }
0x42e: {  	v17 =	vor.u32 $0x1000, v25;
	v8 =	vor.u32 $0x3000, v16;
	v16 =	vshrl.u32 v20, $0xC  }
0x42f: {  	v26 =	vand.u32 $0x7F, v16;
	v18 =	vadd.s32 $0x1000, v16;
	[tilespmem:v24+s31+$0x0] =	vst.idx.add.f32.msk $0xffff, v19;
	v19 =	vmul.f32 v12, v1  }
0x430: {  	v28 =	vadd.s32 $0x2000, v16;
	v18 =	vand.u32 $0x1FFF80, v18;
	v20 =	vld.idx.msk [tilespmem:v15+s28+$0x0], $0xffff;
	v22 =	vmul.f32 v22, v13  }
0x431: {  	v28 =	vand.u32 $0x1FFF80, v28;
	v11 =	vmul.f32 v23, v11;
	v15 =	vor.u32 v26, v18;
	[tilespmem:v10+s31+$0x0] =	vst.idx.add.f32.msk $0xffff, v19  }
0x432: {  	v29 =	vadd.s32 $0x3000, v16;
	v18 =	vor.u32 v26, v28;
	v23 =	vmul.f32 v27, v2;
	[tilespmem:v9+s31+$0x0] =	vst.idx.add.f32.msk $0xffff, v22  }
0x433: {  	v12 =	vor.u32 $0x2000, v25;
	v10 =	vand.u32 $0x1FFF80, v29;
	v22 =	vadd.s32 $0x3000, v21;
	v19 =	vld.idx.msk [tilespmem:v14+s28+$0x0], $0xffff  }
0x434: {  	s22 =	simm.s32 $0x40;
	s23 =	simm.s32 $0x10060;
	v14 =	vor.u32 $0x3000, v25;
	v10 =	vor.u32 v26, v10;
	v21 =	vld.idx.msk [tilespmem:v63+s28+$0x0], $0xffff;
	v22 =	vand.u32 $0x1FFF80, v22  }
.LBB2_32:
0x435: {  	v24 =	vld [tilespmem:s23+$0x10];
	s22 =	sadd.s32 $0x20, s22;
	v25 =	vadd.s32 $0x1000, v9;
	v20 =	vmul.f32 v20, v0;
	v22 =	vor.u32 v3, v22  }
0x436: {  	v3 =	vand.u32 $0x7F, v9;
	v26 =	vld [tilespmem:s23+$0x0];
	p0 =	slt.u32 s22, $0x4180;
	v25 =	vand.u32 $0x1FFF80, v25  }
0x437: {  	v27 =	vld [tilespmem:s23+$0x41A0];
	v25 =	vor.u32 v3, v25  }
0x438: {  	[tilespmem:v16+s31+$0x0] =	vst.idx.add.f32.msk $0xffff, v23;
	v23 =	vor.u32 $0x2000, v5;
	v16 =	vmul.f32 v19, v1;
	v1 =	vmov v13  }
0x439: {  	v13 =	vld.idx.msk [tilespmem:v17+s28+$0x0], $0xffff  }
0x43a: {  	v21 =	vmul.f32 v21, v1;
	v19 =	vand.u32 $0xFFF, v24;
	[tilespmem:v22+s31+$0x0] =	vst.idx.add.f32.msk $0xffff, v16  }
0x43b: {  	v16 =	vshrl.u32 v26, $0xC;
	v22 =	vand.u32 $0xFFF, v26;
	[tilespmem:v7+s31+$0x0] =	vst.idx.add.f32.msk $0xffff, v20;
	v7 =	vmov v18  }
0x43c: {  	v20 =	vand.u32 $0x7F, v16;
	v17 =	vor.u32 $0x1000, v22;
	v18 =	vadd.s32 $0x1000, v16;
	[tilespmem:v25+s31+$0x0] =	vst.idx.add.f32.msk $0xffff, v21  }
0x43d: {  	v21 =	vor.u32 $0x2000, v22;
	v25 =	vadd.s32 $0x2000, v16;
	v18 =	vand.u32 $0x1FFF80, v18;
	v23 =	vld.idx.msk [tilespmem:v23+s28+$0x0], $0xffff  }
0x43e: {  	v26 =	vor.u32 v20, v18;
	v18 =	vand.u32 $0x1FFF80, v25;
	v25 =	vadd.s32 $0x2000, v9;
	v28 =	vld.idx.msk [tilespmem:v8+s28+$0x0], $0xffff;
	v8 =	vmovc v14  }
0x43f: {  	v30 =	vmul.f32 v13, v2;
	v18 =	vor.u32 v20, v18;
	v29 =	vld.idx.msk [tilespmem:v19+s28+$0x0], $0xffff;
	v25 =	vand.u32 $0x1FFF80, v25  }
0x440: {  	v31 =	vadd.s32 $0x3000, v16;
	v14 =	vor.u32 $0x3000, v22;
	v13 =	vld [tilespmem:s23+$0x41B0];
	v25 =	vor.u32 v3, v25  }
0x441: {  	v32 =	vor.u32 $0x3000, v5;
	v5 =	vmov v19;
	v31 =	vand.u32 $0x1FFF80, v31;
	v22 =	vld.idx.msk [tilespmem:v22+s28+$0x0], $0xffff  }
0x442: {  	v24 =	vshrl.u32 v24, $0xC;
	v19 =	vor.u32 v20, v31;
	[tilespmem:v15+s31+$0x0] =	vst.idx.add.f32.msk $0xffff, v30;
	v15 =	vmov v26  }
0x443: {  	v26 =	vor.u32 $0x1000, v5;
	v23 =	vmul.f32 v23, v1;
	v20 =	vld.idx.msk [tilespmem:v12+s28+$0x0], $0xffff;
	v12 =	vmov v21  }
.Ltmp15:
0x444: {  	[tilespmem:v4+s31+$0x0] =	vst.idx.add.f32.msk $0xffff, v11;
	v11 =	vmul.f32 v28, v0;
	v0 =	vmovc v2;
	v2 =	vmov v27;
	v4 =	vmov v6;
	(pc) =	sbr.rel @p0 .LBB2_32-.Ltmp15, $4  }
0x445: {  	v6 =	vmov v10;
	v10 =	vmov v19;
	v21 =	vmul.f32 v29, v13;
	[tilespmem:v25+s31+$0x0] =	vst.idx.add.f32.msk $0xffff, v23  }
0x446: {  	v19 =	vld.idx.msk [tilespmem:v32+s28+$0x0], $0xffff  }
0x447: {  	v23 =	vmul.f32 v22, v2;
	v22 =	vadd.s32 $0x3000, v9;
	v9 =	vmov v24;
	[tilespmem:v24+s31+$0x0] =	vst.idx.add.f32.msk $0xffff, v21  }
0x448: {  	s23 =	sadd.s32 $0x20, s23;
	v22 =	vand.u32 $0x1FFF80, v22;
	v21 =	vld.idx.msk [tilespmem:v26+s28+$0x0], $0xffff  }
0x449: {  	_ =	sdelay $0x2  }
0x44a: {  	v24 =	vadd.s32 $0x1000, v9  }
0x44b: {  	[tilespmem:v16+s31+$0x0] =	vst.idx.add.f32.msk $0xffff, v23;
	v49 =	vand.u32 $0x7F, v9;
	v50 =	vand.u32 $0x1FFF80, v24  }
0x44c: {  	v17 =	vld.idx.msk [tilespmem:v17+s28+$0x0], $0xffff;
	v23 =	vor.u32 v49, v50  }
0x44d: {  	v51 =	vor.u32 $0x2000, v5;
	_ =	sdelay $0x1  }
0x44e: {  	v21 =	vmul.f32 v21, v13;
	_ =	sdelay $0x1  }
0x44f: {  	v17 =	vmul.f32 v17, v2;
	[tilespmem:v23+s31+$0x0] =	vst.idx.add.f32.msk $0xffff, v21  }
0x450: {  	v52 =	vadd.s32 $0x2000, v9;
	v21 =	vld.idx.msk [tilespmem:v51+s28+$0x0], $0xffff  }
0x451: {  	v23 =	vand.u32 $0x1FFF80, v52;
	[tilespmem:v15+s31+$0x0] =	vst.idx.add.f32.msk $0xffff, v17  }
0x452: {  	v53 =	vor.u32 v49, v23;
	v12 =	vld.idx.msk [tilespmem:v12+s28+$0x0], $0xffff  }
0x453: {  	v54 =	vmul.f32 v20, v0;
	v55 =	vor.u32 $0x3000, v5;
	_ =	sdelay $0x1  }
0x454: {  	[tilespmem:v7+s31+$0x0] =	vst.idx.add.f32.msk $0xffff, v54;
	v56 =	vmul.f32 v21, v13  }
0x455: {  	v8 =	vld.idx.msk [tilespmem:v8+s28+$0x0], $0xffff  }
0x456: {  	v57 =	vmul.f32 v12, v2;
	[tilespmem:v53+s31+$0x0] =	vst.idx.add.f32.msk $0xffff, v56  }
0x457: {  	v5 =	vld.idx.msk [tilespmem:v55+s28+$0x0], $0xffff  }
0x458: {  	v3 =	vor.u32 v3, v22;
	v58 =	vadd.s32 $0x3000, v9;
	[tilespmem:v18+s31+$0x0] =	vst.idx.add.f32.msk $0xffff, v57  }
0x459: {  	v9 =	vand.u32 $0x1FFF80, v58;
	v60 =	vld.idx.msk [tilespmem:v14+s28+$0x0], $0xffff  }
0x45a: {  	v59 =	vor.u32 v49, v9  }
0x45b: {  	v1 =	vmul.f32 v19, v1  }
0x45c: {  	[tilespmem:v4+s31+$0x0] =	vst.idx.add.f32.msk $0xffff, v11;
	v62 =	vmul.f32 v8, v0  }
0x45d: {  	[tilespmem:v3+s31+$0x0] =	vst.idx.add.f32.msk $0xffff, v1;
	v61 =	vmul.f32 v5, v13  }
0x45e: {  	[tilespmem:v6+s31+$0x0] =	vst.idx.add.f32.msk $0xffff, v62;
	v63 =	vmul.f32 v60, v2  }
0x45f: {  	[tilespmem:v59+s31+$0x0] =	vst.idx.add.f32.msk $0xffff, v61  }
0x460: {  	s1 =	sadd.s32 $0x1, s1;
	[tilespmem:v10+s31+$0x0] =	vst.idx.add.f32.msk $0xffff, v63  }
0x461: {  	[hbm4b:s20+s3] =	stream.linear.scatter [tilespmem:s31], [sflag:$0x4], $0x4000, $0x38;
	[tilespmem:$0x19380] =	vst v63  }
0x462: {  	p0 =	sne.s32 s1, s21;
	_ =	swait.ge [sflag:s0], $0x4000  }
.Ltmp16:
0x463: {  	[sflag:s0] =	ssyncset.done $0x0;
	(pc) =	sbr.rel @p0 .LBB2_1-.Ltmp16, $4  }
0x464: {  	[sflag:s0] =	ssyncadd.s32 $0xFFFFC000  }
0x465: {  	_ =	swait.ge [sflag:s2], $0x4000  }
0x466: {  	[sflag:s2] =	ssyncset.done $0x0  }
0x467: {  	[sflag:s2] =	ssyncadd.s32 $0xFFFFC000  }
0x468: {  	_ =	sfence.sel $0x180000  }
0x469: {  	[bflag:$0x0] =	sbarrier.arrive $0xFFFF  }
0x46a: {  	_ =	strace $0x90000047  }
0x46b: {  	s0 =	stileid.u32;
	[bflag:$0x2] =	sbarrier.arrive $0xFFFF  }
0x46c: {  	p0 =	sne.s32 s0, $0x0;
	s0 =	rddreg [dreg:$0x3]  }
0x46d: {  	s0 =	sadd.s32 @!p0 $0x100000, s0  }
0x46e: {  	[sflag:s0] =	ssyncadd.tile.s32 @!p0 $0x1;
	_ =	shalt  }
.Lfunc_end2:
_tile_overlayer_lowered:
.L_overlay_start_2:
0x46f: {  	(tag) =	ssettag $0x2  }
0x470: {  	s0 =	rddreg [dreg:$0x0];
	s2 =	stileid.u32  }
0x471: {  	s1 =	rddreg [dreg:$0x1];
	p0 =	sne.s32 s2, $0x0  }
0x472: {  	s3 =	rddreg [dreg:$0x2];
	[bflag:$0x3] =	sbarrier.arrive $0xFFFF;
	s2 =	simm.s32 @!p0 $0x1C07  }
0x473: {  	[timem:s3], [sflag:s2] =	dma.local @!p0 [hbm:s0], s1  }
0x474: {  	s0 =	simm.s32 @!p0 $0x7  }
0x475: {  	_ =	swait.ge @!p0 [sflag:s0], s1  }
0x476: {  	s1 =	ssub.s32 @!p0 $0x0, s1;
	[sflag:s0] =	ssyncset.done @!p0 $0x0  }
0x477: {  	[sflag:s0] =	ssyncadd.s32 @!p0 s1  }
0x478: {  	[bflag:$0x3] =	sbarrier.arrive $0xFFFF  }
0x479: {  	_ =	shalt  }

</sc_bundles>
